<compile_context>
chip_gen: v7x
topology: tpu7x:2x2x1
jax: 0.10.2.dev20260603
libtpu: 0.0.44.dev20260713+nightly
codegen_flags: <defaults>
</compile_context>

<pallas_src>
import functools

import numpy as np
import jax
import jax.numpy as jnp
from jax import lax
from jax.experimental import pallas as pl
from jax.experimental.pallas import tpu as pltpu
from jax.experimental.pallas import tpu_sc as plsc

N_NODES = 10000
E_EDGES = 160000
W = 16
GW = 32
SW = 32
CHUNK = 128
NWORK = 32
E_PAD = 163840
CH_TOT = E_PAD // CHUNK
CH_W = CH_TOT // NWORK
E_W = E_PAD // NWORK
N_ACC = 10240
NR_T = N_ACC // 16
EB = 1024

_f32 = jnp.float32


def _mesh():
    return plsc.VectorSubcoreMesh(core_axis_name="c", subcore_axis_name="s")


SLAB = 8
NSLAB = CH_W // SLAB
SLAB_R = SLAB * CHUNK
GCH = 512
GCH_TOT = E_PAD // GCH
GCH_W = E_W // GCH


def _sc_gather(gtab, colc):

    @functools.partial(
        pl.kernel,
        mesh=_mesh(),
        compiler_params=pltpu.CompilerParams(use_tc_tiling_on_sc=False),
        out_type=jax.ShapeDtypeStruct((E_PAD, GW), _f32),
        scratch_types=[
            pltpu.VMEM((GCH_W, GCH), jnp.int32),
            pltpu.VMEM((GCH, GW), _f32),
            pltpu.VMEM((GCH, GW), _f32),
            pltpu.SemaphoreType.DMA,
            pltpu.SemaphoreType.DMA,
            pltpu.SemaphoreType.DMA,
            pltpu.SemaphoreType.DMA,
        ],
    )
    def k(g_hbm, col_hbm, out_hbm, idx_v, buf0, buf1, g0, g1, o0, o1):
        wid = lax.axis_index("s") * 2 + lax.axis_index("c")
        pltpu.sync_copy(col_hbm.at[pl.ds(wid * GCH_W, GCH_W)], idx_v)
        bufs = (buf0, buf1)
        gsems = (g0, g1)
        osems = (o0, o1)

        def fire(j, b, gs):
            pltpu.async_copy(g_hbm.at[idx_v.at[j]], b, gs)

        def drain(sem, b):
            pltpu.make_async_copy(g_hbm.at[pl.ds(0, GCH)], b, sem).wait()

        fire(0, bufs[0], gsems[0])

        def body(j, carry):
            def step(p, q):
                drain(gsems[p], bufs[p])

                @pl.when(j < GCH_W - 1)
                def _():
                    @pl.when(j >= 1)
                    def _():
                        drain(osems[q], bufs[q])

                    fire(j + 1, bufs[q], gsems[q])

                pltpu.async_copy(
                    bufs[p],
                    out_hbm.at[pl.ds(wid * E_W + j * GCH, GCH)],
                    osems[p],
                )

            @pl.when(lax.rem(j, 2) == 0)
            def _():
                step(0, 1)

            @pl.when(lax.rem(j, 2) == 1)
            def _():
                step(1, 0)

            return carry

        lax.fori_loop(0, GCH_W, body, 0)
        drain(osems[(GCH_W - 2) % 2], bufs[(GCH_W - 2) % 2])
        drain(osems[(GCH_W - 1) % 2], bufs[(GCH_W - 1) % 2])

    return k(gtab, colc)


def _sc_scatter(vals, rowc, zrows):

    @functools.partial(
        pl.kernel,
        mesh=_mesh(),
        compiler_params=pltpu.CompilerParams(use_tc_tiling_on_sc=False),
        out_type=jax.ShapeDtypeStruct((2 * N_ACC, SW), _f32),
        scratch_types=[
            pltpu.VMEM((CH_W, CHUNK), jnp.int32),
            pltpu.VMEM((SLAB_R, SW), _f32),
            pltpu.VMEM_SHARED((N_ACC, SW), _f32),
        ],
    )
    def k(vals_hbm, row_hbm, z_hbm, out_hbm, idx_v, buf, acc_sh):
        c = lax.axis_index("c")
        s = lax.axis_index("s")
        wid = s * 2 + c

        pltpu.sync_copy(z_hbm, acc_sh.at[pl.ds(s * NR_T, NR_T)])
        pltpu.sync_copy(row_hbm.at[pl.ds(wid * CH_W, CH_W)], idx_v)
        plsc.subcore_barrier()

        def body(j, carry):
            pltpu.sync_copy(
                vals_hbm.at[pl.ds(wid * E_W + j * SLAB_R, SLAB_R)], buf)
            for kk in range(SLAB):
                pltpu.sync_copy(
                    buf.at[pl.ds(kk * CHUNK, CHUNK)],
                    acc_sh.at[idx_v.at[j * SLAB + kk]],
                    add=True,
                )
            return carry

        lax.fori_loop(0, NSLAB, body, 0)
        plsc.subcore_barrier()
        pltpu.sync_copy(
            acc_sh.at[pl.ds(s * NR_T, NR_T)],
            out_hbm.at[pl.ds(c * N_ACC + s * NR_T, NR_T)],
        )

    return k(vals, rowc, zrows)


def _tc_edge(ea, hg4, k0_W, k0_b, k1_W, k1_b, k2_W, k2_b, c0_W, c0_b,
             c1_W, tmat, smat, sel, oh19, oh20):
    QB = EB // 4

    def body(ea_ref, g_ref, w0, b0, w1, b1, w2, b2, c0w, c0b, c1w,
             t_ref, s_ref, sel_ref, oh19_ref, oh20_ref, out_ref):
        i = pl.program_id(0)
        blk = g_ref[...]
        hgb = jnp.concatenate([blk[:, 32 * q:32 * (q + 1)] for q in range(4)],
                              axis=0)
        h = hgb[:, :W]
        cg = hgb[:, W:W + 3]
        a = jnp.maximum(jnp.dot(ea_ref[...], w0[...], preferred_element_type=_f32) + b0[...], 0.0)
        a = jnp.maximum(jnp.dot(a, w1[...], preferred_element_type=_f32) + b1[...], 0.0)
        kv = jnp.dot(a, w2[...], preferred_element_type=_f32) + b2[...]
        hrep = jnp.dot(h, t_ref[...], preferred_element_type=_f32)
        mwide = jnp.dot(kv * hrep, s_ref[...], preferred_element_type=_f32)
        m = mwide[:, :W]
        t = jnp.maximum(jnp.dot(m, c0w[...], preferred_element_type=_f32) + c0b[...], 0.0)
        phi = jnp.dot(t, c1w[...], preferred_element_type=_f32)
        out = mwide + phi * (hgb * sel_ref[...] + oh19_ref[...]) + oh20_ref[...]
        last = E_EDGES // EB

        def store(o):
            out_ref[...] = jnp.concatenate(
                [o[q * QB:(q + 1) * QB] for q in range(4)], axis=1)

        @pl.when(i < last)
        def _():
            store(out)

        @pl.when(i >= last)
        def _():
            eid = i * EB + lax.broadcasted_iota(jnp.int32, (EB, 1), 0)
            store(jnp.where(eid < E_EDGES, out, 0.0))

    full = lambda shape: pl.BlockSpec(shape, lambda i: (0, 0))
    return pl.pallas_call(
        body,
        grid=(E_PAD // EB,),
        in_specs=[
            pl.BlockSpec((EB, 16), lambda i: (jnp.minimum(i, E_EDGES // EB), 0)),
            pl.BlockSpec((QB, 128), lambda i: (i, 0)),
            full((16, 32)), full((1, 32)),
            full((32, 64)), full((1, 64)),
            full((64, 256)), full((1, 256)),
            full((16, 16)), full((1, 16)), full((16, 1)),
            full((16, 256)), full((256, SW)),
            full((1, SW)), full((1, SW)), full((1, SW)),
        ],
        out_specs=pl.BlockSpec((QB, 128), lambda i: (i, 0)),
        out_shape=jax.ShapeDtypeStruct((E_PAD // 4, 128), _f32),
    )(ea, hg4, k0_W, k0_b, k1_W, k1_b, k2_W, k2_b, c0_W, c0_b, c1_W,
      tmat, smat, sel, oh19, oh20)


def _tc_prep(x, coords, fc1_W, fc1_b):

    def body(x_ref, c_ref, w_ref, b_ref, g_ref):
        h = jnp.dot(x_ref[...], w_ref[...], preferred_element_type=_f32) + b_ref[...]
        z = jnp.zeros((N_NODES, GW - W - 3), _f32)
        g_ref[...] = jnp.concatenate([h, c_ref[...], z], axis=1)

    return pl.pallas_call(
        body,
        out_shape=jax.ShapeDtypeStruct((N_NODES, GW), _f32),
    )(x, coords, fc1_W, fc1_b)


def _tc_node(gtab, parts, root_W, node_b):

    def body(g_ref, p_ref, rw, nb, gout_ref, cnt_ref):
        P = p_ref[:N_NODES, :] + p_ref[N_ACC:N_ACC + N_NODES, :]
        cnt = jnp.maximum(P[:, 20:21], 1.0)
        agg = P[:, :W] / cnt
        h = g_ref[:, :W]
        c3 = g_ref[:, W:W + 3]
        hn = jnp.maximum(jnp.dot(h, rw[...], preferred_element_type=_f32) + agg + nb[...], 0.0)
        c3n = c3 + (c3 * P[:, 19:20] - P[:, 16:19]) / cnt
        z = jnp.zeros((N_NODES, GW - W - 3), _f32)
        gout_ref[...] = jnp.concatenate([hn, c3n, z], axis=1)
        cnt_ref[...] = cnt

    return pl.pallas_call(
        body,
        out_shape=(
            jax.ShapeDtypeStruct((N_NODES, GW), _f32),
            jax.ShapeDtypeStruct((N_NODES, 1), _f32),
        ),
    )(gtab, parts, root_W, node_b)


def _tc_final(gtab, parts, cnt, root_W, node_b, f2a_W, f2a_b, f2b_W, f2b_b):

    def body(g_ref, p_ref, cnt_ref, rw, nb, aw, ab, bw, bb, out_ref, c_ref):
        P = p_ref[:N_NODES, :] + p_ref[N_ACC:N_ACC + N_NODES, :]
        cnt = cnt_ref[...]
        agg = P[:, :W] / cnt
        h = g_ref[:, :W]
        c3 = g_ref[:, W:W + 3]
        hn = jnp.maximum(jnp.dot(h, rw[...], preferred_element_type=_f32) + agg + nb[...], 0.0)
        c_ref[...] = c3 + (c3 * P[:, 19:20] - P[:, 16:19]) / cnt
        a = jnp.maximum(jnp.dot(hn, aw[...], preferred_element_type=_f32) + ab[...], 0.0)
        out_ref[...] = jnp.dot(a, bw[...], preferred_element_type=_f32) + bb[...]

    return pl.pallas_call(
        body,
        out_shape=(
            jax.ShapeDtypeStruct((N_NODES, 1), _f32),
            jax.ShapeDtypeStruct((N_NODES, 3), _f32),
        ),
    )(gtab, parts, cnt, root_W, node_b, f2a_W, f2a_b, f2b_W, f2b_b)


_j = np.arange(163840)
_PERM_NP = ((_j // 1024) * 1024 + (_j % 4) * 256 + (_j % 1024) // 4).astype(np.int32)
del _j

_T_NP = np.tile(np.eye(16, dtype=np.float32), (1, 16))
_S_NP = np.zeros((256, 32), np.float32)
_S_NP[:, :16] = np.kron(np.eye(16, dtype=np.float32), np.ones((16, 1), np.float32))
_SEL_NP = np.zeros((1, 32), np.float32); _SEL_NP[0, 16:19] = 1.0
_OH19_NP = np.zeros((1, 32), np.float32); _OH19_NP[0, 19] = 1.0
_OH20_NP = np.zeros((1, 32), np.float32); _OH20_NP[0, 20] = 1.0


def kernel(x, edge_index, edge_attr, coords_init, fc1_W, fc1_b, k0_W, k0_b,
           k1_W, k1_b, k2_W, k2_b, root_W, node_b, c0_W, c0_b, c1_W,
           f2a_W, f2a_b, f2b_W, f2b_b):
    row = edge_index[0]
    col = edge_index[1]
    pad = E_PAD - E_EDGES
    perm = jnp.asarray(_PERM_NP)
    colc = jnp.pad(col, (0, pad))[perm].reshape(GCH_TOT, GCH)
    rowc = jnp.pad(row, (0, pad))[perm].reshape(CH_TOT, CHUNK)

    tmat = jnp.asarray(_T_NP)
    smat = jnp.asarray(_S_NP)
    sel = jnp.asarray(_SEL_NP)
    oh19 = jnp.asarray(_OH19_NP)
    oh20 = jnp.asarray(_OH20_NP)
    gtab = _tc_prep(x, coords_init, fc1_W, fc1_b.reshape(1, -1))
    zrows = jnp.zeros((NR_T, SW), _f32)

    def layer(gtab):
        hg = _sc_gather(gtab, colc)
        hg4 = jnp.reshape(hg, (E_PAD // 4, 128))
        ev4 = _tc_edge(edge_attr, hg4, k0_W, k0_b.reshape(1, -1), k1_W,
                       k1_b.reshape(1, -1), k2_W, k2_b.reshape(1, -1), c0_W,
                       c0_b.reshape(1, -1), c1_W, tmat, smat, sel, oh19, oh20)
        ev = jnp.reshape(ev4, (E_PAD, SW))
        return _sc_scatter(ev, rowc, zrows)

    parts = layer(gtab)
    gtab, cnt = _tc_node(gtab, parts, root_W, node_b.reshape(1, -1))

    parts = layer(gtab)
    out, coords = _tc_final(gtab, parts, cnt, root_W, node_b.reshape(1, -1),
                            f2a_W, f2a_b.reshape(1, -1), f2b_W, f2b_b.reshape(1, -1))
    return (out, coords)

# --- scband reference (transcript-rebuilt; emitter-appended) ---
"""Pipeline reference for scband-egkn-32452772888798 (READ-ONLY COPY).

The authoritative reference and input builder live on the scoring server;
editing this copy changes nothing except your own understanding.
"""

import jax, jax.numpy as jnp
import numpy as np

N = 10000
E = 160000
WIDTH = 16
KER_WIDTH = 64
DEPTH = 2
KER_IN = 16
IN_WIDTH = 3
OUT_WIDTH = 1


def _lin_init(key, fan_in, fan_out):
    return jax.random.normal(key, (fan_in, fan_out), dtype=jnp.float32) / np.sqrt(fan_in)


def setup_inputs(seed: int = 0):
    key = jax.random.key(seed)
    ks = jax.random.split(key, 24)
    inp = {}
    inp["x"] = jax.random.normal(ks[0], (N, IN_WIDTH), dtype=jnp.float32)
    inp["edge_index"] = jax.random.randint(ks[1], (2, E), 0, N, dtype=jnp.int32)
    inp["edge_attr"] = jax.random.uniform(ks[2], (E, KER_IN), dtype=jnp.float32)
    inp["coords_init"] = jax.random.normal(ks[3], (N, 3), dtype=jnp.float32)
    inp["fc1_W"] = _lin_init(ks[4], IN_WIDTH, WIDTH)
    inp["fc1_b"] = jnp.zeros((WIDTH,), jnp.float32)
    inp["k0_W"] = _lin_init(ks[5], KER_IN, KER_WIDTH // 2)
    inp["k0_b"] = jnp.zeros((KER_WIDTH // 2,), jnp.float32)
    inp["k1_W"] = _lin_init(ks[6], KER_WIDTH // 2, KER_WIDTH)
    inp["k1_b"] = jnp.zeros((KER_WIDTH,), jnp.float32)
    inp["k2_W"] = _lin_init(ks[7], KER_WIDTH, WIDTH * WIDTH)
    inp["k2_b"] = jnp.zeros((WIDTH * WIDTH,), jnp.float32)
    inp["root_W"] = _lin_init(ks[8], WIDTH, WIDTH)
    inp["node_b"] = jnp.zeros((WIDTH,), jnp.float32)
    inp["c0_W"] = _lin_init(ks[9], WIDTH, WIDTH)
    inp["c0_b"] = jnp.zeros((WIDTH,), jnp.float32)
    inp["c1_W"] = _lin_init(ks[10], WIDTH, 1)
    inp["f2a_W"] = _lin_init(ks[11], WIDTH, WIDTH * 2)
    inp["f2a_b"] = jnp.zeros((WIDTH * 2,), jnp.float32)
    inp["f2b_W"] = _lin_init(ks[12], WIDTH * 2, OUT_WIDTH)
    inp["f2b_b"] = jnp.zeros((OUT_WIDTH,), jnp.float32)
    return inp


def reference(x, edge_index, edge_attr, coords_init, fc1_W, fc1_b, k0_W, k0_b, k1_W, k1_b, k2_W, k2_b, root_W, node_b, c0_W, c0_b, c1_W, f2a_W, f2a_b, f2b_W, f2b_b):
    row = edge_index[0]
    col = edge_index[1]
    # fc1: lift node features to width
    h = x @ fc1_W + fc1_b
    coords = coords_init
    ones = jnp.ones((E, 1), dtype=jnp.float32)
    cnt = jax.ops.segment_sum(ones, row, num_segments=N)
    cnt = jnp.clip(cnt, 1.0, None)
    for _ in range(DEPTH):
        # DenseNet kernel: [ker_in, ker_width//2, ker_width, width**2], ReLU between layers
        k = jax.nn.relu(edge_attr @ k0_W + k0_b)
        k = jax.nn.relu(k @ k1_W + k1_b)
        k = k @ k2_W + k2_b
        Kmat = k.reshape(E, WIDTH, WIDTH)
        # GKN-style edge message: m_ij = K(e_ij) h_j  (gather h at source nodes)
        m = jnp.einsum('eij,ej->ei', Kmat, h[col])
        # mean aggregation (scatter-add + degree normalize) onto destination nodes
        agg = jax.ops.segment_sum(m, row, num_segments=N) / cnt
        # EGNN-style equivariant coordinate update
        phi = jax.nn.relu(m @ c0_W + c0_b) @ c1_W
        coord_diff = coords[row] - coords[col]
        trans = coord_diff * phi
        coords = coords + jax.ops.segment_sum(trans, row, num_segments=N) / cnt
        # node update with root weight (NNConv-style) + activation
        h = jax.nn.relu(h @ root_W + agg + node_b)
    # fc2: Linear(width, 2*width) -> act -> Linear(2*width, out_width)
    out = jax.nn.relu(h @ f2a_W + f2a_b) @ f2b_W + f2b_b
    return (out, coords)

if __name__ == "__main__":
    import jax
    _d = setup_inputs()
    print(jax.jit(kernel)(*tuple(_d.values())))

</pallas_src>

<mosaic_0001>
#map = affine_map<(d0, d1) -> (0, 0)>
module attributes {stable_mosaic.version = 14 : i64} {
  func.func @k(%arg0: i32, %arg1: i32, %arg2: memref<163840x32xf32, #tpu.memory_space<hbm>>, %arg3: memref<1280x128xi32, #tpu.memory_space<hbm>>, %arg4: memref<640x32xf32, #tpu.memory_space<hbm>>, %arg5: memref<20480x32xf32, #tpu.memory_space<hbm>>, %arg6: memref<40x128xi32, #tpu.memory_space<vmem>>, %arg7: memref<1024x32xf32, #tpu.memory_space<vmem>>, %arg8: memref<10240x32xf32, #tpu.memory_space<vmem_shared>>) attributes {dimension_semantics = [#tpu.dimension_semantics<core_parallel>, #tpu.dimension_semantics<subcore_parallel>], iteration_bounds = array<i64: 2, 16>, scalar_prefetch = 0 : i64, scratch_operands = 3 : i64, tpu.core_type = #tpu.core_type<sc_vector_subcore>, window_params = [{transform_indices = #map}, {transform_indices = #map}, {transform_indices = #map}, {transform_indices = #map}]} {
    %mul3A = arith.constant 2 : i32
    %mul3A_0 = arith.muli %arg1, %mul3A : i32
    %add3A = arith.addi %mul3A_0, %arg0 : i32
    %mul3A_1 = arith.constant 640 : i32
    %mul3A_2 = arith.muli %arg1, %mul3A_1 : i32
    "tpu.region"() ({
      %run_scoped3A = tpu.sem_alloc : memref<!tpu.dma_semaphore, #tpu.memory_space<semaphore_mem>>
      %dma_start3A = arith.constant 0 : i32
      %dma_start3A_18 = tpu.memref_slice %arg8[%mul3A_2, %dma_start3A] : memref<10240x32xf32, #tpu.memory_space<vmem_shared>> -> memref<640x32xf32, #tpu.memory_space<vmem_shared>>
      tpu.enqueue_dma source(%arg4 : memref<640x32xf32, #tpu.memory_space<hbm>>) target(%dma_start3A_18 : memref<640x32xf32, #tpu.memory_space<vmem_shared>>) target_semaphore(%run_scoped3A : memref<!tpu.dma_semaphore, #tpu.memory_space<semaphore_mem>>)
      %dma_wait3A = arith.constant 0 : i32
      %dma_wait3A_19 = tpu.memref_slice %arg8[%mul3A_2, %dma_wait3A] : memref<10240x32xf32, #tpu.memory_space<vmem_shared>> -> memref<640x32xf32, #tpu.memory_space<vmem_shared>>
      tpu.wait_dma2 semaphore(%run_scoped3A : memref<!tpu.dma_semaphore, #tpu.memory_space<semaphore_mem>>) src(%arg4 : memref<640x32xf32, #tpu.memory_space<hbm>>) dst(%dma_wait3A_19 : memref<640x32xf32, #tpu.memory_space<vmem_shared>>)
      tpu.yield
    }) : () -> ()
    %mul3A_3 = arith.constant 40 : i32
    %mul3A_4 = arith.muli %add3A, %mul3A_3 : i32
    "tpu.region"() ({
      %run_scoped3A = tpu.sem_alloc : memref<!tpu.dma_semaphore, #tpu.memory_space<semaphore_mem>>
      %dma_start3A = arith.constant 0 : i32
      %dma_start3A_18 = tpu.memref_slice %arg3[%mul3A_4, %dma_start3A] : memref<1280x128xi32, #tpu.memory_space<hbm>> -> memref<40x128xi32, #tpu.memory_space<hbm>>
      %dma_start3A_19 = arith.constant 0 : i32
      %dma_start3A_20 = tpu.memref_slice %arg3[%mul3A_4, %dma_start3A_19] : memref<1280x128xi32, #tpu.memory_space<hbm>> -> memref<40x128xi32, #tpu.memory_space<hbm>>
      tpu.enqueue_dma source(%dma_start3A_20 : memref<40x128xi32, #tpu.memory_space<hbm>>) target(%arg6 : memref<40x128xi32, #tpu.memory_space<vmem>>) target_semaphore(%run_scoped3A : memref<!tpu.dma_semaphore, #tpu.memory_space<semaphore_mem>>)
      %dma_wait3A = arith.constant 0 : i32
      %dma_wait3A_21 = tpu.memref_slice %arg3[%mul3A_4, %dma_wait3A] : memref<1280x128xi32, #tpu.memory_space<hbm>> -> memref<40x128xi32, #tpu.memory_space<hbm>>
      %dma_wait3A_22 = arith.constant 0 : i32
      %dma_wait3A_23 = tpu.memref_slice %arg3[%mul3A_4, %dma_wait3A_22] : memref<1280x128xi32, #tpu.memory_space<hbm>> -> memref<40x128xi32, #tpu.memory_space<hbm>>
      tpu.wait_dma2 semaphore(%run_scoped3A : memref<!tpu.dma_semaphore, #tpu.memory_space<semaphore_mem>>) src(%dma_wait3A_23 : memref<40x128xi32, #tpu.memory_space<hbm>>) dst(%arg6 : memref<40x128xi32, #tpu.memory_space<vmem>>)
      tpu.yield
    }) : () -> ()
    %barrier3A = arith.constant 0 : index
    tpu.barrier barrier_id(%barrier3A)
    %scan3A = arith.constant 0 : i32
    %scan3A_5 = arith.constant 0 : i32
    %scan3A_6 = arith.constant 5 : i32
    %scan3A_7 = arith.addi %scan3A_5, %scan3A_6 : i32
    %scan3A_8 = arith.constant 1 : i32
    scf.for %scan3A_18 = %scan3A_5 to %scan3A_7 step %scan3A_8  : i32 {
      %mul3A_19 = arith.constant 5120 : i32
      %mul3A_20 = arith.muli %add3A, %mul3A_19 : i32
      %mul3A_21 = arith.constant 1024 : i32
      %mul3A_22 = arith.muli %scan3A_18, %mul3A_21 : i32
      %add3A_23 = arith.addi %mul3A_20, %mul3A_22 : i32
      "tpu.region"() ({
        %run_scoped3A = tpu.sem_alloc : memref<!tpu.dma_semaphore, #tpu.memory_space<semaphore_mem>>
        %dma_start3A = arith.constant 0 : i32
        %dma_start3A_56 = tpu.memref_slice %arg2[%add3A_23, %dma_start3A] : memref<163840x32xf32, #tpu.memory_space<hbm>> -> memref<1024x32xf32, #tpu.memory_space<hbm>>
        %dma_start3A_57 = arith.constant 0 : i32
        %dma_start3A_58 = tpu.memref_slice %arg2[%add3A_23, %dma_start3A_57] : memref<163840x32xf32, #tpu.memory_space<hbm>> -> memref<1024x32xf32, #tpu.memory_space<hbm>>
        tpu.enqueue_dma source(%dma_start3A_58 : memref<1024x32xf32, #tpu.memory_space<hbm>>) target(%arg7 : memref<1024x32xf32, #tpu.memory_space<vmem>>) target_semaphore(%run_scoped3A : memref<!tpu.dma_semaphore, #tpu.memory_space<semaphore_mem>>)
        %dma_wait3A = arith.constant 0 : i32
        %dma_wait3A_59 = tpu.memref_slice %arg2[%add3A_23, %dma_wait3A] : memref<163840x32xf32, #tpu.memory_space<hbm>> -> memref<1024x32xf32, #tpu.memory_space<hbm>>
        %dma_wait3A_60 = arith.constant 0 : i32
        %dma_wait3A_61 = tpu.memref_slice %arg2[%add3A_23, %dma_wait3A_60] : memref<163840x32xf32, #tpu.memory_space<hbm>> -> memref<1024x32xf32, #tpu.memory_space<hbm>>
        tpu.wait_dma2 semaphore(%run_scoped3A : memref<!tpu.dma_semaphore, #tpu.memory_space<semaphore_mem>>) src(%dma_wait3A_61 : memref<1024x32xf32, #tpu.memory_space<hbm>>) dst(%arg7 : memref<1024x32xf32, #tpu.memory_space<vmem>>)
        tpu.yield
      }) : () -> ()
      %mul3A_24 = arith.constant 8 : i32
      %mul3A_25 = arith.muli %scan3A_18, %mul3A_24 : i32
      %add3A_26 = arith.constant 0 : i32
      %add3A_27 = arith.addi %mul3A_25, %add3A_26 : i32
      "tpu.region"() ({
        %run_scoped3A = tpu.sem_alloc : memref<!tpu.dma_semaphore, #tpu.memory_space<semaphore_mem>>
        %dma_start3A = arith.constant 0 : i32
        %dma_start3A_56 = arith.constant 0 : i32
        %dma_start3A_57 = tpu.memref_slice %arg7[%dma_start3A, %dma_start3A_56] : memref<1024x32xf32, #tpu.memory_space<vmem>> -> memref<128x32xf32, #tpu.memory_space<vmem>>
        %dma_start3A_58 = arith.constant 0 : i32
        %dma_start3A_59 = tpu.memref_slice %arg6[%add3A_27, %dma_start3A_58] : memref<40x128xi32, #tpu.memory_space<vmem>> -> memref<1x128xi32, #tpu.memory_space<vmem>>
        %dma_start3A_60 = tpu.memref_squeeze %dma_start3A_59 : memref<1x128xi32, #tpu.memory_space<vmem>> -> memref<128xi32, #tpu.memory_space<vmem>>
        %dma_start3A_61 = arith.constant 0 : i32
        %dma_start3A_62 = arith.constant 0 : i32
        %dma_start3A_63 = tpu.memref_slice %arg8[%dma_start3A_61, %dma_start3A_62] : memref<10240x32xf32, #tpu.memory_space<vmem_shared>> -> memref<10240x32xf32, #tpu.memory_space<vmem_shared>>
        tpu.enqueue_indirect_dma source(%dma_start3A_57 : memref<128x32xf32, #tpu.memory_space<vmem>>) target(%dma_start3A_63 : memref<10240x32xf32, #tpu.memory_space<vmem_shared>>) offsets(%dma_start3A_60 : memref<128xi32, #tpu.memory_space<vmem>>) semaphore(%run_scoped3A : memref<!tpu.dma_semaphore, #tpu.memory_space<semaphore_mem>>) {add = true}
        %dma_wait3A = arith.constant 0 : i32
        %dma_wait3A_64 = arith.constant 0 : i32
        %dma_wait3A_65 = tpu.memref_slice %arg7[%dma_wait3A, %dma_wait3A_64] : memref<1024x32xf32, #tpu.memory_space<vmem>> -> memref<128x32xf32, #tpu.memory_space<vmem>>
        %dma_wait3A_66 = arith.constant 0 : i32
        %dma_wait3A_67 = tpu.memref_slice %arg6[%add3A_27, %dma_wait3A_66] : memref<40x128xi32, #tpu.memory_space<vmem>> -> memref<1x128xi32, #tpu.memory_space<vmem>>
        %dma_wait3A_68 = tpu.memref_squeeze %dma_wait3A_67 : memref<1x128xi32, #tpu.memory_space<vmem>> -> memref<128xi32, #tpu.memory_space<vmem>>
        %dma_wait3A_69 = arith.constant 0 : i32
        %dma_wait3A_70 = arith.constant 0 : i32
        %dma_wait3A_71 = tpu.memref_slice %arg8[%dma_wait3A_69, %dma_wait3A_70] : memref<10240x32xf32, #tpu.memory_space<vmem_shared>> -> memref<10240x32xf32, #tpu.memory_space<vmem_shared>>
        tpu.wait_indirect_dma semaphore(%run_scoped3A : memref<!tpu.dma_semaphore, #tpu.memory_space<semaphore_mem>>) src(%dma_wait3A_65 : memref<128x32xf32, #tpu.memory_space<vmem>>) dst(%dma_wait3A_71 : memref<10240x32xf32, #tpu.memory_space<vmem_shared>>)
        tpu.yield
      }) : () -> ()
      %mul3A_28 = arith.constant 8 : i32
      %mul3A_29 = arith.muli %scan3A_18, %mul3A_28 : i32
      %add3A_30 = arith.constant 1 : i32
      %add3A_31 = arith.addi %mul3A_29, %add3A_30 : i32
      "tpu.region"() ({
        %run_scoped3A = tpu.sem_alloc : memref<!tpu.dma_semaphore, #tpu.memory_space<semaphore_mem>>
        %dma_start3A = arith.constant 128 : i32
        %dma_start3A_56 = arith.constant 0 : i32
        %dma_start3A_57 = tpu.memref_slice %arg7[%dma_start3A, %dma_start3A_56] : memref<1024x32xf32, #tpu.memory_space<vmem>> -> memref<128x32xf32, #tpu.memory_space<vmem>>
        %dma_start3A_58 = arith.constant 0 : i32
        %dma_start3A_59 = tpu.memref_slice %arg6[%add3A_31, %dma_start3A_58] : memref<40x128xi32, #tpu.memory_space<vmem>> -> memref<1x128xi32, #tpu.memory_space<vmem>>
        %dma_start3A_60 = tpu.memref_squeeze %dma_start3A_59 : memref<1x128xi32, #tpu.memory_space<vmem>> -> memref<128xi32, #tpu.memory_space<vmem>>
        %dma_start3A_61 = arith.constant 0 : i32
        %dma_start3A_62 = arith.constant 0 : i32
        %dma_start3A_63 = tpu.memref_slice %arg8[%dma_start3A_61, %dma_start3A_62] : memref<10240x32xf32, #tpu.memory_space<vmem_shared>> -> memref<10240x32xf32, #tpu.memory_space<vmem_shared>>
        tpu.enqueue_indirect_dma source(%dma_start3A_57 : memref<128x32xf32, #tpu.memory_space<vmem>>) target(%dma_start3A_63 : memref<10240x32xf32, #tpu.memory_space<vmem_shared>>) offsets(%dma_start3A_60 : memref<128xi32, #tpu.memory_space<vmem>>) semaphore(%run_scoped3A : memref<!tpu.dma_semaphore, #tpu.memory_space<semaphore_mem>>) {add = true}
        %dma_wait3A = arith.constant 128 : i32
        %dma_wait3A_64 = arith.constant 0 : i32
        %dma_wait3A_65 = tpu.memref_slice %arg7[%dma_wait3A, %dma_wait3A_64] : memref<1024x32xf32, #tpu.memory_space<vmem>> -> memref<128x32xf32, #tpu.memory_space<vmem>>
        %dma_wait3A_66 = arith.constant 0 : i32
        %dma_wait3A_67 = tpu.memref_slice %arg6[%add3A_31, %dma_wait3A_66] : memref<40x128xi32, #tpu.memory_space<vmem>> -> memref<1x128xi32, #tpu.memory_space<vmem>>
        %dma_wait3A_68 = tpu.memref_squeeze %dma_wait3A_67 : memref<1x128xi32, #tpu.memory_space<vmem>> -> memref<128xi32, #tpu.memory_space<vmem>>
        %dma_wait3A_69 = arith.constant 0 : i32
        %dma_wait3A_70 = arith.constant 0 : i32
        %dma_wait3A_71 = tpu.memref_slice %arg8[%dma_wait3A_69, %dma_wait3A_70] : memref<10240x32xf32, #tpu.memory_space<vmem_shared>> -> memref<10240x32xf32, #tpu.memory_space<vmem_shared>>
        tpu.wait_indirect_dma semaphore(%run_scoped3A : memref<!tpu.dma_semaphore, #tpu.memory_space<semaphore_mem>>) src(%dma_wait3A_65 : memref<128x32xf32, #tpu.memory_space<vmem>>) dst(%dma_wait3A_71 : memref<10240x32xf32, #tpu.memory_space<vmem_shared>>)
        tpu.yield
      }) : () -> ()
      %mul3A_32 = arith.constant 8 : i32
      %mul3A_33 = arith.muli %scan3A_18, %mul3A_32 : i32
      %add3A_34 = arith.constant 2 : i32
      %add3A_35 = arith.addi %mul3A_33, %add3A_34 : i32
      "tpu.region"() ({
        %run_scoped3A = tpu.sem_alloc : memref<!tpu.dma_semaphore, #tpu.memory_space<semaphore_mem>>
        %dma_start3A = arith.constant 256 : i32
        %dma_start3A_56 = arith.constant 0 : i32
        %dma_start3A_57 = tpu.memref_slice %arg7[%dma_start3A, %dma_start3A_56] : memref<1024x32xf32, #tpu.memory_space<vmem>> -> memref<128x32xf32, #tpu.memory_space<vmem>>
        %dma_start3A_58 = arith.constant 0 : i32
        %dma_start3A_59 = tpu.memref_slice %arg6[%add3A_35, %dma_start3A_58] : memref<40x128xi32, #tpu.memory_space<vmem>> -> memref<1x128xi32, #tpu.memory_space<vmem>>
        %dma_start3A_60 = tpu.memref_squeeze %dma_start3A_59 : memref<1x128xi32, #tpu.memory_space<vmem>> -> memref<128xi32, #tpu.memory_space<vmem>>
        %dma_start3A_61 = arith.constant 0 : i32
        %dma_start3A_62 = arith.constant 0 : i32
        %dma_start3A_63 = tpu.memref_slice %arg8[%dma_start3A_61, %dma_start3A_62] : memref<10240x32xf32, #tpu.memory_space<vmem_shared>> -> memref<10240x32xf32, #tpu.memory_space<vmem_shared>>
        tpu.enqueue_indirect_dma source(%dma_start3A_57 : memref<128x32xf32, #tpu.memory_space<vmem>>) target(%dma_start3A_63 : memref<10240x32xf32, #tpu.memory_space<vmem_shared>>) offsets(%dma_start3A_60 : memref<128xi32, #tpu.memory_space<vmem>>) semaphore(%run_scoped3A : memref<!tpu.dma_semaphore, #tpu.memory_space<semaphore_mem>>) {add = true}
        %dma_wait3A = arith.constant 256 : i32
        %dma_wait3A_64 = arith.constant 0 : i32
        %dma_wait3A_65 = tpu.memref_slice %arg7[%dma_wait3A, %dma_wait3A_64] : memref<1024x32xf32, #tpu.memory_space<vmem>> -> memref<128x32xf32, #tpu.memory_space<vmem>>
        %dma_wait3A_66 = arith.constant 0 : i32
        %dma_wait3A_67 = tpu.memref_slice %arg6[%add3A_35, %dma_wait3A_66] : memref<40x128xi32, #tpu.memory_space<vmem>> -> memref<1x128xi32, #tpu.memory_space<vmem>>
        %dma_wait3A_68 = tpu.memref_squeeze %dma_wait3A_67 : memref<1x128xi32, #tpu.memory_space<vmem>> -> memref<128xi32, #tpu.memory_space<vmem>>
        %dma_wait3A_69 = arith.constant 0 : i32
        %dma_wait3A_70 = arith.constant 0 : i32
        %dma_wait3A_71 = tpu.memref_slice %arg8[%dma_wait3A_69, %dma_wait3A_70] : memref<10240x32xf32, #tpu.memory_space<vmem_shared>> -> memref<10240x32xf32, #tpu.memory_space<vmem_shared>>
        tpu.wait_indirect_dma semaphore(%run_scoped3A : memref<!tpu.dma_semaphore, #tpu.memory_space<semaphore_mem>>) src(%dma_wait3A_65 : memref<128x32xf32, #tpu.memory_space<vmem>>) dst(%dma_wait3A_71 : memref<10240x32xf32, #tpu.memory_space<vmem_shared>>)
        tpu.yield
      }) : () -> ()
      %mul3A_36 = arith.constant 8 : i32
      %mul3A_37 = arith.muli %scan3A_18, %mul3A_36 : i32
      %add3A_38 = arith.constant 3 : i32
      %add3A_39 = arith.addi %mul3A_37, %add3A_38 : i32
      "tpu.region"() ({
        %run_scoped3A = tpu.sem_alloc : memref<!tpu.dma_semaphore, #tpu.memory_space<semaphore_mem>>
        %dma_start3A = arith.constant 384 : i32
        %dma_start3A_56 = arith.constant 0 : i32
        %dma_start3A_57 = tpu.memref_slice %arg7[%dma_start3A, %dma_start3A_56] : memref<1024x32xf32, #tpu.memory_space<vmem>> -> memref<128x32xf32, #tpu.memory_space<vmem>>
        %dma_start3A_58 = arith.constant 0 : i32
        %dma_start3A_59 = tpu.memref_slice %arg6[%add3A_39, %dma_start3A_58] : memref<40x128xi32, #tpu.memory_space<vmem>> -> memref<1x128xi32, #tpu.memory_space<vmem>>
        %dma_start3A_60 = tpu.memref_squeeze %dma_start3A_59 : memref<1x128xi32, #tpu.memory_space<vmem>> -> memref<128xi32, #tpu.memory_space<vmem>>
        %dma_start3A_61 = arith.constant 0 : i32
        %dma_start3A_62 = arith.constant 0 : i32
        %dma_start3A_63 = tpu.memref_slice %arg8[%dma_start3A_61, %dma_start3A_62] : memref<10240x32xf32, #tpu.memory_space<vmem_shared>> -> memref<10240x32xf32, #tpu.memory_space<vmem_shared>>
        tpu.enqueue_indirect_dma source(%dma_start3A_57 : memref<128x32xf32, #tpu.memory_space<vmem>>) target(%dma_start3A_63 : memref<10240x32xf32, #tpu.memory_space<vmem_shared>>) offsets(%dma_start3A_60 : memref<128xi32, #tpu.memory_space<vmem>>) semaphore(%run_scoped3A : memref<!tpu.dma_semaphore, #tpu.memory_space<semaphore_mem>>) {add = true}
        %dma_wait3A = arith.constant 384 : i32
        %dma_wait3A_64 = arith.constant 0 : i32
        %dma_wait3A_65 = tpu.memref_slice %arg7[%dma_wait3A, %dma_wait3A_64] : memref<1024x32xf32, #tpu.memory_space<vmem>> -> memref<128x32xf32, #tpu.memory_space<vmem>>
        %dma_wait3A_66 = arith.constant 0 : i32
        %dma_wait3A_67 = tpu.memref_slice %arg6[%add3A_39, %dma_wait3A_66] : memref<40x128xi32, #tpu.memory_space<vmem>> -> memref<1x128xi32, #tpu.memory_space<vmem>>
        %dma_wait3A_68 = tpu.memref_squeeze %dma_wait3A_67 : memref<1x128xi32, #tpu.memory_space<vmem>> -> memref<128xi32, #tpu.memory_space<vmem>>
        %dma_wait3A_69 = arith.constant 0 : i32
        %dma_wait3A_70 = arith.constant 0 : i32
        %dma_wait3A_71 = tpu.memref_slice %arg8[%dma_wait3A_69, %dma_wait3A_70] : memref<10240x32xf32, #tpu.memory_space<vmem_shared>> -> memref<10240x32xf32, #tpu.memory_space<vmem_shared>>
        tpu.wait_indirect_dma semaphore(%run_scoped3A : memref<!tpu.dma_semaphore, #tpu.memory_space<semaphore_mem>>) src(%dma_wait3A_65 : memref<128x32xf32, #tpu.memory_space<vmem>>) dst(%dma_wait3A_71 : memref<10240x32xf32, #tpu.memory_space<vmem_shared>>)
        tpu.yield
      }) : () -> ()
      %mul3A_40 = arith.constant 8 : i32
      %mul3A_41 = arith.muli %scan3A_18, %mul3A_40 : i32
      %add3A_42 = arith.constant 4 : i32
      %add3A_43 = arith.addi %mul3A_41, %add3A_42 : i32
      "tpu.region"() ({
        %run_scoped3A = tpu.sem_alloc : memref<!tpu.dma_semaphore, #tpu.memory_space<semaphore_mem>>
        %dma_start3A = arith.constant 512 : i32
        %dma_start3A_56 = arith.constant 0 : i32
        %dma_start3A_57 = tpu.memref_slice %arg7[%dma_start3A, %dma_start3A_56] : memref<1024x32xf32, #tpu.memory_space<vmem>> -> memref<128x32xf32, #tpu.memory_space<vmem>>
        %dma_start3A_58 = arith.constant 0 : i32
        %dma_start3A_59 = tpu.memref_slice %arg6[%add3A_43, %dma_start3A_58] : memref<40x128xi32, #tpu.memory_space<vmem>> -> memref<1x128xi32, #tpu.memory_space<vmem>>
        %dma_start3A_60 = tpu.memref_squeeze %dma_start3A_59 : memref<1x128xi32, #tpu.memory_space<vmem>> -> memref<128xi32, #tpu.memory_space<vmem>>
        %dma_start3A_61 = arith.constant 0 : i32
        %dma_start3A_62 = arith.constant 0 : i32
        %dma_start3A_63 = tpu.memref_slice %arg8[%dma_start3A_61, %dma_start3A_62] : memref<10240x32xf32, #tpu.memory_space<vmem_shared>> -> memref<10240x32xf32, #tpu.memory_space<vmem_shared>>
        tpu.enqueue_indirect_dma source(%dma_start3A_57 : memref<128x32xf32, #tpu.memory_space<vmem>>) target(%dma_start3A_63 : memref<10240x32xf32, #tpu.memory_space<vmem_shared>>) offsets(%dma_start3A_60 : memref<128xi32, #tpu.memory_space<vmem>>) semaphore(%run_scoped3A : memref<!tpu.dma_semaphore, #tpu.memory_space<semaphore_mem>>) {add = true}
        %dma_wait3A = arith.constant 512 : i32
        %dma_wait3A_64 = arith.constant 0 : i32
        %dma_wait3A_65 = tpu.memref_slice %arg7[%dma_wait3A, %dma_wait3A_64] : memref<1024x32xf32, #tpu.memory_space<vmem>> -> memref<128x32xf32, #tpu.memory_space<vmem>>
        %dma_wait3A_66 = arith.constant 0 : i32
        %dma_wait3A_67 = tpu.memref_slice %arg6[%add3A_43, %dma_wait3A_66] : memref<40x128xi32, #tpu.memory_space<vmem>> -> memref<1x128xi32, #tpu.memory_space<vmem>>
        %dma_wait3A_68 = tpu.memref_squeeze %dma_wait3A_67 : memref<1x128xi32, #tpu.memory_space<vmem>> -> memref<128xi32, #tpu.memory_space<vmem>>
        %dma_wait3A_69 = arith.constant 0 : i32
        %dma_wait3A_70 = arith.constant 0 : i32
        %dma_wait3A_71 = tpu.memref_slice %arg8[%dma_wait3A_69, %dma_wait3A_70] : memref<10240x32xf32, #tpu.memory_space<vmem_shared>> -> memref<10240x32xf32, #tpu.memory_space<vmem_shared>>
        tpu.wait_indirect_dma semaphore(%run_scoped3A : memref<!tpu.dma_semaphore, #tpu.memory_space<semaphore_mem>>) src(%dma_wait3A_65 : memref<128x32xf32, #tpu.memory_space<vmem>>) dst(%dma_wait3A_71 : memref<10240x32xf32, #tpu.memory_space<vmem_shared>>)
        tpu.yield
      }) : () -> ()
      %mul3A_44 = arith.constant 8 : i32
      %mul3A_45 = arith.muli %scan3A_18, %mul3A_44 : i32
      %add3A_46 = arith.constant 5 : i32
      %add3A_47 = arith.addi %mul3A_45, %add3A_46 : i32
      "tpu.region"() ({
        %run_scoped3A = tpu.sem_alloc : memref<!tpu.dma_semaphore, #tpu.memory_space<semaphore_mem>>
        %dma_start3A = arith.constant 640 : i32
        %dma_start3A_56 = arith.constant 0 : i32
        %dma_start3A_57 = tpu.memref_slice %arg7[%dma_start3A, %dma_start3A_56] : memref<1024x32xf32, #tpu.memory_space<vmem>> -> memref<128x32xf32, #tpu.memory_space<vmem>>
        %dma_start3A_58 = arith.constant 0 : i32
        %dma_start3A_59 = tpu.memref_slice %arg6[%add3A_47, %dma_start3A_58] : memref<40x128xi32, #tpu.memory_space<vmem>> -> memref<1x128xi32, #tpu.memory_space<vmem>>
        %dma_start3A_60 = tpu.memref_squeeze %dma_start3A_59 : memref<1x128xi32, #tpu.memory_space<vmem>> -> memref<128xi32, #tpu.memory_space<vmem>>
        %dma_start3A_61 = arith.constant 0 : i32
        %dma_start3A_62 = arith.constant 0 : i32
        %dma_start3A_63 = tpu.memref_slice %arg8[%dma_start3A_61, %dma_start3A_62] : memref<10240x32xf32, #tpu.memory_space<vmem_shared>> -> memref<10240x32xf32, #tpu.memory_space<vmem_shared>>
        tpu.enqueue_indirect_dma source(%dma_start3A_57 : memref<128x32xf32, #tpu.memory_space<vmem>>) target(%dma_start3A_63 : memref<10240x32xf32, #tpu.memory_space<vmem_shared>>) offsets(%dma_start3A_60 : memref<128xi32, #tpu.memory_space<vmem>>) semaphore(%run_scoped3A : memref<!tpu.dma_semaphore, #tpu.memory_space<semaphore_mem>>) {add = true}
        %dma_wait3A = arith.constant 640 : i32
        %dma_wait3A_64 = arith.constant 0 : i32
        %dma_wait3A_65 = tpu.memref_slice %arg7[%dma_wait3A, %dma_wait3A_64] : memref<1024x32xf32, #tpu.memory_space<vmem>> -> memref<128x32xf32, #tpu.memory_space<vmem>>
        %dma_wait3A_66 = arith.constant 0 : i32
        %dma_wait3A_67 = tpu.memref_slice %arg6[%add3A_47, %dma_wait3A_66] : memref<40x128xi32, #tpu.memory_space<vmem>> -> memref<1x128xi32, #tpu.memory_space<vmem>>
        %dma_wait3A_68 = tpu.memref_squeeze %dma_wait3A_67 : memref<1x128xi32, #tpu.memory_space<vmem>> -> memref<128xi32, #tpu.memory_space<vmem>>
        %dma_wait3A_69 = arith.constant 0 : i32
        %dma_wait3A_70 = arith.constant 0 : i32
        %dma_wait3A_71 = tpu.memref_slice %arg8[%dma_wait3A_69, %dma_wait3A_70] : memref<10240x32xf32, #tpu.memory_space<vmem_shared>> -> memref<10240x32xf32, #tpu.memory_space<vmem_shared>>
        tpu.wait_indirect_dma semaphore(%run_scoped3A : memref<!tpu.dma_semaphore, #tpu.memory_space<semaphore_mem>>) src(%dma_wait3A_65 : memref<128x32xf32, #tpu.memory_space<vmem>>) dst(%dma_wait3A_71 : memref<10240x32xf32, #tpu.memory_space<vmem_shared>>)
        tpu.yield
      }) : () -> ()
      %mul3A_48 = arith.constant 8 : i32
      %mul3A_49 = arith.muli %scan3A_18, %mul3A_48 : i32
      %add3A_50 = arith.constant 6 : i32
      %add3A_51 = arith.addi %mul3A_49, %add3A_50 : i32
      "tpu.region"() ({
        %run_scoped3A = tpu.sem_alloc : memref<!tpu.dma_semaphore, #tpu.memory_space<semaphore_mem>>
        %dma_start3A = arith.constant 768 : i32
        %dma_start3A_56 = arith.constant 0 : i32
        %dma_start3A_57 = tpu.memref_slice %arg7[%dma_start3A, %dma_start3A_56] : memref<1024x32xf32, #tpu.memory_space<vmem>> -> memref<128x32xf32, #tpu.memory_space<vmem>>
        %dma_start3A_58 = arith.constant 0 : i32
        %dma_start3A_59 = tpu.memref_slice %arg6[%add3A_51, %dma_start3A_58] : memref<40x128xi32, #tpu.memory_space<vmem>> -> memref<1x128xi32, #tpu.memory_space<vmem>>
        %dma_start3A_60 = tpu.memref_squeeze %dma_start3A_59 : memref<1x128xi32, #tpu.memory_space<vmem>> -> memref<128xi32, #tpu.memory_space<vmem>>
        %dma_start3A_61 = arith.constant 0 : i32
        %dma_start3A_62 = arith.constant 0 : i32
        %dma_start3A_63 = tpu.memref_slice %arg8[%dma_start3A_61, %dma_start3A_62] : memref<10240x32xf32, #tpu.memory_space<vmem_shared>> -> memref<10240x32xf32, #tpu.memory_space<vmem_shared>>
        tpu.enqueue_indirect_dma source(%dma_start3A_57 : memref<128x32xf32, #tpu.memory_space<vmem>>) target(%dma_start3A_63 : memref<10240x32xf32, #tpu.memory_space<vmem_shared>>) offsets(%dma_start3A_60 : memref<128xi32, #tpu.memory_space<vmem>>) semaphore(%run_scoped3A : memref<!tpu.dma_semaphore, #tpu.memory_space<semaphore_mem>>) {add = true}
        %dma_wait3A = arith.constant 768 : i32
        %dma_wait3A_64 = arith.constant 0 : i32
        %dma_wait3A_65 = tpu.memref_slice %arg7[%dma_wait3A, %dma_wait3A_64] : memref<1024x32xf32, #tpu.memory_space<vmem>> -> memref<128x32xf32, #tpu.memory_space<vmem>>
        %dma_wait3A_66 = arith.constant 0 : i32
        %dma_wait3A_67 = tpu.memref_slice %arg6[%add3A_51, %dma_wait3A_66] : memref<40x128xi32, #tpu.memory_space<vmem>> -> memref<1x128xi32, #tpu.memory_space<vmem>>
        %dma_wait3A_68 = tpu.memref_squeeze %dma_wait3A_67 : memref<1x128xi32, #tpu.memory_space<vmem>> -> memref<128xi32, #tpu.memory_space<vmem>>
        %dma_wait3A_69 = arith.constant 0 : i32
        %dma_wait3A_70 = arith.constant 0 : i32
        %dma_wait3A_71 = tpu.memref_slice %arg8[%dma_wait3A_69, %dma_wait3A_70] : memref<10240x32xf32, #tpu.memory_space<vmem_shared>> -> memref<10240x32xf32, #tpu.memory_space<vmem_shared>>
        tpu.wait_indirect_dma semaphore(%run_scoped3A : memref<!tpu.dma_semaphore, #tpu.memory_space<semaphore_mem>>) src(%dma_wait3A_65 : memref<128x32xf32, #tpu.memory_space<vmem>>) dst(%dma_wait3A_71 : memref<10240x32xf32, #tpu.memory_space<vmem_shared>>)
        tpu.yield
      }) : () -> ()
      %mul3A_52 = arith.constant 8 : i32
      %mul3A_53 = arith.muli %scan3A_18, %mul3A_52 : i32
      %add3A_54 = arith.constant 7 : i32
      %add3A_55 = arith.addi %mul3A_53, %add3A_54 : i32
      "tpu.region"() ({
        %run_scoped3A = tpu.sem_alloc : memref<!tpu.dma_semaphore, #tpu.memory_space<semaphore_mem>>
        %dma_start3A = arith.constant 896 : i32
        %dma_start3A_56 = arith.constant 0 : i32
        %dma_start3A_57 = tpu.memref_slice %arg7[%dma_start3A, %dma_start3A_56] : memref<1024x32xf32, #tpu.memory_space<vmem>> -> memref<128x32xf32, #tpu.memory_space<vmem>>
        %dma_start3A_58 = arith.constant 0 : i32
        %dma_start3A_59 = tpu.memref_slice %arg6[%add3A_55, %dma_start3A_58] : memref<40x128xi32, #tpu.memory_space<vmem>> -> memref<1x128xi32, #tpu.memory_space<vmem>>
        %dma_start3A_60 = tpu.memref_squeeze %dma_start3A_59 : memref<1x128xi32, #tpu.memory_space<vmem>> -> memref<128xi32, #tpu.memory_space<vmem>>
        %dma_start3A_61 = arith.constant 0 : i32
        %dma_start3A_62 = arith.constant 0 : i32
        %dma_start3A_63 = tpu.memref_slice %arg8[%dma_start3A_61, %dma_start3A_62] : memref<10240x32xf32, #tpu.memory_space<vmem_shared>> -> memref<10240x32xf32, #tpu.memory_space<vmem_shared>>
        tpu.enqueue_indirect_dma source(%dma_start3A_57 : memref<128x32xf32, #tpu.memory_space<vmem>>) target(%dma_start3A_63 : memref<10240x32xf32, #tpu.memory_space<vmem_shared>>) offsets(%dma_start3A_60 : memref<128xi32, #tpu.memory_space<vmem>>) semaphore(%run_scoped3A : memref<!tpu.dma_semaphore, #tpu.memory_space<semaphore_mem>>) {add = true}
        %dma_wait3A = arith.constant 896 : i32
        %dma_wait3A_64 = arith.constant 0 : i32
        %dma_wait3A_65 = tpu.memref_slice %arg7[%dma_wait3A, %dma_wait3A_64] : memref<1024x32xf32, #tpu.memory_space<vmem>> -> memref<128x32xf32, #tpu.memory_space<vmem>>
        %dma_wait3A_66 = arith.constant 0 : i32
        %dma_wait3A_67 = tpu.memref_slice %arg6[%add3A_55, %dma_wait3A_66] : memref<40x128xi32, #tpu.memory_space<vmem>> -> memref<1x128xi32, #tpu.memory_space<vmem>>
        %dma_wait3A_68 = tpu.memref_squeeze %dma_wait3A_67 : memref<1x128xi32, #tpu.memory_space<vmem>> -> memref<128xi32, #tpu.memory_space<vmem>>
        %dma_wait3A_69 = arith.constant 0 : i32
        %dma_wait3A_70 = arith.constant 0 : i32
        %dma_wait3A_71 = tpu.memref_slice %arg8[%dma_wait3A_69, %dma_wait3A_70] : memref<10240x32xf32, #tpu.memory_space<vmem_shared>> -> memref<10240x32xf32, #tpu.memory_space<vmem_shared>>
        tpu.wait_indirect_dma semaphore(%run_scoped3A : memref<!tpu.dma_semaphore, #tpu.memory_space<semaphore_mem>>) src(%dma_wait3A_65 : memref<128x32xf32, #tpu.memory_space<vmem>>) dst(%dma_wait3A_71 : memref<10240x32xf32, #tpu.memory_space<vmem_shared>>)
        tpu.yield
      }) : () -> ()
    }
    %scan3A_9 = arith.constant 5 : i32
    %barrier3A_10 = arith.constant 0 : index
    tpu.barrier barrier_id(%barrier3A_10)
    %mul3A_11 = arith.constant 640 : i32
    %mul3A_12 = arith.muli %arg1, %mul3A_11 : i32
    %mul3A_13 = arith.constant 10240 : i32
    %mul3A_14 = arith.muli %arg0, %mul3A_13 : i32
    %mul3A_15 = arith.constant 640 : i32
    %mul3A_16 = arith.muli %arg1, %mul3A_15 : i32
    %add3A_17 = arith.addi %mul3A_14, %mul3A_16 : i32
    "tpu.region"() ({
      %run_scoped3A = tpu.sem_alloc : memref<!tpu.dma_semaphore, #tpu.memory_space<semaphore_mem>>
      %dma_start3A = arith.constant 0 : i32
      %dma_start3A_18 = tpu.memref_slice %arg5[%add3A_17, %dma_start3A] : memref<20480x32xf32, #tpu.memory_space<hbm>> -> memref<640x32xf32, #tpu.memory_space<hbm>>
      %dma_start3A_19 = arith.constant 0 : i32
      %dma_start3A_20 = tpu.memref_slice %arg8[%mul3A_12, %dma_start3A_19] : memref<10240x32xf32, #tpu.memory_space<vmem_shared>> -> memref<640x32xf32, #tpu.memory_space<vmem_shared>>
      tpu.enqueue_dma source(%dma_start3A_20 : memref<640x32xf32, #tpu.memory_space<vmem_shared>>) target(%dma_start3A_18 : memref<640x32xf32, #tpu.memory_space<hbm>>) target_semaphore(%run_scoped3A : memref<!tpu.dma_semaphore, #tpu.memory_space<semaphore_mem>>)
      %dma_wait3A = arith.constant 0 : i32
      %dma_wait3A_21 = tpu.memref_slice %arg5[%add3A_17, %dma_wait3A] : memref<20480x32xf32, #tpu.memory_space<hbm>> -> memref<640x32xf32, #tpu.memory_space<hbm>>
      %dma_wait3A_22 = arith.constant 0 : i32
      %dma_wait3A_23 = tpu.memref_slice %arg8[%mul3A_12, %dma_wait3A_22] : memref<10240x32xf32, #tpu.memory_space<vmem_shared>> -> memref<640x32xf32, #tpu.memory_space<vmem_shared>>
      tpu.wait_dma2 semaphore(%run_scoped3A : memref<!tpu.dma_semaphore, #tpu.memory_space<semaphore_mem>>) src(%dma_wait3A_23 : memref<640x32xf32, #tpu.memory_space<vmem_shared>>) dst(%dma_wait3A_21 : memref<640x32xf32, #tpu.memory_space<hbm>>)
      tpu.yield
    }) : () -> ()
    return
  }
}

#map = affine_map<(d0, d1) -> (0, 0)>
module attributes {stable_mosaic.version = 14 : i64} {
  func.func @k(%arg0: i32, %arg1: i32, %arg2: memref<10000x32xf32, #tpu.memory_space<hbm>>, %arg3: memref<320x512xi32, #tpu.memory_space<hbm>>, %arg4: memref<163840x32xf32, #tpu.memory_space<hbm>>, %arg5: memref<10x512xi32, #tpu.memory_space<vmem>>, %arg6: memref<512x32xf32, #tpu.memory_space<vmem>>, %arg7: memref<512x32xf32, #tpu.memory_space<vmem>>, %arg8: memref<!tpu.dma_semaphore, #tpu.memory_space<semaphore_mem>>, %arg9: memref<!tpu.dma_semaphore, #tpu.memory_space<semaphore_mem>>, %arg10: memref<!tpu.dma_semaphore, #tpu.memory_space<semaphore_mem>>, %arg11: memref<!tpu.dma_semaphore, #tpu.memory_space<semaphore_mem>>) attributes {dimension_semantics = [#tpu.dimension_semantics<core_parallel>, #tpu.dimension_semantics<subcore_parallel>], iteration_bounds = array<i64: 2, 16>, scalar_prefetch = 0 : i64, scratch_operands = 7 : i64, tpu.core_type = #tpu.core_type<sc_vector_subcore>, window_params = [{transform_indices = #map}, {transform_indices = #map}, {transform_indices = #map}]} {
    %mul3A = arith.constant 2 : i32
    %mul3A_0 = arith.muli %arg1, %mul3A : i32
    %add3A = arith.addi %mul3A_0, %arg0 : i32
    %mul3A_1 = arith.constant 10 : i32
    %mul3A_2 = arith.muli %add3A, %mul3A_1 : i32
    "tpu.region"() ({
      %run_scoped3A = tpu.sem_alloc : memref<!tpu.dma_semaphore, #tpu.memory_space<semaphore_mem>>
      %dma_start3A_25 = arith.constant 0 : i32
      %dma_start3A_26 = tpu.memref_slice %arg3[%mul3A_2, %dma_start3A_25] : memref<320x512xi32, #tpu.memory_space<hbm>> -> memref<10x512xi32, #tpu.memory_space<hbm>>
      %dma_start3A_27 = arith.constant 0 : i32
      %dma_start3A_28 = tpu.memref_slice %arg3[%mul3A_2, %dma_start3A_27] : memref<320x512xi32, #tpu.memory_space<hbm>> -> memref<10x512xi32, #tpu.memory_space<hbm>>
      tpu.enqueue_dma source(%dma_start3A_28 : memref<10x512xi32, #tpu.memory_space<hbm>>) target(%arg5 : memref<10x512xi32, #tpu.memory_space<vmem>>) target_semaphore(%run_scoped3A : memref<!tpu.dma_semaphore, #tpu.memory_space<semaphore_mem>>)
      %dma_wait3A_29 = arith.constant 0 : i32
      %dma_wait3A_30 = tpu.memref_slice %arg3[%mul3A_2, %dma_wait3A_29] : memref<320x512xi32, #tpu.memory_space<hbm>> -> memref<10x512xi32, #tpu.memory_space<hbm>>
      %dma_wait3A_31 = arith.constant 0 : i32
      %dma_wait3A_32 = tpu.memref_slice %arg3[%mul3A_2, %dma_wait3A_31] : memref<320x512xi32, #tpu.memory_space<hbm>> -> memref<10x512xi32, #tpu.memory_space<hbm>>
      tpu.wait_dma2 semaphore(%run_scoped3A : memref<!tpu.dma_semaphore, #tpu.memory_space<semaphore_mem>>) src(%dma_wait3A_32 : memref<10x512xi32, #tpu.memory_space<hbm>>) dst(%arg5 : memref<10x512xi32, #tpu.memory_space<vmem>>)
      tpu.yield
    }) : () -> ()
    %dma_start3A = arith.constant 0 : i32
    %dma_start3A_3 = arith.constant 0 : i32
    %dma_start3A_4 = tpu.memref_slice %arg5[%dma_start3A, %dma_start3A_3] : memref<10x512xi32, #tpu.memory_space<vmem>> -> memref<1x512xi32, #tpu.memory_space<vmem>>
    %dma_start3A_5 = tpu.memref_squeeze %dma_start3A_4 : memref<1x512xi32, #tpu.memory_space<vmem>> -> memref<512xi32, #tpu.memory_space<vmem>>
    %dma_start3A_6 = arith.constant 0 : i32
    %dma_start3A_7 = arith.constant 0 : i32
    %dma_start3A_8 = tpu.memref_slice %arg2[%dma_start3A_6, %dma_start3A_7] : memref<10000x32xf32, #tpu.memory_space<hbm>> -> memref<10000x32xf32, #tpu.memory_space<hbm>>
    tpu.enqueue_indirect_dma source(%dma_start3A_8 : memref<10000x32xf32, #tpu.memory_space<hbm>>) target(%arg6 : memref<512x32xf32, #tpu.memory_space<vmem>>) offsets(%dma_start3A_5 : memref<512xi32, #tpu.memory_space<vmem>>) semaphore(%arg8 : memref<!tpu.dma_semaphore, #tpu.memory_space<semaphore_mem>>)
    %scan3A = arith.constant 0 : i32
    %scan3A_9 = arith.constant 0 : i32
    %scan3A_10 = arith.constant 10 : i32
    %scan3A_11 = arith.addi %scan3A_9, %scan3A_10 : i32
    %scan3A_12 = arith.constant 1 : i32
    scf.for %scan3A_25 = %scan3A_9 to %scan3A_11 step %scan3A_12  : i32 {
      %rem3A = arith.constant 2 : i32
      %rem3A_26 = arith.remsi %scan3A_25, %rem3A : i32
      %eq3A = arith.constant 0 : i32
      %eq3A_27 = arith.cmpi eq, %rem3A_26, %eq3A : i32
      %convert_element_type3A = arith.extui %eq3A_27 : i1 to i32
      %cond3A = arith.constant 0 : i32
      %cond3A_28 = arith.cmpi ne, %convert_element_type3A, %cond3A : i32
      scf.if %cond3A_28 {
        %dma_wait3A_36 = arith.constant 0 : i32
        %dma_wait3A_37 = arith.constant 0 : i32
        %dma_wait3A_38 = tpu.memref_slice %arg2[%dma_wait3A_36, %dma_wait3A_37] : memref<10000x32xf32, #tpu.memory_space<hbm>> -> memref<512x32xf32, #tpu.memory_space<hbm>>
        %dma_wait3A_39 = arith.constant 0 : i32
        %dma_wait3A_40 = arith.constant 0 : i32
        %dma_wait3A_41 = tpu.memref_slice %arg2[%dma_wait3A_39, %dma_wait3A_40] : memref<10000x32xf32, #tpu.memory_space<hbm>> -> memref<512x32xf32, #tpu.memory_space<hbm>>
        tpu.wait_dma2 semaphore(%arg8 : memref<!tpu.dma_semaphore, #tpu.memory_space<semaphore_mem>>) src(%dma_wait3A_41 : memref<512x32xf32, #tpu.memory_space<hbm>>) dst(%arg6 : memref<512x32xf32, #tpu.memory_space<vmem>>)
        %lt3A = arith.constant 9 : i32
        %lt3A_42 = arith.cmpi slt, %scan3A_25, %lt3A : i32
        %convert_element_type3A_43 = arith.extui %lt3A_42 : i1 to i32
        %cond3A_44 = arith.constant 0 : i32
        %cond3A_45 = arith.cmpi ne, %convert_element_type3A_43, %cond3A_44 : i32
        scf.if %cond3A_45 {
          %ge3A = arith.constant 1 : i32
          %ge3A_55 = arith.cmpi sge, %scan3A_25, %ge3A : i32
          %convert_element_type3A_56 = arith.extui %ge3A_55 : i1 to i32
          %cond3A_57 = arith.constant 0 : i32
          %cond3A_58 = arith.cmpi ne, %convert_element_type3A_56, %cond3A_57 : i32
          scf.if %cond3A_58 {
            %dma_wait3A_67 = arith.constant 0 : i32
            %dma_wait3A_68 = arith.constant 0 : i32
            %dma_wait3A_69 = tpu.memref_slice %arg2[%dma_wait3A_67, %dma_wait3A_68] : memref<10000x32xf32, #tpu.memory_space<hbm>> -> memref<512x32xf32, #tpu.memory_space<hbm>>
            %dma_wait3A_70 = arith.constant 0 : i32
            %dma_wait3A_71 = arith.constant 0 : i32
            %dma_wait3A_72 = tpu.memref_slice %arg2[%dma_wait3A_70, %dma_wait3A_71] : memref<10000x32xf32, #tpu.memory_space<hbm>> -> memref<512x32xf32, #tpu.memory_space<hbm>>
            tpu.wait_dma2 semaphore(%arg11 : memref<!tpu.dma_semaphore, #tpu.memory_space<semaphore_mem>>) src(%dma_wait3A_72 : memref<512x32xf32, #tpu.memory_space<hbm>>) dst(%arg7 : memref<512x32xf32, #tpu.memory_space<vmem>>)
          } else {
          }
          %add3A_59 = arith.constant 1 : i32
          %add3A_60 = arith.addi %scan3A_25, %add3A_59 : i32
          %dma_start3A_61 = arith.constant 0 : i32
          %dma_start3A_62 = tpu.memref_slice %arg5[%add3A_60, %dma_start3A_61] : memref<10x512xi32, #tpu.memory_space<vmem>> -> memref<1x512xi32, #tpu.memory_space<vmem>>
          %dma_start3A_63 = tpu.memref_squeeze %dma_start3A_62 : memref<1x512xi32, #tpu.memory_space<vmem>> -> memref<512xi32, #tpu.memory_space<vmem>>
          %dma_start3A_64 = arith.constant 0 : i32
          %dma_start3A_65 = arith.constant 0 : i32
          %dma_start3A_66 = tpu.memref_slice %arg2[%dma_start3A_64, %dma_start3A_65] : memref<10000x32xf32, #tpu.memory_space<hbm>> -> memref<10000x32xf32, #tpu.memory_space<hbm>>
          tpu.enqueue_indirect_dma source(%dma_start3A_66 : memref<10000x32xf32, #tpu.memory_space<hbm>>) target(%arg7 : memref<512x32xf32, #tpu.memory_space<vmem>>) offsets(%dma_start3A_63 : memref<512xi32, #tpu.memory_space<vmem>>) semaphore(%arg9 : memref<!tpu.dma_semaphore, #tpu.memory_space<semaphore_mem>>)
        } else {
        }
        %mul3A_46 = arith.constant 5120 : i32
        %mul3A_47 = arith.muli %add3A, %mul3A_46 : i32
        %mul3A_48 = arith.constant 512 : i32
        %mul3A_49 = arith.muli %scan3A_25, %mul3A_48 : i32
        %add3A_50 = arith.addi %mul3A_47, %mul3A_49 : i32
        %dma_start3A_51 = arith.constant 0 : i32
        %dma_start3A_52 = tpu.memref_slice %arg4[%add3A_50, %dma_start3A_51] : memref<163840x32xf32, #tpu.memory_space<hbm>> -> memref<512x32xf32, #tpu.memory_space<hbm>>
        %dma_start3A_53 = arith.constant 0 : i32
        %dma_start3A_54 = tpu.memref_slice %arg4[%add3A_50, %dma_start3A_53] : memref<163840x32xf32, #tpu.memory_space<hbm>> -> memref<512x32xf32, #tpu.memory_space<hbm>>
        tpu.enqueue_dma source(%arg6 : memref<512x32xf32, #tpu.memory_space<vmem>>) target(%dma_start3A_54 : memref<512x32xf32, #tpu.memory_space<hbm>>) target_semaphore(%arg10 : memref<!tpu.dma_semaphore, #tpu.memory_space<semaphore_mem>>)
      } else {
      }
      %rem3A_29 = arith.constant 2 : i32
      %rem3A_30 = arith.remsi %scan3A_25, %rem3A_29 : i32
      %eq3A_31 = arith.constant 1 : i32
      %eq3A_32 = arith.cmpi eq, %rem3A_30, %eq3A_31 : i32
      %convert_element_type3A_33 = arith.extui %eq3A_32 : i1 to i32
      %cond3A_34 = arith.constant 0 : i32
      %cond3A_35 = arith.cmpi ne, %convert_element_type3A_33, %cond3A_34 : i32
      scf.if %cond3A_35 {
        %dma_wait3A_36 = arith.constant 0 : i32
        %dma_wait3A_37 = arith.constant 0 : i32
        %dma_wait3A_38 = tpu.memref_slice %arg2[%dma_wait3A_36, %dma_wait3A_37] : memref<10000x32xf32, #tpu.memory_space<hbm>> -> memref<512x32xf32, #tpu.memory_space<hbm>>
        %dma_wait3A_39 = arith.constant 0 : i32
        %dma_wait3A_40 = arith.constant 0 : i32
        %dma_wait3A_41 = tpu.memref_slice %arg2[%dma_wait3A_39, %dma_wait3A_40] : memref<10000x32xf32, #tpu.memory_space<hbm>> -> memref<512x32xf32, #tpu.memory_space<hbm>>
        tpu.wait_dma2 semaphore(%arg9 : memref<!tpu.dma_semaphore, #tpu.memory_space<semaphore_mem>>) src(%dma_wait3A_41 : memref<512x32xf32, #tpu.memory_space<hbm>>) dst(%arg7 : memref<512x32xf32, #tpu.memory_space<vmem>>)
        %lt3A = arith.constant 9 : i32
        %lt3A_42 = arith.cmpi slt, %scan3A_25, %lt3A : i32
        %convert_element_type3A_43 = arith.extui %lt3A_42 : i1 to i32
        %cond3A_44 = arith.constant 0 : i32
        %cond3A_45 = arith.cmpi ne, %convert_element_type3A_43, %cond3A_44 : i32
        scf.if %cond3A_45 {
          %ge3A = arith.constant 1 : i32
          %ge3A_55 = arith.cmpi sge, %scan3A_25, %ge3A : i32
          %convert_element_type3A_56 = arith.extui %ge3A_55 : i1 to i32
          %cond3A_57 = arith.constant 0 : i32
          %cond3A_58 = arith.cmpi ne, %convert_element_type3A_56, %cond3A_57 : i32
          scf.if %cond3A_58 {
            %dma_wait3A_67 = arith.constant 0 : i32
            %dma_wait3A_68 = arith.constant 0 : i32
            %dma_wait3A_69 = tpu.memref_slice %arg2[%dma_wait3A_67, %dma_wait3A_68] : memref<10000x32xf32, #tpu.memory_space<hbm>> -> memref<512x32xf32, #tpu.memory_space<hbm>>
            %dma_wait3A_70 = arith.constant 0 : i32
            %dma_wait3A_71 = arith.constant 0 : i32
            %dma_wait3A_72 = tpu.memref_slice %arg2[%dma_wait3A_70, %dma_wait3A_71] : memref<10000x32xf32, #tpu.memory_space<hbm>> -> memref<512x32xf32, #tpu.memory_space<hbm>>
            tpu.wait_dma2 semaphore(%arg10 : memref<!tpu.dma_semaphore, #tpu.memory_space<semaphore_mem>>) src(%dma_wait3A_72 : memref<512x32xf32, #tpu.memory_space<hbm>>) dst(%arg6 : memref<512x32xf32, #tpu.memory_space<vmem>>)
          } else {
          }
          %add3A_59 = arith.constant 1 : i32
          %add3A_60 = arith.addi %scan3A_25, %add3A_59 : i32
          %dma_start3A_61 = arith.constant 0 : i32
          %dma_start3A_62 = tpu.memref_slice %arg5[%add3A_60, %dma_start3A_61] : memref<10x512xi32, #tpu.memory_space<vmem>> -> memref<1x512xi32, #tpu.memory_space<vmem>>
          %dma_start3A_63 = tpu.memref_squeeze %dma_start3A_62 : memref<1x512xi32, #tpu.memory_space<vmem>> -> memref<512xi32, #tpu.memory_space<vmem>>
          %dma_start3A_64 = arith.constant 0 : i32
          %dma_start3A_65 = arith.constant 0 : i32
          %dma_start3A_66 = tpu.memref_slice %arg2[%dma_start3A_64, %dma_start3A_65] : memref<10000x32xf32, #tpu.memory_space<hbm>> -> memref<10000x32xf32, #tpu.memory_space<hbm>>
          tpu.enqueue_indirect_dma source(%dma_start3A_66 : memref<10000x32xf32, #tpu.memory_space<hbm>>) target(%arg6 : memref<512x32xf32, #tpu.memory_space<vmem>>) offsets(%dma_start3A_63 : memref<512xi32, #tpu.memory_space<vmem>>) semaphore(%arg8 : memref<!tpu.dma_semaphore, #tpu.memory_space<semaphore_mem>>)
        } else {
        }
        %mul3A_46 = arith.constant 5120 : i32
        %mul3A_47 = arith.muli %add3A, %mul3A_46 : i32
        %mul3A_48 = arith.constant 512 : i32
        %mul3A_49 = arith.muli %scan3A_25, %mul3A_48 : i32
        %add3A_50 = arith.addi %mul3A_47, %mul3A_49 : i32
        %dma_start3A_51 = arith.constant 0 : i32
        %dma_start3A_52 = tpu.memref_slice %arg4[%add3A_50, %dma_start3A_51] : memref<163840x32xf32, #tpu.memory_space<hbm>> -> memref<512x32xf32, #tpu.memory_space<hbm>>
        %dma_start3A_53 = arith.constant 0 : i32
        %dma_start3A_54 = tpu.memref_slice %arg4[%add3A_50, %dma_start3A_53] : memref<163840x32xf32, #tpu.memory_space<hbm>> -> memref<512x32xf32, #tpu.memory_space<hbm>>
        tpu.enqueue_dma source(%arg7 : memref<512x32xf32, #tpu.memory_space<vmem>>) target(%dma_start3A_54 : memref<512x32xf32, #tpu.memory_space<hbm>>) target_semaphore(%arg11 : memref<!tpu.dma_semaphore, #tpu.memory_space<semaphore_mem>>)
      } else {
      }
    }
    %scan3A_13 = arith.constant 10 : i32
    %dma_wait3A = arith.constant 0 : i32
    %dma_wait3A_14 = arith.constant 0 : i32
    %dma_wait3A_15 = tpu.memref_slice %arg2[%dma_wait3A, %dma_wait3A_14] : memref<10000x32xf32, #tpu.memory_space<hbm>> -> memref<512x32xf32, #tpu.memory_space<hbm>>
    %dma_wait3A_16 = arith.constant 0 : i32
    %dma_wait3A_17 = arith.constant 0 : i32
    %dma_wait3A_18 = tpu.memref_slice %arg2[%dma_wait3A_16, %dma_wait3A_17] : memref<10000x32xf32, #tpu.memory_space<hbm>> -> memref<512x32xf32, #tpu.memory_space<hbm>>
    tpu.wait_dma2 semaphore(%arg10 : memref<!tpu.dma_semaphore, #tpu.memory_space<semaphore_mem>>) src(%dma_wait3A_18 : memref<512x32xf32, #tpu.memory_space<hbm>>) dst(%arg6 : memref<512x32xf32, #tpu.memory_space<vmem>>)
    %dma_wait3A_19 = arith.constant 0 : i32
    %dma_wait3A_20 = arith.constant 0 : i32
    %dma_wait3A_21 = tpu.memref_slice %arg2[%dma_wait3A_19, %dma_wait3A_20] : memref<10000x32xf32, #tpu.memory_space<hbm>> -> memref<512x32xf32, #tpu.memory_space<hbm>>
    %dma_wait3A_22 = arith.constant 0 : i32
    %dma_wait3A_23 = arith.constant 0 : i32
    %dma_wait3A_24 = tpu.memref_slice %arg2[%dma_wait3A_22, %dma_wait3A_23] : memref<10000x32xf32, #tpu.memory_space<hbm>> -> memref<512x32xf32, #tpu.memory_space<hbm>>
    tpu.wait_dma2 semaphore(%arg11 : memref<!tpu.dma_semaphore, #tpu.memory_space<semaphore_mem>>) src(%dma_wait3A_24 : memref<512x32xf32, #tpu.memory_space<hbm>>) dst(%arg7 : memref<512x32xf32, #tpu.memory_space<vmem>>)
    return
  }
}

#map = affine_map<(d0, d1) -> (0, 0)>
module attributes {stable_mosaic.version = 14 : i64} {
  func.func @k(%arg0: i32, %arg1: i32, %arg2: memref<10000x32xf32, #tpu.memory_space<hbm>>, %arg3: memref<320x512xi32, #tpu.memory_space<hbm>>, %arg4: memref<163840x32xf32, #tpu.memory_space<hbm>>, %arg5: memref<10x512xi32, #tpu.memory_space<vmem>>, %arg6: memref<512x32xf32, #tpu.memory_space<vmem>>, %arg7: memref<512x32xf32, #tpu.memory_space<vmem>>, %arg8: memref<!tpu.dma_semaphore, #tpu.memory_space<semaphore_mem>>, %arg9: memref<!tpu.dma_semaphore, #tpu.memory_space<semaphore_mem>>, %arg10: memref<!tpu.dma_semaphore, #tpu.memory_space<semaphore_mem>>, %arg11: memref<!tpu.dma_semaphore, #tpu.memory_space<semaphore_mem>>) attributes {dimension_semantics = [#tpu.dimension_semantics<core_parallel>, #tpu.dimension_semantics<subcore_parallel>], iteration_bounds = array<i64: 2, 16>, scalar_prefetch = 0 : i64, scratch_operands = 7 : i64, tpu.core_type = #tpu.core_type<sc_vector_subcore>, window_params = [{transform_indices = #map}, {transform_indices = #map}, {transform_indices = #map}]} {
    %mul3A = arith.constant 2 : i32
    %mul3A_0 = arith.muli %arg1, %mul3A : i32
    %add3A = arith.addi %mul3A_0, %arg0 : i32
    %mul3A_1 = arith.constant 10 : i32
    %mul3A_2 = arith.muli %add3A, %mul3A_1 : i32
    "tpu.region"() ({
      %run_scoped3A = tpu.sem_alloc : memref<!tpu.dma_semaphore, #tpu.memory_space<semaphore_mem>>
      %dma_start3A_25 = arith.constant 0 : i32
      %dma_start3A_26 = tpu.memref_slice %arg3[%mul3A_2, %dma_start3A_25] : memref<320x512xi32, #tpu.memory_space<hbm>> -> memref<10x512xi32, #tpu.memory_space<hbm>>
      %dma_start3A_27 = arith.constant 0 : i32
      %dma_start3A_28 = tpu.memref_slice %arg3[%mul3A_2, %dma_start3A_27] : memref<320x512xi32, #tpu.memory_space<hbm>> -> memref<10x512xi32, #tpu.memory_space<hbm>>
      tpu.enqueue_dma source(%dma_start3A_28 : memref<10x512xi32, #tpu.memory_space<hbm>>) target(%arg5 : memref<10x512xi32, #tpu.memory_space<vmem>>) target_semaphore(%run_scoped3A : memref<!tpu.dma_semaphore, #tpu.memory_space<semaphore_mem>>)
      %dma_wait3A_29 = arith.constant 0 : i32
      %dma_wait3A_30 = tpu.memref_slice %arg3[%mul3A_2, %dma_wait3A_29] : memref<320x512xi32, #tpu.memory_space<hbm>> -> memref<10x512xi32, #tpu.memory_space<hbm>>
      %dma_wait3A_31 = arith.constant 0 : i32
      %dma_wait3A_32 = tpu.memref_slice %arg3[%mul3A_2, %dma_wait3A_31] : memref<320x512xi32, #tpu.memory_space<hbm>> -> memref<10x512xi32, #tpu.memory_space<hbm>>
      tpu.wait_dma2 semaphore(%run_scoped3A : memref<!tpu.dma_semaphore, #tpu.memory_space<semaphore_mem>>) src(%dma_wait3A_32 : memref<10x512xi32, #tpu.memory_space<hbm>>) dst(%arg5 : memref<10x512xi32, #tpu.memory_space<vmem>>)
      tpu.yield
    }) : () -> ()
    %dma_start3A = arith.constant 0 : i32
    %dma_start3A_3 = arith.constant 0 : i32
    %dma_start3A_4 = tpu.memref_slice %arg5[%dma_start3A, %dma_start3A_3] : memref<10x512xi32, #tpu.memory_space<vmem>> -> memref<1x512xi32, #tpu.memory_space<vmem>>
    %dma_start3A_5 = tpu.memref_squeeze %dma_start3A_4 : memref<1x512xi32, #tpu.memory_space<vmem>> -> memref<512xi32, #tpu.memory_space<vmem>>
    %dma_start3A_6 = arith.constant 0 : i32
    %dma_start3A_7 = arith.constant 0 : i32
    %dma_start3A_8 = tpu.memref_slice %arg2[%dma_start3A_6, %dma_start3A_7] : memref<10000x32xf32, #tpu.memory_space<hbm>> -> memref<10000x32xf32, #tpu.memory_space<hbm>>
    tpu.enqueue_indirect_dma source(%dma_start3A_8 : memref<10000x32xf32, #tpu.memory_space<hbm>>) target(%arg6 : memref<512x32xf32, #tpu.memory_space<vmem>>) offsets(%dma_start3A_5 : memref<512xi32, #tpu.memory_space<vmem>>) semaphore(%arg8 : memref<!tpu.dma_semaphore, #tpu.memory_space<semaphore_mem>>)
    %scan3A = arith.constant 0 : i32
    %scan3A_9 = arith.constant 0 : i32
    %scan3A_10 = arith.constant 10 : i32
    %scan3A_11 = arith.addi %scan3A_9, %scan3A_10 : i32
    %scan3A_12 = arith.constant 1 : i32
    scf.for %scan3A_25 = %scan3A_9 to %scan3A_11 step %scan3A_12  : i32 {
      %rem3A = arith.constant 2 : i32
      %rem3A_26 = arith.remsi %scan3A_25, %rem3A : i32
      %eq3A = arith.constant 0 : i32
      %eq3A_27 = arith.cmpi eq, %rem3A_26, %eq3A : i32
      %convert_element_type3A = arith.extui %eq3A_27 : i1 to i32
      %cond3A = arith.constant 0 : i32
      %cond3A_28 = arith.cmpi ne, %convert_element_type3A, %cond3A : i32
      scf.if %cond3A_28 {
        %dma_wait3A_36 = arith.constant 0 : i32
        %dma_wait3A_37 = arith.constant 0 : i32
        %dma_wait3A_38 = tpu.memref_slice %arg2[%dma_wait3A_36, %dma_wait3A_37] : memref<10000x32xf32, #tpu.memory_space<hbm>> -> memref<512x32xf32, #tpu.memory_space<hbm>>
        %dma_wait3A_39 = arith.constant 0 : i32
        %dma_wait3A_40 = arith.constant 0 : i32
        %dma_wait3A_41 = tpu.memref_slice %arg2[%dma_wait3A_39, %dma_wait3A_40] : memref<10000x32xf32, #tpu.memory_space<hbm>> -> memref<512x32xf32, #tpu.memory_space<hbm>>
        tpu.wait_dma2 semaphore(%arg8 : memref<!tpu.dma_semaphore, #tpu.memory_space<semaphore_mem>>) src(%dma_wait3A_41 : memref<512x32xf32, #tpu.memory_space<hbm>>) dst(%arg6 : memref<512x32xf32, #tpu.memory_space<vmem>>)
        %lt3A = arith.constant 9 : i32
        %lt3A_42 = arith.cmpi slt, %scan3A_25, %lt3A : i32
        %convert_element_type3A_43 = arith.extui %lt3A_42 : i1 to i32
        %cond3A_44 = arith.constant 0 : i32
        %cond3A_45 = arith.cmpi ne, %convert_element_type3A_43, %cond3A_44 : i32
        scf.if %cond3A_45 {
          %ge3A = arith.constant 1 : i32
          %ge3A_55 = arith.cmpi sge, %scan3A_25, %ge3A : i32
          %convert_element_type3A_56 = arith.extui %ge3A_55 : i1 to i32
          %cond3A_57 = arith.constant 0 : i32
          %cond3A_58 = arith.cmpi ne, %convert_element_type3A_56, %cond3A_57 : i32
          scf.if %cond3A_58 {
            %dma_wait3A_67 = arith.constant 0 : i32
            %dma_wait3A_68 = arith.constant 0 : i32
            %dma_wait3A_69 = tpu.memref_slice %arg2[%dma_wait3A_67, %dma_wait3A_68] : memref<10000x32xf32, #tpu.memory_space<hbm>> -> memref<512x32xf32, #tpu.memory_space<hbm>>
            %dma_wait3A_70 = arith.constant 0 : i32
            %dma_wait3A_71 = arith.constant 0 : i32
            %dma_wait3A_72 = tpu.memref_slice %arg2[%dma_wait3A_70, %dma_wait3A_71] : memref<10000x32xf32, #tpu.memory_space<hbm>> -> memref<512x32xf32, #tpu.memory_space<hbm>>
            tpu.wait_dma2 semaphore(%arg11 : memref<!tpu.dma_semaphore, #tpu.memory_space<semaphore_mem>>) src(%dma_wait3A_72 : memref<512x32xf32, #tpu.memory_space<hbm>>) dst(%arg7 : memref<512x32xf32, #tpu.memory_space<vmem>>)
          } else {
          }
          %add3A_59 = arith.constant 1 : i32
          %add3A_60 = arith.addi %scan3A_25, %add3A_59 : i32
          %dma_start3A_61 = arith.constant 0 : i32
          %dma_start3A_62 = tpu.memref_slice %arg5[%add3A_60, %dma_start3A_61] : memref<10x512xi32, #tpu.memory_space<vmem>> -> memref<1x512xi32, #tpu.memory_space<vmem>>
          %dma_start3A_63 = tpu.memref_squeeze %dma_start3A_62 : memref<1x512xi32, #tpu.memory_space<vmem>> -> memref<512xi32, #tpu.memory_space<vmem>>
          %dma_start3A_64 = arith.constant 0 : i32
          %dma_start3A_65 = arith.constant 0 : i32
          %dma_start3A_66 = tpu.memref_slice %arg2[%dma_start3A_64, %dma_start3A_65] : memref<10000x32xf32, #tpu.memory_space<hbm>> -> memref<10000x32xf32, #tpu.memory_space<hbm>>
          tpu.enqueue_indirect_dma source(%dma_start3A_66 : memref<10000x32xf32, #tpu.memory_space<hbm>>) target(%arg7 : memref<512x32xf32, #tpu.memory_space<vmem>>) offsets(%dma_start3A_63 : memref<512xi32, #tpu.memory_space<vmem>>) semaphore(%arg9 : memref<!tpu.dma_semaphore, #tpu.memory_space<semaphore_mem>>)
        } else {
        }
        %mul3A_46 = arith.constant 5120 : i32
        %mul3A_47 = arith.muli %add3A, %mul3A_46 : i32
        %mul3A_48 = arith.constant 512 : i32
        %mul3A_49 = arith.muli %scan3A_25, %mul3A_48 : i32
        %add3A_50 = arith.addi %mul3A_47, %mul3A_49 : i32
        %dma_start3A_51 = arith.constant 0 : i32
        %dma_start3A_52 = tpu.memref_slice %arg4[%add3A_50, %dma_start3A_51] : memref<163840x32xf32, #tpu.memory_space<hbm>> -> memref<512x32xf32, #tpu.memory_space<hbm>>
        %dma_start3A_53 = arith.constant 0 : i32
        %dma_start3A_54 = tpu.memref_slice %arg4[%add3A_50, %dma_start3A_53] : memref<163840x32xf32, #tpu.memory_space<hbm>> -> memref<512x32xf32, #tpu.memory_space<hbm>>
        tpu.enqueue_dma source(%arg6 : memref<512x32xf32, #tpu.memory_space<vmem>>) target(%dma_start3A_54 : memref<512x32xf32, #tpu.memory_space<hbm>>) target_semaphore(%arg10 : memref<!tpu.dma_semaphore, #tpu.memory_space<semaphore_mem>>)
      } else {
      }
      %rem3A_29 = arith.constant 2 : i32
      %rem3A_30 = arith.remsi %scan3A_25, %rem3A_29 : i32
      %eq3A_31 = arith.constant 1 : i32
      %eq3A_32 = arith.cmpi eq, %rem3A_30, %eq3A_31 : i32
      %convert_element_type3A_33 = arith.extui %eq3A_32 : i1 to i32
      %cond3A_34 = arith.constant 0 : i32
      %cond3A_35 = arith.cmpi ne, %convert_element_type3A_33, %cond3A_34 : i32
      scf.if %cond3A_35 {
        %dma_wait3A_36 = arith.constant 0 : i32
        %dma_wait3A_37 = arith.constant 0 : i32
        %dma_wait3A_38 = tpu.memref_slice %arg2[%dma_wait3A_36, %dma_wait3A_37] : memref<10000x32xf32, #tpu.memory_space<hbm>> -> memref<512x32xf32, #tpu.memory_space<hbm>>
        %dma_wait3A_39 = arith.constant 0 : i32
        %dma_wait3A_40 = arith.constant 0 : i32
        %dma_wait3A_41 = tpu.memref_slice %arg2[%dma_wait3A_39, %dma_wait3A_40] : memref<10000x32xf32, #tpu.memory_space<hbm>> -> memref<512x32xf32, #tpu.memory_space<hbm>>
        tpu.wait_dma2 semaphore(%arg9 : memref<!tpu.dma_semaphore, #tpu.memory_space<semaphore_mem>>) src(%dma_wait3A_41 : memref<512x32xf32, #tpu.memory_space<hbm>>) dst(%arg7 : memref<512x32xf32, #tpu.memory_space<vmem>>)
        %lt3A = arith.constant 9 : i32
        %lt3A_42 = arith.cmpi slt, %scan3A_25, %lt3A : i32
        %convert_element_type3A_43 = arith.extui %lt3A_42 : i1 to i32
        %cond3A_44 = arith.constant 0 : i32
        %cond3A_45 = arith.cmpi ne, %convert_element_type3A_43, %cond3A_44 : i32
        scf.if %cond3A_45 {
          %ge3A = arith.constant 1 : i32
          %ge3A_55 = arith.cmpi sge, %scan3A_25, %ge3A : i32
          %convert_element_type3A_56 = arith.extui %ge3A_55 : i1 to i32
          %cond3A_57 = arith.constant 0 : i32
          %cond3A_58 = arith.cmpi ne, %convert_element_type3A_56, %cond3A_57 : i32
          scf.if %cond3A_58 {
            %dma_wait3A_67 = arith.constant 0 : i32
            %dma_wait3A_68 = arith.constant 0 : i32
            %dma_wait3A_69 = tpu.memref_slice %arg2[%dma_wait3A_67, %dma_wait3A_68] : memref<10000x32xf32, #tpu.memory_space<hbm>> -> memref<512x32xf32, #tpu.memory_space<hbm>>
            %dma_wait3A_70 = arith.constant 0 : i32
            %dma_wait3A_71 = arith.constant 0 : i32
            %dma_wait3A_72 = tpu.memref_slice %arg2[%dma_wait3A_70, %dma_wait3A_71] : memref<10000x32xf32, #tpu.memory_space<hbm>> -> memref<512x32xf32, #tpu.memory_space<hbm>>
            tpu.wait_dma2 semaphore(%arg10 : memref<!tpu.dma_semaphore, #tpu.memory_space<semaphore_mem>>) src(%dma_wait3A_72 : memref<512x32xf32, #tpu.memory_space<hbm>>) dst(%arg6 : memref<512x32xf32, #tpu.memory_space<vmem>>)
          } else {
          }
          %add3A_59 = arith.constant 1 : i32
          %add3A_60 = arith.addi %scan3A_25, %add3A_59 : i32
          %dma_start3A_61 = arith.constant 0 : i32
          %dma_start3A_62 = tpu.memref_slice %arg5[%add3A_60, %dma_start3A_61] : memref<10x512xi32, #tpu.memory_space<vmem>> -> memref<1x512xi32, #tpu.memory_space<vmem>>
          %dma_start3A_63 = tpu.memref_squeeze %dma_start3A_62 : memref<1x512xi32, #tpu.memory_space<vmem>> -> memref<512xi32, #tpu.memory_space<vmem>>
          %dma_start3A_64 = arith.constant 0 : i32
          %dma_start3A_65 = arith.constant 0 : i32
          %dma_start3A_66 = tpu.memref_slice %arg2[%dma_start3A_64, %dma_start3A_65] : memref<10000x32xf32, #tpu.memory_space<hbm>> -> memref<10000x32xf32, #tpu.memory_space<hbm>>
          tpu.enqueue_indirect_dma source(%dma_start3A_66 : memref<10000x32xf32, #tpu.memory_space<hbm>>) target(%arg6 : memref<512x32xf32, #tpu.memory_space<vmem>>) offsets(%dma_start3A_63 : memref<512xi32, #tpu.memory_space<vmem>>) semaphore(%arg8 : memref<!tpu.dma_semaphore, #tpu.memory_space<semaphore_mem>>)
        } else {
        }
        %mul3A_46 = arith.constant 5120 : i32
        %mul3A_47 = arith.muli %add3A, %mul3A_46 : i32
        %mul3A_48 = arith.constant 512 : i32
        %mul3A_49 = arith.muli %scan3A_25, %mul3A_48 : i32
        %add3A_50 = arith.addi %mul3A_47, %mul3A_49 : i32
        %dma_start3A_51 = arith.constant 0 : i32
        %dma_start3A_52 = tpu.memref_slice %arg4[%add3A_50, %dma_start3A_51] : memref<163840x32xf32, #tpu.memory_space<hbm>> -> memref<512x32xf32, #tpu.memory_space<hbm>>
        %dma_start3A_53 = arith.constant 0 : i32
        %dma_start3A_54 = tpu.memref_slice %arg4[%add3A_50, %dma_start3A_53] : memref<163840x32xf32, #tpu.memory_space<hbm>> -> memref<512x32xf32, #tpu.memory_space<hbm>>
        tpu.enqueue_dma source(%arg7 : memref<512x32xf32, #tpu.memory_space<vmem>>) target(%dma_start3A_54 : memref<512x32xf32, #tpu.memory_space<hbm>>) target_semaphore(%arg11 : memref<!tpu.dma_semaphore, #tpu.memory_space<semaphore_mem>>)
      } else {
      }
    }
    %scan3A_13 = arith.constant 10 : i32
    %dma_wait3A = arith.constant 0 : i32
    %dma_wait3A_14 = arith.constant 0 : i32
    %dma_wait3A_15 = tpu.memref_slice %arg2[%dma_wait3A, %dma_wait3A_14] : memref<10000x32xf32, #tpu.memory_space<hbm>> -> memref<512x32xf32, #tpu.memory_space<hbm>>
    %dma_wait3A_16 = arith.constant 0 : i32
    %dma_wait3A_17 = arith.constant 0 : i32
    %dma_wait3A_18 = tpu.memref_slice %arg2[%dma_wait3A_16, %dma_wait3A_17] : memref<10000x32xf32, #tpu.memory_space<hbm>> -> memref<512x32xf32, #tpu.memory_space<hbm>>
    tpu.wait_dma2 semaphore(%arg10 : memref<!tpu.dma_semaphore, #tpu.memory_space<semaphore_mem>>) src(%dma_wait3A_18 : memref<512x32xf32, #tpu.memory_space<hbm>>) dst(%arg6 : memref<512x32xf32, #tpu.memory_space<vmem>>)
    %dma_wait3A_19 = arith.constant 0 : i32
    %dma_wait3A_20 = arith.constant 0 : i32
    %dma_wait3A_21 = tpu.memref_slice %arg2[%dma_wait3A_19, %dma_wait3A_20] : memref<10000x32xf32, #tpu.memory_space<hbm>> -> memref<512x32xf32, #tpu.memory_space<hbm>>
    %dma_wait3A_22 = arith.constant 0 : i32
    %dma_wait3A_23 = arith.constant 0 : i32
    %dma_wait3A_24 = tpu.memref_slice %arg2[%dma_wait3A_22, %dma_wait3A_23] : memref<10000x32xf32, #tpu.memory_space<hbm>> -> memref<512x32xf32, #tpu.memory_space<hbm>>
    tpu.wait_dma2 semaphore(%arg11 : memref<!tpu.dma_semaphore, #tpu.memory_space<semaphore_mem>>) src(%dma_wait3A_24 : memref<512x32xf32, #tpu.memory_space<hbm>>) dst(%arg7 : memref<512x32xf32, #tpu.memory_space<vmem>>)
    return
  }
}

#map = affine_map<(d0, d1) -> (0, 0)>
module attributes {stable_mosaic.version = 14 : i64} {
  func.func @k(%arg0: i32, %arg1: i32, %arg2: memref<163840x32xf32, #tpu.memory_space<hbm>>, %arg3: memref<1280x128xi32, #tpu.memory_space<hbm>>, %arg4: memref<640x32xf32, #tpu.memory_space<hbm>>, %arg5: memref<20480x32xf32, #tpu.memory_space<hbm>>, %arg6: memref<40x128xi32, #tpu.memory_space<vmem>>, %arg7: memref<1024x32xf32, #tpu.memory_space<vmem>>, %arg8: memref<10240x32xf32, #tpu.memory_space<vmem_shared>>) attributes {dimension_semantics = [#tpu.dimension_semantics<core_parallel>, #tpu.dimension_semantics<subcore_parallel>], iteration_bounds = array<i64: 2, 16>, scalar_prefetch = 0 : i64, scratch_operands = 3 : i64, tpu.core_type = #tpu.core_type<sc_vector_subcore>, window_params = [{transform_indices = #map}, {transform_indices = #map}, {transform_indices = #map}, {transform_indices = #map}]} {
    %mul3A = arith.constant 2 : i32
    %mul3A_0 = arith.muli %arg1, %mul3A : i32
    %add3A = arith.addi %mul3A_0, %arg0 : i32
    %mul3A_1 = arith.constant 640 : i32
    %mul3A_2 = arith.muli %arg1, %mul3A_1 : i32
    "tpu.region"() ({
      %run_scoped3A = tpu.sem_alloc : memref<!tpu.dma_semaphore, #tpu.memory_space<semaphore_mem>>
      %dma_start3A = arith.constant 0 : i32
      %dma_start3A_18 = tpu.memref_slice %arg8[%mul3A_2, %dma_start3A] : memref<10240x32xf32, #tpu.memory_space<vmem_shared>> -> memref<640x32xf32, #tpu.memory_space<vmem_shared>>
      tpu.enqueue_dma source(%arg4 : memref<640x32xf32, #tpu.memory_space<hbm>>) target(%dma_start3A_18 : memref<640x32xf32, #tpu.memory_space<vmem_shared>>) target_semaphore(%run_scoped3A : memref<!tpu.dma_semaphore, #tpu.memory_space<semaphore_mem>>)
      %dma_wait3A = arith.constant 0 : i32
      %dma_wait3A_19 = tpu.memref_slice %arg8[%mul3A_2, %dma_wait3A] : memref<10240x32xf32, #tpu.memory_space<vmem_shared>> -> memref<640x32xf32, #tpu.memory_space<vmem_shared>>
      tpu.wait_dma2 semaphore(%run_scoped3A : memref<!tpu.dma_semaphore, #tpu.memory_space<semaphore_mem>>) src(%arg4 : memref<640x32xf32, #tpu.memory_space<hbm>>) dst(%dma_wait3A_19 : memref<640x32xf32, #tpu.memory_space<vmem_shared>>)
      tpu.yield
    }) : () -> ()
    %mul3A_3 = arith.constant 40 : i32
    %mul3A_4 = arith.muli %add3A, %mul3A_3 : i32
    "tpu.region"() ({
      %run_scoped3A = tpu.sem_alloc : memref<!tpu.dma_semaphore, #tpu.memory_space<semaphore_mem>>
      %dma_start3A = arith.constant 0 : i32
      %dma_start3A_18 = tpu.memref_slice %arg3[%mul3A_4, %dma_start3A] : memref<1280x128xi32, #tpu.memory_space<hbm>> -> memref<40x128xi32, #tpu.memory_space<hbm>>
      %dma_start3A_19 = arith.constant 0 : i32
      %dma_start3A_20 = tpu.memref_slice %arg3[%mul3A_4, %dma_start3A_19] : memref<1280x128xi32, #tpu.memory_space<hbm>> -> memref<40x128xi32, #tpu.memory_space<hbm>>
      tpu.enqueue_dma source(%dma_start3A_20 : memref<40x128xi32, #tpu.memory_space<hbm>>) target(%arg6 : memref<40x128xi32, #tpu.memory_space<vmem>>) target_semaphore(%run_scoped3A : memref<!tpu.dma_semaphore, #tpu.memory_space<semaphore_mem>>)
      %dma_wait3A = arith.constant 0 : i32
      %dma_wait3A_21 = tpu.memref_slice %arg3[%mul3A_4, %dma_wait3A] : memref<1280x128xi32, #tpu.memory_space<hbm>> -> memref<40x128xi32, #tpu.memory_space<hbm>>
      %dma_wait3A_22 = arith.constant 0 : i32
      %dma_wait3A_23 = tpu.memref_slice %arg3[%mul3A_4, %dma_wait3A_22] : memref<1280x128xi32, #tpu.memory_space<hbm>> -> memref<40x128xi32, #tpu.memory_space<hbm>>
      tpu.wait_dma2 semaphore(%run_scoped3A : memref<!tpu.dma_semaphore, #tpu.memory_space<semaphore_mem>>) src(%dma_wait3A_23 : memref<40x128xi32, #tpu.memory_space<hbm>>) dst(%arg6 : memref<40x128xi32, #tpu.memory_space<vmem>>)
      tpu.yield
    }) : () -> ()
    %barrier3A = arith.constant 0 : index
    tpu.barrier barrier_id(%barrier3A)
    %scan3A = arith.constant 0 : i32
    %scan3A_5 = arith.constant 0 : i32
    %scan3A_6 = arith.constant 5 : i32
    %scan3A_7 = arith.addi %scan3A_5, %scan3A_6 : i32
    %scan3A_8 = arith.constant 1 : i32
    scf.for %scan3A_18 = %scan3A_5 to %scan3A_7 step %scan3A_8  : i32 {
      %mul3A_19 = arith.constant 5120 : i32
      %mul3A_20 = arith.muli %add3A, %mul3A_19 : i32
      %mul3A_21 = arith.constant 1024 : i32
      %mul3A_22 = arith.muli %scan3A_18, %mul3A_21 : i32
      %add3A_23 = arith.addi %mul3A_20, %mul3A_22 : i32
      "tpu.region"() ({
        %run_scoped3A = tpu.sem_alloc : memref<!tpu.dma_semaphore, #tpu.memory_space<semaphore_mem>>
        %dma_start3A = arith.constant 0 : i32
        %dma_start3A_56 = tpu.memref_slice %arg2[%add3A_23, %dma_start3A] : memref<163840x32xf32, #tpu.memory_space<hbm>> -> memref<1024x32xf32, #tpu.memory_space<hbm>>
        %dma_start3A_57 = arith.constant 0 : i32
        %dma_start3A_58 = tpu.memref_slice %arg2[%add3A_23, %dma_start3A_57] : memref<163840x32xf32, #tpu.memory_space<hbm>> -> memref<1024x32xf32, #tpu.memory_space<hbm>>
        tpu.enqueue_dma source(%dma_start3A_58 : memref<1024x32xf32, #tpu.memory_space<hbm>>) target(%arg7 : memref<1024x32xf32, #tpu.memory_space<vmem>>) target_semaphore(%run_scoped3A : memref<!tpu.dma_semaphore, #tpu.memory_space<semaphore_mem>>)
        %dma_wait3A = arith.constant 0 : i32
        %dma_wait3A_59 = tpu.memref_slice %arg2[%add3A_23, %dma_wait3A] : memref<163840x32xf32, #tpu.memory_space<hbm>> -> memref<1024x32xf32, #tpu.memory_space<hbm>>
        %dma_wait3A_60 = arith.constant 0 : i32
        %dma_wait3A_61 = tpu.memref_slice %arg2[%add3A_23, %dma_wait3A_60] : memref<163840x32xf32, #tpu.memory_space<hbm>> -> memref<1024x32xf32, #tpu.memory_space<hbm>>
        tpu.wait_dma2 semaphore(%run_scoped3A : memref<!tpu.dma_semaphore, #tpu.memory_space<semaphore_mem>>) src(%dma_wait3A_61 : memref<1024x32xf32, #tpu.memory_space<hbm>>) dst(%arg7 : memref<1024x32xf32, #tpu.memory_space<vmem>>)
        tpu.yield
      }) : () -> ()
      %mul3A_24 = arith.constant 8 : i32
      %mul3A_25 = arith.muli %scan3A_18, %mul3A_24 : i32
      %add3A_26 = arith.constant 0 : i32
      %add3A_27 = arith.addi %mul3A_25, %add3A_26 : i32
      "tpu.region"() ({
        %run_scoped3A = tpu.sem_alloc : memref<!tpu.dma_semaphore, #tpu.memory_space<semaphore_mem>>
        %dma_start3A = arith.constant 0 : i32
        %dma_start3A_56 = arith.constant 0 : i32
        %dma_start3A_57 = tpu.memref_slice %arg7[%dma_start3A, %dma_start3A_56] : memref<1024x32xf32, #tpu.memory_space<vmem>> -> memref<128x32xf32, #tpu.memory_space<vmem>>
        %dma_start3A_58 = arith.constant 0 : i32
        %dma_start3A_59 = tpu.memref_slice %arg6[%add3A_27, %dma_start3A_58] : memref<40x128xi32, #tpu.memory_space<vmem>> -> memref<1x128xi32, #tpu.memory_space<vmem>>
        %dma_start3A_60 = tpu.memref_squeeze %dma_start3A_59 : memref<1x128xi32, #tpu.memory_space<vmem>> -> memref<128xi32, #tpu.memory_space<vmem>>
        %dma_start3A_61 = arith.constant 0 : i32
        %dma_start3A_62 = arith.constant 0 : i32
        %dma_start3A_63 = tpu.memref_slice %arg8[%dma_start3A_61, %dma_start3A_62] : memref<10240x32xf32, #tpu.memory_space<vmem_shared>> -> memref<10240x32xf32, #tpu.memory_space<vmem_shared>>
        tpu.enqueue_indirect_dma source(%dma_start3A_57 : memref<128x32xf32, #tpu.memory_space<vmem>>) target(%dma_start3A_63 : memref<10240x32xf32, #tpu.memory_space<vmem_shared>>) offsets(%dma_start3A_60 : memref<128xi32, #tpu.memory_space<vmem>>) semaphore(%run_scoped3A : memref<!tpu.dma_semaphore, #tpu.memory_space<semaphore_mem>>) {add = true}
        %dma_wait3A = arith.constant 0 : i32
        %dma_wait3A_64 = arith.constant 0 : i32
        %dma_wait3A_65 = tpu.memref_slice %arg7[%dma_wait3A, %dma_wait3A_64] : memref<1024x32xf32, #tpu.memory_space<vmem>> -> memref<128x32xf32, #tpu.memory_space<vmem>>
        %dma_wait3A_66 = arith.constant 0 : i32
        %dma_wait3A_67 = tpu.memref_slice %arg6[%add3A_27, %dma_wait3A_66] : memref<40x128xi32, #tpu.memory_space<vmem>> -> memref<1x128xi32, #tpu.memory_space<vmem>>
        %dma_wait3A_68 = tpu.memref_squeeze %dma_wait3A_67 : memref<1x128xi32, #tpu.memory_space<vmem>> -> memref<128xi32, #tpu.memory_space<vmem>>
        %dma_wait3A_69 = arith.constant 0 : i32
        %dma_wait3A_70 = arith.constant 0 : i32
        %dma_wait3A_71 = tpu.memref_slice %arg8[%dma_wait3A_69, %dma_wait3A_70] : memref<10240x32xf32, #tpu.memory_space<vmem_shared>> -> memref<10240x32xf32, #tpu.memory_space<vmem_shared>>
        tpu.wait_indirect_dma semaphore(%run_scoped3A : memref<!tpu.dma_semaphore, #tpu.memory_space<semaphore_mem>>) src(%dma_wait3A_65 : memref<128x32xf32, #tpu.memory_space<vmem>>) dst(%dma_wait3A_71 : memref<10240x32xf32, #tpu.memory_space<vmem_shared>>)
        tpu.yield
      }) : () -> ()
      %mul3A_28 = arith.constant 8 : i32
      %mul3A_29 = arith.muli %scan3A_18, %mul3A_28 : i32
      %add3A_30 = arith.constant 1 : i32
      %add3A_31 = arith.addi %mul3A_29, %add3A_30 : i32
      "tpu.region"() ({
        %run_scoped3A = tpu.sem_alloc : memref<!tpu.dma_semaphore, #tpu.memory_space<semaphore_mem>>
        %dma_start3A = arith.constant 128 : i32
        %dma_start3A_56 = arith.constant 0 : i32
        %dma_start3A_57 = tpu.memref_slice %arg7[%dma_start3A, %dma_start3A_56] : memref<1024x32xf32, #tpu.memory_space<vmem>> -> memref<128x32xf32, #tpu.memory_space<vmem>>
        %dma_start3A_58 = arith.constant 0 : i32
        %dma_start3A_59 = tpu.memref_slice %arg6[%add3A_31, %dma_start3A_58] : memref<40x128xi32, #tpu.memory_space<vmem>> -> memref<1x128xi32, #tpu.memory_space<vmem>>
        %dma_start3A_60 = tpu.memref_squeeze %dma_start3A_59 : memref<1x128xi32, #tpu.memory_space<vmem>> -> memref<128xi32, #tpu.memory_space<vmem>>
        %dma_start3A_61 = arith.constant 0 : i32
        %dma_start3A_62 = arith.constant 0 : i32
        %dma_start3A_63 = tpu.memref_slice %arg8[%dma_start3A_61, %dma_start3A_62] : memref<10240x32xf32, #tpu.memory_space<vmem_shared>> -> memref<10240x32xf32, #tpu.memory_space<vmem_shared>>
        tpu.enqueue_indirect_dma source(%dma_start3A_57 : memref<128x32xf32, #tpu.memory_space<vmem>>) target(%dma_start3A_63 : memref<10240x32xf32, #tpu.memory_space<vmem_shared>>) offsets(%dma_start3A_60 : memref<128xi32, #tpu.memory_space<vmem>>) semaphore(%run_scoped3A : memref<!tpu.dma_semaphore, #tpu.memory_space<semaphore_mem>>) {add = true}
        %dma_wait3A = arith.constant 128 : i32
        %dma_wait3A_64 = arith.constant 0 : i32
        %dma_wait3A_65 = tpu.memref_slice %arg7[%dma_wait3A, %dma_wait3A_64] : memref<1024x32xf32, #tpu.memory_space<vmem>> -> memref<128x32xf32, #tpu.memory_space<vmem>>
        %dma_wait3A_66 = arith.constant 0 : i32
        %dma_wait3A_67 = tpu.memref_slice %arg6[%add3A_31, %dma_wait3A_66] : memref<40x128xi32, #tpu.memory_space<vmem>> -> memref<1x128xi32, #tpu.memory_space<vmem>>
        %dma_wait3A_68 = tpu.memref_squeeze %dma_wait3A_67 : memref<1x128xi32, #tpu.memory_space<vmem>> -> memref<128xi32, #tpu.memory_space<vmem>>
        %dma_wait3A_69 = arith.constant 0 : i32
        %dma_wait3A_70 = arith.constant 0 : i32
        %dma_wait3A_71 = tpu.memref_slice %arg8[%dma_wait3A_69, %dma_wait3A_70] : memref<10240x32xf32, #tpu.memory_space<vmem_shared>> -> memref<10240x32xf32, #tpu.memory_space<vmem_shared>>
        tpu.wait_indirect_dma semaphore(%run_scoped3A : memref<!tpu.dma_semaphore, #tpu.memory_space<semaphore_mem>>) src(%dma_wait3A_65 : memref<128x32xf32, #tpu.memory_space<vmem>>) dst(%dma_wait3A_71 : memref<10240x32xf32, #tpu.memory_space<vmem_shared>>)
        tpu.yield
      }) : () -> ()
      %mul3A_32 = arith.constant 8 : i32
      %mul3A_33 = arith.muli %scan3A_18, %mul3A_32 : i32
      %add3A_34 = arith.constant 2 : i32
      %add3A_35 = arith.addi %mul3A_33, %add3A_34 : i32
      "tpu.region"() ({
        %run_scoped3A = tpu.sem_alloc : memref<!tpu.dma_semaphore, #tpu.memory_space<semaphore_mem>>
        %dma_start3A = arith.constant 256 : i32
        %dma_start3A_56 = arith.constant 0 : i32
        %dma_start3A_57 = tpu.memref_slice %arg7[%dma_start3A, %dma_start3A_56] : memref<1024x32xf32, #tpu.memory_space<vmem>> -> memref<128x32xf32, #tpu.memory_space<vmem>>
        %dma_start3A_58 = arith.constant 0 : i32
        %dma_start3A_59 = tpu.memref_slice %arg6[%add3A_35, %dma_start3A_58] : memref<40x128xi32, #tpu.memory_space<vmem>> -> memref<1x128xi32, #tpu.memory_space<vmem>>
        %dma_start3A_60 = tpu.memref_squeeze %dma_start3A_59 : memref<1x128xi32, #tpu.memory_space<vmem>> -> memref<128xi32, #tpu.memory_space<vmem>>
        %dma_start3A_61 = arith.constant 0 : i32
        %dma_start3A_62 = arith.constant 0 : i32
        %dma_start3A_63 = tpu.memref_slice %arg8[%dma_start3A_61, %dma_start3A_62] : memref<10240x32xf32, #tpu.memory_space<vmem_shared>> -> memref<10240x32xf32, #tpu.memory_space<vmem_shared>>
        tpu.enqueue_indirect_dma source(%dma_start3A_57 : memref<128x32xf32, #tpu.memory_space<vmem>>) target(%dma_start3A_63 : memref<10240x32xf32, #tpu.memory_space<vmem_shared>>) offsets(%dma_start3A_60 : memref<128xi32, #tpu.memory_space<vmem>>) semaphore(%run_scoped3A : memref<!tpu.dma_semaphore, #tpu.memory_space<semaphore_mem>>) {add = true}
        %dma_wait3A = arith.constant 256 : i32
        %dma_wait3A_64 = arith.constant 0 : i32
        %dma_wait3A_65 = tpu.memref_slice %arg7[%dma_wait3A, %dma_wait3A_64] : memref<1024x32xf32, #tpu.memory_space<vmem>> -> memref<128x32xf32, #tpu.memory_space<vmem>>
        %dma_wait3A_66 = arith.constant 0 : i32
        %dma_wait3A_67 = tpu.memref_slice %arg6[%add3A_35, %dma_wait3A_66] : memref<40x128xi32, #tpu.memory_space<vmem>> -> memref<1x128xi32, #tpu.memory_space<vmem>>
        %dma_wait3A_68 = tpu.memref_squeeze %dma_wait3A_67 : memref<1x128xi32, #tpu.memory_space<vmem>> -> memref<128xi32, #tpu.memory_space<vmem>>
        %dma_wait3A_69 = arith.constant 0 : i32
        %dma_wait3A_70 = arith.constant 0 : i32
        %dma_wait3A_71 = tpu.memref_slice %arg8[%dma_wait3A_69, %dma_wait3A_70] : memref<10240x32xf32, #tpu.memory_space<vmem_shared>> -> memref<10240x32xf32, #tpu.memory_space<vmem_shared>>
        tpu.wait_indirect_dma semaphore(%run_scoped3A : memref<!tpu.dma_semaphore, #tpu.memory_space<semaphore_mem>>) src(%dma_wait3A_65 : memref<128x32xf32, #tpu.memory_space<vmem>>) dst(%dma_wait3A_71 : memref<10240x32xf32, #tpu.memory_space<vmem_shared>>)
        tpu.yield
      }) : () -> ()
      %mul3A_36 = arith.constant 8 : i32
      %mul3A_37 = arith.muli %scan3A_18, %mul3A_36 : i32
      %add3A_38 = arith.constant 3 : i32
      %add3A_39 = arith.addi %mul3A_37, %add3A_38 : i32
      "tpu.region"() ({
        %run_scoped3A = tpu.sem_alloc : memref<!tpu.dma_semaphore, #tpu.memory_space<semaphore_mem>>
        %dma_start3A = arith.constant 384 : i32
        %dma_start3A_56 = arith.constant 0 : i32
        %dma_start3A_57 = tpu.memref_slice %arg7[%dma_start3A, %dma_start3A_56] : memref<1024x32xf32, #tpu.memory_space<vmem>> -> memref<128x32xf32, #tpu.memory_space<vmem>>
        %dma_start3A_58 = arith.constant 0 : i32
        %dma_start3A_59 = tpu.memref_slice %arg6[%add3A_39, %dma_start3A_58] : memref<40x128xi32, #tpu.memory_space<vmem>> -> memref<1x128xi32, #tpu.memory_space<vmem>>
        %dma_start3A_60 = tpu.memref_squeeze %dma_start3A_59 : memref<1x128xi32, #tpu.memory_space<vmem>> -> memref<128xi32, #tpu.memory_space<vmem>>
        %dma_start3A_61 = arith.constant 0 : i32
        %dma_start3A_62 = arith.constant 0 : i32
        %dma_start3A_63 = tpu.memref_slice %arg8[%dma_start3A_61, %dma_start3A_62] : memref<10240x32xf32, #tpu.memory_space<vmem_shared>> -> memref<10240x32xf32, #tpu.memory_space<vmem_shared>>
        tpu.enqueue_indirect_dma source(%dma_start3A_57 : memref<128x32xf32, #tpu.memory_space<vmem>>) target(%dma_start3A_63 : memref<10240x32xf32, #tpu.memory_space<vmem_shared>>) offsets(%dma_start3A_60 : memref<128xi32, #tpu.memory_space<vmem>>) semaphore(%run_scoped3A : memref<!tpu.dma_semaphore, #tpu.memory_space<semaphore_mem>>) {add = true}
        %dma_wait3A = arith.constant 384 : i32
        %dma_wait3A_64 = arith.constant 0 : i32
        %dma_wait3A_65 = tpu.memref_slice %arg7[%dma_wait3A, %dma_wait3A_64] : memref<1024x32xf32, #tpu.memory_space<vmem>> -> memref<128x32xf32, #tpu.memory_space<vmem>>
        %dma_wait3A_66 = arith.constant 0 : i32
        %dma_wait3A_67 = tpu.memref_slice %arg6[%add3A_39, %dma_wait3A_66] : memref<40x128xi32, #tpu.memory_space<vmem>> -> memref<1x128xi32, #tpu.memory_space<vmem>>
        %dma_wait3A_68 = tpu.memref_squeeze %dma_wait3A_67 : memref<1x128xi32, #tpu.memory_space<vmem>> -> memref<128xi32, #tpu.memory_space<vmem>>
        %dma_wait3A_69 = arith.constant 0 : i32
        %dma_wait3A_70 = arith.constant 0 : i32
        %dma_wait3A_71 = tpu.memref_slice %arg8[%dma_wait3A_69, %dma_wait3A_70] : memref<10240x32xf32, #tpu.memory_space<vmem_shared>> -> memref<10240x32xf32, #tpu.memory_space<vmem_shared>>
        tpu.wait_indirect_dma semaphore(%run_scoped3A : memref<!tpu.dma_semaphore, #tpu.memory_space<semaphore_mem>>) src(%dma_wait3A_65 : memref<128x32xf32, #tpu.memory_space<vmem>>) dst(%dma_wait3A_71 : memref<10240x32xf32, #tpu.memory_space<vmem_shared>>)
        tpu.yield
      }) : () -> ()
      %mul3A_40 = arith.constant 8 : i32
      %mul3A_41 = arith.muli %scan3A_18, %mul3A_40 : i32
      %add3A_42 = arith.constant 4 : i32
      %add3A_43 = arith.addi %mul3A_41, %add3A_42 : i32
      "tpu.region"() ({
        %run_scoped3A = tpu.sem_alloc : memref<!tpu.dma_semaphore, #tpu.memory_space<semaphore_mem>>
        %dma_start3A = arith.constant 512 : i32
        %dma_start3A_56 = arith.constant 0 : i32
        %dma_start3A_57 = tpu.memref_slice %arg7[%dma_start3A, %dma_start3A_56] : memref<1024x32xf32, #tpu.memory_space<vmem>> -> memref<128x32xf32, #tpu.memory_space<vmem>>
        %dma_start3A_58 = arith.constant 0 : i32
        %dma_start3A_59 = tpu.memref_slice %arg6[%add3A_43, %dma_start3A_58] : memref<40x128xi32, #tpu.memory_space<vmem>> -> memref<1x128xi32, #tpu.memory_space<vmem>>
        %dma_start3A_60 = tpu.memref_squeeze %dma_start3A_59 : memref<1x128xi32, #tpu.memory_space<vmem>> -> memref<128xi32, #tpu.memory_space<vmem>>
        %dma_start3A_61 = arith.constant 0 : i32
        %dma_start3A_62 = arith.constant 0 : i32
        %dma_start3A_63 = tpu.memref_slice %arg8[%dma_start3A_61, %dma_start3A_62] : memref<10240x32xf32, #tpu.memory_space<vmem_shared>> -> memref<10240x32xf32, #tpu.memory_space<vmem_shared>>
        tpu.enqueue_indirect_dma source(%dma_start3A_57 : memref<128x32xf32, #tpu.memory_space<vmem>>) target(%dma_start3A_63 : memref<10240x32xf32, #tpu.memory_space<vmem_shared>>) offsets(%dma_start3A_60 : memref<128xi32, #tpu.memory_space<vmem>>) semaphore(%run_scoped3A : memref<!tpu.dma_semaphore, #tpu.memory_space<semaphore_mem>>) {add = true}
        %dma_wait3A = arith.constant 512 : i32
        %dma_wait3A_64 = arith.constant 0 : i32
        %dma_wait3A_65 = tpu.memref_slice %arg7[%dma_wait3A, %dma_wait3A_64] : memref<1024x32xf32, #tpu.memory_space<vmem>> -> memref<128x32xf32, #tpu.memory_space<vmem>>
        %dma_wait3A_66 = arith.constant 0 : i32
        %dma_wait3A_67 = tpu.memref_slice %arg6[%add3A_43, %dma_wait3A_66] : memref<40x128xi32, #tpu.memory_space<vmem>> -> memref<1x128xi32, #tpu.memory_space<vmem>>
        %dma_wait3A_68 = tpu.memref_squeeze %dma_wait3A_67 : memref<1x128xi32, #tpu.memory_space<vmem>> -> memref<128xi32, #tpu.memory_space<vmem>>
        %dma_wait3A_69 = arith.constant 0 : i32
        %dma_wait3A_70 = arith.constant 0 : i32
        %dma_wait3A_71 = tpu.memref_slice %arg8[%dma_wait3A_69, %dma_wait3A_70] : memref<10240x32xf32, #tpu.memory_space<vmem_shared>> -> memref<10240x32xf32, #tpu.memory_space<vmem_shared>>
        tpu.wait_indirect_dma semaphore(%run_scoped3A : memref<!tpu.dma_semaphore, #tpu.memory_space<semaphore_mem>>) src(%dma_wait3A_65 : memref<128x32xf32, #tpu.memory_space<vmem>>) dst(%dma_wait3A_71 : memref<10240x32xf32, #tpu.memory_space<vmem_shared>>)
        tpu.yield
      }) : () -> ()
      %mul3A_44 = arith.constant 8 : i32
      %mul3A_45 = arith.muli %scan3A_18, %mul3A_44 : i32
      %add3A_46 = arith.constant 5 : i32
      %add3A_47 = arith.addi %mul3A_45, %add3A_46 : i32
      "tpu.region"() ({
        %run_scoped3A = tpu.sem_alloc : memref<!tpu.dma_semaphore, #tpu.memory_space<semaphore_mem>>
        %dma_start3A = arith.constant 640 : i32
        %dma_start3A_56 = arith.constant 0 : i32
        %dma_start3A_57 = tpu.memref_slice %arg7[%dma_start3A, %dma_start3A_56] : memref<1024x32xf32, #tpu.memory_space<vmem>> -> memref<128x32xf32, #tpu.memory_space<vmem>>
        %dma_start3A_58 = arith.constant 0 : i32
        %dma_start3A_59 = tpu.memref_slice %arg6[%add3A_47, %dma_start3A_58] : memref<40x128xi32, #tpu.memory_space<vmem>> -> memref<1x128xi32, #tpu.memory_space<vmem>>
        %dma_start3A_60 = tpu.memref_squeeze %dma_start3A_59 : memref<1x128xi32, #tpu.memory_space<vmem>> -> memref<128xi32, #tpu.memory_space<vmem>>
        %dma_start3A_61 = arith.constant 0 : i32
        %dma_start3A_62 = arith.constant 0 : i32
        %dma_start3A_63 = tpu.memref_slice %arg8[%dma_start3A_61, %dma_start3A_62] : memref<10240x32xf32, #tpu.memory_space<vmem_shared>> -> memref<10240x32xf32, #tpu.memory_space<vmem_shared>>
        tpu.enqueue_indirect_dma source(%dma_start3A_57 : memref<128x32xf32, #tpu.memory_space<vmem>>) target(%dma_start3A_63 : memref<10240x32xf32, #tpu.memory_space<vmem_shared>>) offsets(%dma_start3A_60 : memref<128xi32, #tpu.memory_space<vmem>>) semaphore(%run_scoped3A : memref<!tpu.dma_semaphore, #tpu.memory_space<semaphore_mem>>) {add = true}
        %dma_wait3A = arith.constant 640 : i32
        %dma_wait3A_64 = arith.constant 0 : i32
        %dma_wait3A_65 = tpu.memref_slice %arg7[%dma_wait3A, %dma_wait3A_64] : memref<1024x32xf32, #tpu.memory_space<vmem>> -> memref<128x32xf32, #tpu.memory_space<vmem>>
        %dma_wait3A_66 = arith.constant 0 : i32
        %dma_wait3A_67 = tpu.memref_slice %arg6[%add3A_47, %dma_wait3A_66] : memref<40x128xi32, #tpu.memory_space<vmem>> -> memref<1x128xi32, #tpu.memory_space<vmem>>
        %dma_wait3A_68 = tpu.memref_squeeze %dma_wait3A_67 : memref<1x128xi32, #tpu.memory_space<vmem>> -> memref<128xi32, #tpu.memory_space<vmem>>
        %dma_wait3A_69 = arith.constant 0 : i32
        %dma_wait3A_70 = arith.constant 0 : i32
        %dma_wait3A_71 = tpu.memref_slice %arg8[%dma_wait3A_69, %dma_wait3A_70] : memref<10240x32xf32, #tpu.memory_space<vmem_shared>> -> memref<10240x32xf32, #tpu.memory_space<vmem_shared>>
        tpu.wait_indirect_dma semaphore(%run_scoped3A : memref<!tpu.dma_semaphore, #tpu.memory_space<semaphore_mem>>) src(%dma_wait3A_65 : memref<128x32xf32, #tpu.memory_space<vmem>>) dst(%dma_wait3A_71 : memref<10240x32xf32, #tpu.memory_space<vmem_shared>>)
        tpu.yield
      }) : () -> ()
      %mul3A_48 = arith.constant 8 : i32
      %mul3A_49 = arith.muli %scan3A_18, %mul3A_48 : i32
      %add3A_50 = arith.constant 6 : i32
      %add3A_51 = arith.addi %mul3A_49, %add3A_50 : i32
      "tpu.region"() ({
        %run_scoped3A = tpu.sem_alloc : memref<!tpu.dma_semaphore, #tpu.memory_space<semaphore_mem>>
        %dma_start3A = arith.constant 768 : i32
        %dma_start3A_56 = arith.constant 0 : i32
        %dma_start3A_57 = tpu.memref_slice %arg7[%dma_start3A, %dma_start3A_56] : memref<1024x32xf32, #tpu.memory_space<vmem>> -> memref<128x32xf32, #tpu.memory_space<vmem>>
        %dma_start3A_58 = arith.constant 0 : i32
        %dma_start3A_59 = tpu.memref_slice %arg6[%add3A_51, %dma_start3A_58] : memref<40x128xi32, #tpu.memory_space<vmem>> -> memref<1x128xi32, #tpu.memory_space<vmem>>
        %dma_start3A_60 = tpu.memref_squeeze %dma_start3A_59 : memref<1x128xi32, #tpu.memory_space<vmem>> -> memref<128xi32, #tpu.memory_space<vmem>>
        %dma_start3A_61 = arith.constant 0 : i32
        %dma_start3A_62 = arith.constant 0 : i32
        %dma_start3A_63 = tpu.memref_slice %arg8[%dma_start3A_61, %dma_start3A_62] : memref<10240x32xf32, #tpu.memory_space<vmem_shared>> -> memref<10240x32xf32, #tpu.memory_space<vmem_shared>>
        tpu.enqueue_indirect_dma source(%dma_start3A_57 : memref<128x32xf32, #tpu.memory_space<vmem>>) target(%dma_start3A_63 : memref<10240x32xf32, #tpu.memory_space<vmem_shared>>) offsets(%dma_start3A_60 : memref<128xi32, #tpu.memory_space<vmem>>) semaphore(%run_scoped3A : memref<!tpu.dma_semaphore, #tpu.memory_space<semaphore_mem>>) {add = true}
        %dma_wait3A = arith.constant 768 : i32
        %dma_wait3A_64 = arith.constant 0 : i32
        %dma_wait3A_65 = tpu.memref_slice %arg7[%dma_wait3A, %dma_wait3A_64] : memref<1024x32xf32, #tpu.memory_space<vmem>> -> memref<128x32xf32, #tpu.memory_space<vmem>>
        %dma_wait3A_66 = arith.constant 0 : i32
        %dma_wait3A_67 = tpu.memref_slice %arg6[%add3A_51, %dma_wait3A_66] : memref<40x128xi32, #tpu.memory_space<vmem>> -> memref<1x128xi32, #tpu.memory_space<vmem>>
        %dma_wait3A_68 = tpu.memref_squeeze %dma_wait3A_67 : memref<1x128xi32, #tpu.memory_space<vmem>> -> memref<128xi32, #tpu.memory_space<vmem>>
        %dma_wait3A_69 = arith.constant 0 : i32
        %dma_wait3A_70 = arith.constant 0 : i32
        %dma_wait3A_71 = tpu.memref_slice %arg8[%dma_wait3A_69, %dma_wait3A_70] : memref<10240x32xf32, #tpu.memory_space<vmem_shared>> -> memref<10240x32xf32, #tpu.memory_space<vmem_shared>>
        tpu.wait_indirect_dma semaphore(%run_scoped3A : memref<!tpu.dma_semaphore, #tpu.memory_space<semaphore_mem>>) src(%dma_wait3A_65 : memref<128x32xf32, #tpu.memory_space<vmem>>) dst(%dma_wait3A_71 : memref<10240x32xf32, #tpu.memory_space<vmem_shared>>)
        tpu.yield
      }) : () -> ()
      %mul3A_52 = arith.constant 8 : i32
      %mul3A_53 = arith.muli %scan3A_18, %mul3A_52 : i32
      %add3A_54 = arith.constant 7 : i32
      %add3A_55 = arith.addi %mul3A_53, %add3A_54 : i32
      "tpu.region"() ({
        %run_scoped3A = tpu.sem_alloc : memref<!tpu.dma_semaphore, #tpu.memory_space<semaphore_mem>>
        %dma_start3A = arith.constant 896 : i32
        %dma_start3A_56 = arith.constant 0 : i32
        %dma_start3A_57 = tpu.memref_slice %arg7[%dma_start3A, %dma_start3A_56] : memref<1024x32xf32, #tpu.memory_space<vmem>> -> memref<128x32xf32, #tpu.memory_space<vmem>>
        %dma_start3A_58 = arith.constant 0 : i32
        %dma_start3A_59 = tpu.memref_slice %arg6[%add3A_55, %dma_start3A_58] : memref<40x128xi32, #tpu.memory_space<vmem>> -> memref<1x128xi32, #tpu.memory_space<vmem>>
        %dma_start3A_60 = tpu.memref_squeeze %dma_start3A_59 : memref<1x128xi32, #tpu.memory_space<vmem>> -> memref<128xi32, #tpu.memory_space<vmem>>
        %dma_start3A_61 = arith.constant 0 : i32
        %dma_start3A_62 = arith.constant 0 : i32
        %dma_start3A_63 = tpu.memref_slice %arg8[%dma_start3A_61, %dma_start3A_62] : memref<10240x32xf32, #tpu.memory_space<vmem_shared>> -> memref<10240x32xf32, #tpu.memory_space<vmem_shared>>
        tpu.enqueue_indirect_dma source(%dma_start3A_57 : memref<128x32xf32, #tpu.memory_space<vmem>>) target(%dma_start3A_63 : memref<10240x32xf32, #tpu.memory_space<vmem_shared>>) offsets(%dma_start3A_60 : memref<128xi32, #tpu.memory_space<vmem>>) semaphore(%run_scoped3A : memref<!tpu.dma_semaphore, #tpu.memory_space<semaphore_mem>>) {add = true}
        %dma_wait3A = arith.constant 896 : i32
        %dma_wait3A_64 = arith.constant 0 : i32
        %dma_wait3A_65 = tpu.memref_slice %arg7[%dma_wait3A, %dma_wait3A_64] : memref<1024x32xf32, #tpu.memory_space<vmem>> -> memref<128x32xf32, #tpu.memory_space<vmem>>
        %dma_wait3A_66 = arith.constant 0 : i32
        %dma_wait3A_67 = tpu.memref_slice %arg6[%add3A_55, %dma_wait3A_66] : memref<40x128xi32, #tpu.memory_space<vmem>> -> memref<1x128xi32, #tpu.memory_space<vmem>>
        %dma_wait3A_68 = tpu.memref_squeeze %dma_wait3A_67 : memref<1x128xi32, #tpu.memory_space<vmem>> -> memref<128xi32, #tpu.memory_space<vmem>>
        %dma_wait3A_69 = arith.constant 0 : i32
        %dma_wait3A_70 = arith.constant 0 : i32
        %dma_wait3A_71 = tpu.memref_slice %arg8[%dma_wait3A_69, %dma_wait3A_70] : memref<10240x32xf32, #tpu.memory_space<vmem_shared>> -> memref<10240x32xf32, #tpu.memory_space<vmem_shared>>
        tpu.wait_indirect_dma semaphore(%run_scoped3A : memref<!tpu.dma_semaphore, #tpu.memory_space<semaphore_mem>>) src(%dma_wait3A_65 : memref<128x32xf32, #tpu.memory_space<vmem>>) dst(%dma_wait3A_71 : memref<10240x32xf32, #tpu.memory_space<vmem_shared>>)
        tpu.yield
      }) : () -> ()
    }
    %scan3A_9 = arith.constant 5 : i32
    %barrier3A_10 = arith.constant 0 : index
    tpu.barrier barrier_id(%barrier3A_10)
    %mul3A_11 = arith.constant 640 : i32
    %mul3A_12 = arith.muli %arg1, %mul3A_11 : i32
    %mul3A_13 = arith.constant 10240 : i32
    %mul3A_14 = arith.muli %arg0, %mul3A_13 : i32
    %mul3A_15 = arith.constant 640 : i32
    %mul3A_16 = arith.muli %arg1, %mul3A_15 : i32
    %add3A_17 = arith.addi %mul3A_14, %mul3A_16 : i32
    "tpu.region"() ({
      %run_scoped3A = tpu.sem_alloc : memref<!tpu.dma_semaphore, #tpu.memory_space<semaphore_mem>>
      %dma_start3A = arith.constant 0 : i32
      %dma_start3A_18 = tpu.memref_slice %arg5[%add3A_17, %dma_start3A] : memref<20480x32xf32, #tpu.memory_space<hbm>> -> memref<640x32xf32, #tpu.memory_space<hbm>>
      %dma_start3A_19 = arith.constant 0 : i32
      %dma_start3A_20 = tpu.memref_slice %arg8[%mul3A_12, %dma_start3A_19] : memref<10240x32xf32, #tpu.memory_space<vmem_shared>> -> memref<640x32xf32, #tpu.memory_space<vmem_shared>>
      tpu.enqueue_dma source(%dma_start3A_20 : memref<640x32xf32, #tpu.memory_space<vmem_shared>>) target(%dma_start3A_18 : memref<640x32xf32, #tpu.memory_space<hbm>>) target_semaphore(%run_scoped3A : memref<!tpu.dma_semaphore, #tpu.memory_space<semaphore_mem>>)
      %dma_wait3A = arith.constant 0 : i32
      %dma_wait3A_21 = tpu.memref_slice %arg5[%add3A_17, %dma_wait3A] : memref<20480x32xf32, #tpu.memory_space<hbm>> -> memref<640x32xf32, #tpu.memory_space<hbm>>
      %dma_wait3A_22 = arith.constant 0 : i32
      %dma_wait3A_23 = tpu.memref_slice %arg8[%mul3A_12, %dma_wait3A_22] : memref<10240x32xf32, #tpu.memory_space<vmem_shared>> -> memref<640x32xf32, #tpu.memory_space<vmem_shared>>
      tpu.wait_dma2 semaphore(%run_scoped3A : memref<!tpu.dma_semaphore, #tpu.memory_space<semaphore_mem>>) src(%dma_wait3A_23 : memref<640x32xf32, #tpu.memory_space<vmem_shared>>) dst(%dma_wait3A_21 : memref<640x32xf32, #tpu.memory_space<hbm>>)
      tpu.yield
    }) : () -> ()
    return
  }
}

module attributes {stable_mosaic.version = 14 : i64} {
  func.func @body(%arg0: memref<10000x3xf32, #tpu.memory_space<vmem>>, %arg1: memref<10000x3xf32, #tpu.memory_space<vmem>>, %arg2: memref<3x16xf32, #tpu.memory_space<vmem>>, %arg3: memref<1x16xf32, #tpu.memory_space<vmem>>, %arg4: memref<10000x32xf32, #tpu.memory_space<vmem>>) attributes {dimension_semantics = [], scalar_prefetch = 0 : i64, scratch_operands = 0 : i64, tpu.core_type = #tpu.core_type<tc>} {
    %get3A = arith.constant 0 : index
    %get3A_0 = arith.constant 0 : index
    %get3A_1 = vector.load %arg0[%get3A, %get3A_0] : memref<10000x3xf32, #tpu.memory_space<vmem>>, vector<10000x3xf32>
    %get3A_2 = arith.constant 0 : index
    %get3A_3 = arith.constant 0 : index
    %get3A_4 = vector.load %arg2[%get3A_2, %get3A_3] : memref<3x16xf32, #tpu.memory_space<vmem>>, vector<3x16xf32>
    %dot_general3A = arith.constant dense<0.000000e+00> : vector<10000x16xf32>
    %dot_general3A_5 = tpu.matmul %get3A_1, %get3A_4, %dot_general3A {dimension_numbers = #tpu.dot_dimension_numbers<[1], [0], [0], [1], [0, 0, 1, 1], [], []>, transpose_lhs_hint = false} : vector<10000x3xf32>, vector<3x16xf32>, vector<10000x16xf32> -> vector<10000x16xf32>
    %get3A_6 = arith.constant 0 : index
    %get3A_7 = arith.constant 0 : index
    %get3A_8 = vector.load %arg3[%get3A_6, %get3A_7] : memref<1x16xf32, #tpu.memory_space<vmem>>, vector<1x16xf32>
    %add3A = vector.broadcast %get3A_8 : vector<1x16xf32> to vector<10000x16xf32>
    %add3A_9 = arith.addf %dot_general3A_5, %add3A : vector<10000x16xf32>
    %broadcast_in_dim3A = arith.constant 0.000000e+00 : f32
    %broadcast_in_dim3A_10 = vector.broadcast %broadcast_in_dim3A : f32 to vector<10000x13xf32>
    %get3A_11 = arith.constant 0 : index
    %get3A_12 = arith.constant 0 : index
    %get3A_13 = vector.load %arg1[%get3A_11, %get3A_12] : memref<10000x3xf32, #tpu.memory_space<vmem>>, vector<10000x3xf32>
    %concatenate3A = tpu.concatenate %add3A_9, %get3A_13, %broadcast_in_dim3A_10 in 1 : vector<10000x16xf32>, vector<10000x3xf32>, vector<10000x13xf32> -> vector<10000x32xf32>
    %swap3A = arith.constant 0 : index
    %swap3A_14 = arith.constant 0 : index
    %swap3A_15 = vector.load %arg4[%swap3A, %swap3A_14] : memref<10000x32xf32, #tpu.memory_space<vmem>>, vector<10000x32xf32>
    tpu.vector_store %arg4[%swap3A, %swap3A_14], %concatenate3A {strides = array<i32>} : memref<10000x32xf32, #tpu.memory_space<vmem>>, vector<10000x32xf32>,
    return
  }
}

module attributes {stable_mosaic.version = 14 : i64} {
  func.func @body(%arg0: i32, %arg1: memref<1024x16xf32, #tpu.memory_space<vmem>>, %arg2: memref<256x128xf32, #tpu.memory_space<vmem>>, %arg3: memref<16x32xf32, #tpu.memory_space<vmem>>, %arg4: memref<1x32xf32, #tpu.memory_space<vmem>>, %arg5: memref<32x64xf32, #tpu.memory_space<vmem>>, %arg6: memref<1x64xf32, #tpu.memory_space<vmem>>, %arg7: memref<64x256xf32, #tpu.memory_space<vmem>>, %arg8: memref<1x256xf32, #tpu.memory_space<vmem>>, %arg9: memref<16x16xf32, #tpu.memory_space<vmem>>, %arg10: memref<1x16xf32, #tpu.memory_space<vmem>>, %arg11: memref<16x1xf32, #tpu.memory_space<vmem>>, %arg12: memref<16x256xf32, #tpu.memory_space<vmem>>, %arg13: memref<256x32xf32, #tpu.memory_space<vmem>>, %arg14: memref<1x32xf32, #tpu.memory_space<vmem>>, %arg15: memref<1x32xf32, #tpu.memory_space<vmem>>, %arg16: memref<1x32xf32, #tpu.memory_space<vmem>>, %arg17: memref<256x128xf32, #tpu.memory_space<vmem>>) attributes {dimension_semantics = [#tpu.dimension_semantics<arbitrary>], iteration_bounds = array<i64: 160>, scalar_prefetch = 0 : i64, scratch_operands = 0 : i64, tpu.core_type = #tpu.core_type<tc>, window_params = [{transform_indices = @transform_0, window_bounds = array<i64: 1024, 16>}, {transform_indices = @transform_1, window_bounds = array<i64: 256, 128>}, {pipeline_mode = #tpu.pipeline_mode<synchronous>, transform_indices = @transform_2, window_bounds = array<i64: 16, 32>}, {pipeline_mode = #tpu.pipeline_mode<synchronous>, transform_indices = @transform_3, window_bounds = array<i64: 1, 32>}, {pipeline_mode = #tpu.pipeline_mode<synchronous>, transform_indices = @transform_4, window_bounds = array<i64: 32, 64>}, {pipeline_mode = #tpu.pipeline_mode<synchronous>, transform_indices = @transform_5, window_bounds = array<i64: 1, 64>}, {pipeline_mode = #tpu.pipeline_mode<synchronous>, transform_indices = @transform_6, window_bounds = array<i64: 64, 256>}, {pipeline_mode = #tpu.pipeline_mode<synchronous>, transform_indices = @transform_7, window_bounds = array<i64: 1, 256>}, {pipeline_mode = #tpu.pipeline_mode<synchronous>, transform_indices = @transform_8, window_bounds = array<i64: 16, 16>}, {pipeline_mode = #tpu.pipeline_mode<synchronous>, transform_indices = @transform_9, window_bounds = array<i64: 1, 16>}, {pipeline_mode = #tpu.pipeline_mode<synchronous>, transform_indices = @transform_10, window_bounds = array<i64: 16, 1>}, {pipeline_mode = #tpu.pipeline_mode<synchronous>, transform_indices = @transform_11, window_bounds = array<i64: 16, 256>}, {pipeline_mode = #tpu.pipeline_mode<synchronous>, transform_indices = @transform_12, window_bounds = array<i64: 256, 32>}, {pipeline_mode = #tpu.pipeline_mode<synchronous>, transform_indices = @transform_13, window_bounds = array<i64: 1, 32>}, {pipeline_mode = #tpu.pipeline_mode<synchronous>, transform_indices = @transform_14, window_bounds = array<i64: 1, 32>}, {pipeline_mode = #tpu.pipeline_mode<synchronous>, transform_indices = @transform_15, window_bounds = array<i64: 1, 32>}, {transform_indices = @transform_16, window_bounds = array<i64: 256, 128>}]} {
    %get3A = arith.constant 0 : index
    %get3A_0 = arith.constant 0 : index
    %get3A_1 = vector.load %arg2[%get3A, %get3A_0] : memref<256x128xf32, #tpu.memory_space<vmem>>, vector<256x128xf32>
    %slice3A = vector.extract_strided_slice %get3A_1 {offsets = [0, 0], sizes = [256, 32], strides = [1, 1]} : vector<256x128xf32> to vector<256x32xf32>
    %slice3A_2 = vector.extract_strided_slice %get3A_1 {offsets = [0, 32], sizes = [256, 32], strides = [1, 1]} : vector<256x128xf32> to vector<256x32xf32>
    %slice3A_3 = vector.extract_strided_slice %get3A_1 {offsets = [0, 64], sizes = [256, 32], strides = [1, 1]} : vector<256x128xf32> to vector<256x32xf32>
    %slice3A_4 = vector.extract_strided_slice %get3A_1 {offsets = [0, 96], sizes = [256, 32], strides = [1, 1]} : vector<256x128xf32> to vector<256x32xf32>
    %concatenate3A = tpu.concatenate %slice3A, %slice3A_2, %slice3A_3, %slice3A_4 in 0 : vector<256x32xf32>, vector<256x32xf32>, vector<256x32xf32>, vector<256x32xf32> -> vector<1024x32xf32>
    %slice3A_5 = vector.extract_strided_slice %concatenate3A {offsets = [0, 0], sizes = [1024, 16], strides = [1, 1]} : vector<1024x32xf32> to vector<1024x16xf32>
    %get3A_6 = arith.constant 0 : index
    %get3A_7 = arith.constant 0 : index
    %get3A_8 = vector.load %arg1[%get3A_6, %get3A_7] : memref<1024x16xf32, #tpu.memory_space<vmem>>, vector<1024x16xf32>
    %get3A_9 = arith.constant 0 : index
    %get3A_10 = arith.constant 0 : index
    %get3A_11 = vector.load %arg3[%get3A_9, %get3A_10] : memref<16x32xf32, #tpu.memory_space<vmem>>, vector<16x32xf32>
    %dot_general3A = arith.constant dense<0.000000e+00> : vector<1024x32xf32>
    %dot_general3A_12 = tpu.matmul %get3A_8, %get3A_11, %dot_general3A {dimension_numbers = #tpu.dot_dimension_numbers<[1], [0], [0], [1], [0, 0, 1, 1], [], []>, transpose_lhs_hint = false} : vector<1024x16xf32>, vector<16x32xf32>, vector<1024x32xf32> -> vector<1024x32xf32>
    %get3A_13 = arith.constant 0 : index
    %get3A_14 = arith.constant 0 : index
    %get3A_15 = vector.load %arg4[%get3A_13, %get3A_14] : memref<1x32xf32, #tpu.memory_space<vmem>>, vector<1x32xf32>
    %add3A = vector.broadcast %get3A_15 : vector<1x32xf32> to vector<1024x32xf32>
    %add3A_16 = arith.addf %dot_general3A_12, %add3A : vector<1024x32xf32>
    %max3A = arith.constant 0.000000e+00 : f32
    %max3A_17 = vector.broadcast %max3A : f32 to vector<1024x32xf32>
    %max3A_18 = arith.maximumf %add3A_16, %max3A_17 : vector<1024x32xf32>
    %get3A_19 = arith.constant 0 : index
    %get3A_20 = arith.constant 0 : index
    %get3A_21 = vector.load %arg5[%get3A_19, %get3A_20] : memref<32x64xf32, #tpu.memory_space<vmem>>, vector<32x64xf32>
    %dot_general3A_22 = arith.constant dense<0.000000e+00> : vector<1024x64xf32>
    %dot_general3A_23 = tpu.matmul %max3A_18, %get3A_21, %dot_general3A_22 {dimension_numbers = #tpu.dot_dimension_numbers<[1], [0], [0], [1], [0, 0, 1, 1], [], []>, transpose_lhs_hint = false} : vector<1024x32xf32>, vector<32x64xf32>, vector<1024x64xf32> -> vector<1024x64xf32>
    %get3A_24 = arith.constant 0 : index
    %get3A_25 = arith.constant 0 : index
    %get3A_26 = vector.load %arg6[%get3A_24, %get3A_25] : memref<1x64xf32, #tpu.memory_space<vmem>>, vector<1x64xf32>
    %add3A_27 = vector.broadcast %get3A_26 : vector<1x64xf32> to vector<1024x64xf32>
    %add3A_28 = arith.addf %dot_general3A_23, %add3A_27 : vector<1024x64xf32>
    %max3A_29 = arith.constant 0.000000e+00 : f32
    %max3A_30 = vector.broadcast %max3A_29 : f32 to vector<1024x64xf32>
    %max3A_31 = arith.maximumf %add3A_28, %max3A_30 : vector<1024x64xf32>
    %get3A_32 = arith.constant 0 : index
    %get3A_33 = arith.constant 0 : index
    %get3A_34 = vector.load %arg7[%get3A_32, %get3A_33] : memref<64x256xf32, #tpu.memory_space<vmem>>, vector<64x256xf32>
    %dot_general3A_35 = arith.constant dense<0.000000e+00> : vector<1024x256xf32>
    %dot_general3A_36 = tpu.matmul %max3A_31, %get3A_34, %dot_general3A_35 {dimension_numbers = #tpu.dot_dimension_numbers<[1], [0], [0], [1], [0, 0, 1, 1], [], []>, transpose_lhs_hint = false} : vector<1024x64xf32>, vector<64x256xf32>, vector<1024x256xf32> -> vector<1024x256xf32>
    %get3A_37 = arith.constant 0 : index
    %get3A_38 = arith.constant 0 : index
    %get3A_39 = vector.load %arg8[%get3A_37, %get3A_38] : memref<1x256xf32, #tpu.memory_space<vmem>>, vector<1x256xf32>
    %add3A_40 = vector.broadcast %get3A_39 : vector<1x256xf32> to vector<1024x256xf32>
    %add3A_41 = arith.addf %dot_general3A_36, %add3A_40 : vector<1024x256xf32>
    %get3A_42 = arith.constant 0 : index
    %get3A_43 = arith.constant 0 : index
    %get3A_44 = vector.load %arg12[%get3A_42, %get3A_43] : memref<16x256xf32, #tpu.memory_space<vmem>>, vector<16x256xf32>
    %dot_general3A_45 = arith.constant dense<0.000000e+00> : vector<1024x256xf32>
    %dot_general3A_46 = tpu.matmul %slice3A_5, %get3A_44, %dot_general3A_45 {dimension_numbers = #tpu.dot_dimension_numbers<[1], [0], [0], [1], [0, 0, 1, 1], [], []>, transpose_lhs_hint = false} : vector<1024x16xf32>, vector<16x256xf32>, vector<1024x256xf32> -> vector<1024x256xf32>
    %mul3A = arith.mulf %add3A_41, %dot_general3A_46 : vector<1024x256xf32>
    %get3A_47 = arith.constant 0 : index
    %get3A_48 = arith.constant 0 : index
    %get3A_49 = vector.load %arg13[%get3A_47, %get3A_48] : memref<256x32xf32, #tpu.memory_space<vmem>>, vector<256x32xf32>
    %dot_general3A_50 = arith.constant dense<0.000000e+00> : vector<1024x32xf32>
    %dot_general3A_51 = tpu.matmul %mul3A, %get3A_49, %dot_general3A_50 {dimension_numbers = #tpu.dot_dimension_numbers<[1], [0], [0], [1], [0, 0, 1, 1], [], []>, transpose_lhs_hint = false} : vector<1024x256xf32>, vector<256x32xf32>, vector<1024x32xf32> -> vector<1024x32xf32>
    %slice3A_52 = vector.extract_strided_slice %dot_general3A_51 {offsets = [0, 0], sizes = [1024, 16], strides = [1, 1]} : vector<1024x32xf32> to vector<1024x16xf32>
    %get3A_53 = arith.constant 0 : index
    %get3A_54 = arith.constant 0 : index
    %get3A_55 = vector.load %arg9[%get3A_53, %get3A_54] : memref<16x16xf32, #tpu.memory_space<vmem>>, vector<16x16xf32>
    %dot_general3A_56 = arith.constant dense<0.000000e+00> : vector<1024x16xf32>
    %dot_general3A_57 = tpu.matmul %slice3A_52, %get3A_55, %dot_general3A_56 {dimension_numbers = #tpu.dot_dimension_numbers<[1], [0], [0], [1], [0, 0, 1, 1], [], []>, transpose_lhs_hint = false} : vector<1024x16xf32>, vector<16x16xf32>, vector<1024x16xf32> -> vector<1024x16xf32>
    %get3A_58 = arith.constant 0 : index
    %get3A_59 = arith.constant 0 : index
    %get3A_60 = vector.load %arg10[%get3A_58, %get3A_59] : memref<1x16xf32, #tpu.memory_space<vmem>>, vector<1x16xf32>
    %add3A_61 = vector.broadcast %get3A_60 : vector<1x16xf32> to vector<1024x16xf32>
    %add3A_62 = arith.addf %dot_general3A_57, %add3A_61 : vector<1024x16xf32>
    %max3A_63 = arith.constant 0.000000e+00 : f32
    %max3A_64 = vector.broadcast %max3A_63 : f32 to vector<1024x16xf32>
    %max3A_65 = arith.maximumf %add3A_62, %max3A_64 : vector<1024x16xf32>
    %get3A_66 = arith.constant 0 : index
    %get3A_67 = arith.constant 0 : index
    %get3A_68 = vector.load %arg11[%get3A_66, %get3A_67] : memref<16x1xf32, #tpu.memory_space<vmem>>, vector<16x1xf32>
    %dot_general3A_69 = arith.constant dense<0.000000e+00> : vector<1024x1xf32>
    %dot_general3A_70 = tpu.matmul %max3A_65, %get3A_68, %dot_general3A_69 {dimension_numbers = #tpu.dot_dimension_numbers<[1], [0], [0], [1], [0, 0, 1, 1], [], []>, transpose_lhs_hint = false} : vector<1024x16xf32>, vector<16x1xf32>, vector<1024x1xf32> -> vector<1024x1xf32>
    %get3A_71 = arith.constant 0 : index
    %get3A_72 = arith.constant 0 : index
    %get3A_73 = vector.load %arg14[%get3A_71, %get3A_72] : memref<1x32xf32, #tpu.memory_space<vmem>>, vector<1x32xf32>
    %mul3A_74 = vector.broadcast %get3A_73 : vector<1x32xf32> to vector<1024x32xf32>
    %mul3A_75 = arith.mulf %concatenate3A, %mul3A_74 : vector<1024x32xf32>
    %get3A_76 = arith.constant 0 : index
    %get3A_77 = arith.constant 0 : index
    %get3A_78 = vector.load %arg15[%get3A_76, %get3A_77] : memref<1x32xf32, #tpu.memory_space<vmem>>, vector<1x32xf32>
    %add3A_79 = vector.broadcast %get3A_78 : vector<1x32xf32> to vector<1024x32xf32>
    %add3A_80 = arith.addf %mul3A_75, %add3A_79 : vector<1024x32xf32>
    %mul3A_81 = vector.broadcast %dot_general3A_70 : vector<1024x1xf32> to vector<1024x32xf32>
    %mul3A_82 = arith.mulf %mul3A_81, %add3A_80 : vector<1024x32xf32>
    %add3A_83 = arith.addf %dot_general3A_51, %mul3A_82 : vector<1024x32xf32>
    %get3A_84 = arith.constant 0 : index
    %get3A_85 = arith.constant 0 : index
    %get3A_86 = vector.load %arg16[%get3A_84, %get3A_85] : memref<1x32xf32, #tpu.memory_space<vmem>>, vector<1x32xf32>
    %add3A_87 = vector.broadcast %get3A_86 : vector<1x32xf32> to vector<1024x32xf32>
    %add3A_88 = arith.addf %add3A_83, %add3A_87 : vector<1024x32xf32>
    %lt3A = arith.constant 156 : i32
    %lt3A_89 = arith.cmpi slt, %arg0, %lt3A : i32
    %convert_element_type3A = arith.extui %lt3A_89 : i1 to i32
    %cond3A = arith.constant 0 : i32
    %cond3A_90 = arith.cmpi ne, %convert_element_type3A, %cond3A : i32
    scf.if %cond3A_90 {
      %slice3A_95 = vector.extract_strided_slice %add3A_88 {offsets = [0, 0], sizes = [256, 32], strides = [1, 1]} : vector<1024x32xf32> to vector<256x32xf32>
      %slice3A_96 = vector.extract_strided_slice %add3A_88 {offsets = [256, 0], sizes = [256, 32], strides = [1, 1]} : vector<1024x32xf32> to vector<256x32xf32>
      %slice3A_97 = vector.extract_strided_slice %add3A_88 {offsets = [512, 0], sizes = [256, 32], strides = [1, 1]} : vector<1024x32xf32> to vector<256x32xf32>
      %slice3A_98 = vector.extract_strided_slice %add3A_88 {offsets = [768, 0], sizes = [256, 32], strides = [1, 1]} : vector<1024x32xf32> to vector<256x32xf32>
      %concatenate3A_99 = tpu.concatenate %slice3A_95, %slice3A_96, %slice3A_97, %slice3A_98 in 1 : vector<256x32xf32>, vector<256x32xf32>, vector<256x32xf32>, vector<256x32xf32> -> vector<256x128xf32>
      %swap3A = arith.constant 0 : index
      %swap3A_100 = arith.constant 0 : index
      %swap3A_101 = vector.load %arg17[%swap3A, %swap3A_100] : memref<256x128xf32, #tpu.memory_space<vmem>>, vector<256x128xf32>
      tpu.vector_store %arg17[%swap3A, %swap3A_100], %concatenate3A_99 {strides = array<i32>} : memref<256x128xf32, #tpu.memory_space<vmem>>, vector<256x128xf32>,
    } else {
    }
    %ge3A = arith.constant 156 : i32
    %ge3A_91 = arith.cmpi sge, %arg0, %ge3A : i32
    %convert_element_type3A_92 = arith.extui %ge3A_91 : i1 to i32
    %cond3A_93 = arith.constant 0 : i32
    %cond3A_94 = arith.cmpi ne, %convert_element_type3A_92, %cond3A_93 : i32
    scf.if %cond3A_94 {
      %mul3A_95 = arith.constant 1024 : i32
      %mul3A_96 = arith.muli %arg0, %mul3A_95 : i32
      %iota3A = tpu.iota {dimensions = array<i32: 0>} : vector<1024x1xi32>
      %add3A_97 = vector.broadcast %mul3A_96 : i32 to vector<1024x1xi32>
      %add3A_98 = arith.addi %add3A_97, %iota3A : vector<1024x1xi32>
      %lt3A_99 = arith.constant 160000 : i32
      %lt3A_100 = vector.broadcast %lt3A_99 : i32 to vector<1024x1xi32>
      %lt3A_101 = arith.cmpi slt, %add3A_98, %lt3A_100 : vector<1024x1xi32>
      %jit3A = arith.constant 0.000000e+00 : f32
      %broadcast_in_dim3A = vector.shape_cast %lt3A_101 : vector<1024x1xi1> to vector<1024x1xi1>
      %broadcast_in_dim3A_102 = vector.broadcast %broadcast_in_dim3A : vector<1024x1xi1> to vector<1024x32xi1>
      %broadcast_in_dim3A_103 = vector.broadcast %jit3A : f32 to vector<1024x32xf32>
      %select_n3A = arith.select %broadcast_in_dim3A_102, %add3A_88, %broadcast_in_dim3A_103 : vector<1024x32xi1>, vector<1024x32xf32>
      %slice3A_104 = vector.extract_strided_slice %select_n3A {offsets = [0, 0], sizes = [256, 32], strides = [1, 1]} : vector<1024x32xf32> to vector<256x32xf32>
      %slice3A_105 = vector.extract_strided_slice %select_n3A {offsets = [256, 0], sizes = [256, 32], strides = [1, 1]} : vector<1024x32xf32> to vector<256x32xf32>
      %slice3A_106 = vector.extract_strided_slice %select_n3A {offsets = [512, 0], sizes = [256, 32], strides = [1, 1]} : vector<1024x32xf32> to vector<256x32xf32>
      %slice3A_107 = vector.extract_strided_slice %select_n3A {offsets = [768, 0], sizes = [256, 32], strides = [1, 1]} : vector<1024x32xf32> to vector<256x32xf32>
      %concatenate3A_108 = tpu.concatenate %slice3A_104, %slice3A_105, %slice3A_106, %slice3A_107 in 1 : vector<256x32xf32>, vector<256x32xf32>, vector<256x32xf32>, vector<256x32xf32> -> vector<256x128xf32>
      %swap3A = arith.constant 0 : index
      %swap3A_109 = arith.constant 0 : index
      %swap3A_110 = vector.load %arg17[%swap3A, %swap3A_109] : memref<256x128xf32, #tpu.memory_space<vmem>>, vector<256x128xf32>
      tpu.vector_store %arg17[%swap3A, %swap3A_109], %concatenate3A_108 {strides = array<i32>} : memref<256x128xf32, #tpu.memory_space<vmem>>, vector<256x128xf32>,
    } else {
    }
    return
  }
  func.func @transform_0(%arg0: i32) -> (i32, i32) {
    %min3A = arith.constant 156 : i32
    %min3A_0 = arith.minsi %arg0, %min3A : i32
    %c0_i32 = arith.constant 0 : i32
    %c0_i32_1 = arith.constant 0 : i32
    return %min3A_0, %c0_i32 : i32, i32
  }
  func.func @transform_1(%arg0: i32) -> (i32, i32) {
    %c0_i32 = arith.constant 0 : i32
    %c0_i32_0 = arith.constant 0 : i32
    return %arg0, %c0_i32 : i32, i32
  }
  func.func @transform_2(%arg0: i32) -> (i32, i32) {
    %c0_i32 = arith.constant 0 : i32
    %c0_i32_0 = arith.constant 0 : i32
    %c0_i32_1 = arith.constant 0 : i32
    return %c0_i32, %c0_i32_0 : i32, i32
  }
  func.func @transform_3(%arg0: i32) -> (i32, i32) {
    %c0_i32 = arith.constant 0 : i32
    %c0_i32_0 = arith.constant 0 : i32
    %c0_i32_1 = arith.constant 0 : i32
    return %c0_i32, %c0_i32_0 : i32, i32
  }
  func.func @transform_4(%arg0: i32) -> (i32, i32) {
    %c0_i32 = arith.constant 0 : i32
    %c0_i32_0 = arith.constant 0 : i32
    %c0_i32_1 = arith.constant 0 : i32
    return %c0_i32, %c0_i32_0 : i32, i32
  }
  func.func @transform_5(%arg0: i32) -> (i32, i32) {
    %c0_i32 = arith.constant 0 : i32
    %c0_i32_0 = arith.constant 0 : i32
    %c0_i32_1 = arith.constant 0 : i32
    return %c0_i32, %c0_i32_0 : i32, i32
  }
  func.func @transform_6(%arg0: i32) -> (i32, i32) {
    %c0_i32 = arith.constant 0 : i32
    %c0_i32_0 = arith.constant 0 : i32
    %c0_i32_1 = arith.constant 0 : i32
    return %c0_i32, %c0_i32_0 : i32, i32
  }
  func.func @transform_7(%arg0: i32) -> (i32, i32) {
    %c0_i32 = arith.constant 0 : i32
    %c0_i32_0 = arith.constant 0 : i32
    %c0_i32_1 = arith.constant 0 : i32
    return %c0_i32, %c0_i32_0 : i32, i32
  }
  func.func @transform_8(%arg0: i32) -> (i32, i32) {
    %c0_i32 = arith.constant 0 : i32
    %c0_i32_0 = arith.constant 0 : i32
    %c0_i32_1 = arith.constant 0 : i32
    return %c0_i32, %c0_i32_0 : i32, i32
  }
  func.func @transform_9(%arg0: i32) -> (i32, i32) {
    %c0_i32 = arith.constant 0 : i32
    %c0_i32_0 = arith.constant 0 : i32
    %c0_i32_1 = arith.constant 0 : i32
    return %c0_i32, %c0_i32_0 : i32, i32
  }
  func.func @transform_10(%arg0: i32) -> (i32, i32) {
    %c0_i32 = arith.constant 0 : i32
    %c0_i32_0 = arith.constant 0 : i32
    %c0_i32_1 = arith.constant 0 : i32
    return %c0_i32, %c0_i32_0 : i32, i32
  }
  func.func @transform_11(%arg0: i32) -> (i32, i32) {
    %c0_i32 = arith.constant 0 : i32
    %c0_i32_0 = arith.constant 0 : i32
    %c0_i32_1 = arith.constant 0 : i32
    return %c0_i32, %c0_i32_0 : i32, i32
  }
  func.func @transform_12(%arg0: i32) -> (i32, i32) {
    %c0_i32 = arith.constant 0 : i32
    %c0_i32_0 = arith.constant 0 : i32
    %c0_i32_1 = arith.constant 0 : i32
    return %c0_i32, %c0_i32_0 : i32, i32
  }
  func.func @transform_13(%arg0: i32) -> (i32, i32) {
    %c0_i32 = arith.constant 0 : i32
    %c0_i32_0 = arith.constant 0 : i32
    %c0_i32_1 = arith.constant 0 : i32
    return %c0_i32, %c0_i32_0 : i32, i32
  }
  func.func @transform_14(%arg0: i32) -> (i32, i32) {
    %c0_i32 = arith.constant 0 : i32
    %c0_i32_0 = arith.constant 0 : i32
    %c0_i32_1 = arith.constant 0 : i32
    return %c0_i32, %c0_i32_0 : i32, i32
  }
  func.func @transform_15(%arg0: i32) -> (i32, i32) {
    %c0_i32 = arith.constant 0 : i32
    %c0_i32_0 = arith.constant 0 : i32
    %c0_i32_1 = arith.constant 0 : i32
    return %c0_i32, %c0_i32_0 : i32, i32
  }
  func.func @transform_16(%arg0: i32) -> (i32, i32) {
    %c0_i32 = arith.constant 0 : i32
    %c0_i32_0 = arith.constant 0 : i32
    return %arg0, %c0_i32 : i32, i32
  }
}

module attributes {stable_mosaic.version = 14 : i64} {
  func.func @body(%arg0: memref<10000x32xf32, #tpu.memory_space<vmem>>, %arg1: memref<20480x32xf32, #tpu.memory_space<vmem>>, %arg2: memref<16x16xf32, #tpu.memory_space<vmem>>, %arg3: memref<1x16xf32, #tpu.memory_space<vmem>>, %arg4: memref<10000x32xf32, #tpu.memory_space<vmem>>, %arg5: memref<10000x1xf32, #tpu.memory_space<vmem>>) attributes {dimension_semantics = [], scalar_prefetch = 0 : i64, scratch_operands = 0 : i64, tpu.core_type = #tpu.core_type<tc>} {
    %get3A = arith.constant 0 : index
    %get3A_0 = arith.constant 0 : index
    %get3A_1 = vector.load %arg1[%get3A, %get3A_0] : memref<20480x32xf32, #tpu.memory_space<vmem>>, vector<10000x32xf32>
    %get3A_2 = arith.constant 10240 : index
    %get3A_3 = arith.constant 0 : index
    %get3A_4 = vector.load %arg1[%get3A_2, %get3A_3] : memref<20480x32xf32, #tpu.memory_space<vmem>>, vector<10000x32xf32>
    %add3A = arith.addf %get3A_1, %get3A_4 : vector<10000x32xf32>
    %slice3A = vector.extract_strided_slice %add3A {offsets = [0, 20], sizes = [10000, 1], strides = [1, 1]} : vector<10000x32xf32> to vector<10000x1xf32>
    %max3A = arith.constant 1.000000e+00 : f32
    %max3A_5 = vector.broadcast %max3A : f32 to vector<10000x1xf32>
    %max3A_6 = arith.maximumf %slice3A, %max3A_5 : vector<10000x1xf32>
    %slice3A_7 = vector.extract_strided_slice %add3A {offsets = [0, 0], sizes = [10000, 16], strides = [1, 1]} : vector<10000x32xf32> to vector<10000x16xf32>
    %div3A = vector.broadcast %max3A_6 : vector<10000x1xf32> to vector<10000x16xf32>
    %div3A_8 = arith.divf %slice3A_7, %div3A : vector<10000x16xf32>
    %get3A_9 = arith.constant 0 : index
    %get3A_10 = arith.constant 0 : index
    %get3A_11 = vector.load %arg0[%get3A_9, %get3A_10] : memref<10000x32xf32, #tpu.memory_space<vmem>>, vector<10000x16xf32>
    %get3A_12 = arith.constant 0 : index
    %get3A_13 = arith.constant 16 : index
    %get3A_14 = vector.load %arg0[%get3A_12, %get3A_13] : memref<10000x32xf32, #tpu.memory_space<vmem>>, vector<10000x3xf32>
    %get3A_15 = arith.constant 0 : index
    %get3A_16 = arith.constant 0 : index
    %get3A_17 = vector.load %arg2[%get3A_15, %get3A_16] : memref<16x16xf32, #tpu.memory_space<vmem>>, vector<16x16xf32>
    %dot_general3A = arith.constant dense<0.000000e+00> : vector<10000x16xf32>
    %dot_general3A_18 = tpu.matmul %get3A_11, %get3A_17, %dot_general3A {dimension_numbers = #tpu.dot_dimension_numbers<[1], [0], [0], [1], [0, 0, 1, 1], [], []>, transpose_lhs_hint = false} : vector<10000x16xf32>, vector<16x16xf32>, vector<10000x16xf32> -> vector<10000x16xf32>
    %add3A_19 = arith.addf %dot_general3A_18, %div3A_8 : vector<10000x16xf32>
    %get3A_20 = arith.constant 0 : index
    %get3A_21 = arith.constant 0 : index
    %get3A_22 = vector.load %arg3[%get3A_20, %get3A_21] : memref<1x16xf32, #tpu.memory_space<vmem>>, vector<1x16xf32>
    %add3A_23 = vector.broadcast %get3A_22 : vector<1x16xf32> to vector<10000x16xf32>
    %add3A_24 = arith.addf %add3A_19, %add3A_23 : vector<10000x16xf32>
    %max3A_25 = arith.constant 0.000000e+00 : f32
    %max3A_26 = vector.broadcast %max3A_25 : f32 to vector<10000x16xf32>
    %max3A_27 = arith.maximumf %add3A_24, %max3A_26 : vector<10000x16xf32>
    %slice3A_28 = vector.extract_strided_slice %add3A {offsets = [0, 19], sizes = [10000, 1], strides = [1, 1]} : vector<10000x32xf32> to vector<10000x1xf32>
    %mul3A = vector.broadcast %slice3A_28 : vector<10000x1xf32> to vector<10000x3xf32>
    %mul3A_29 = arith.mulf %get3A_14, %mul3A : vector<10000x3xf32>
    %slice3A_30 = vector.extract_strided_slice %add3A {offsets = [0, 16], sizes = [10000, 3], strides = [1, 1]} : vector<10000x32xf32> to vector<10000x3xf32>
    %sub3A = arith.subf %mul3A_29, %slice3A_30 : vector<10000x3xf32>
    %div3A_31 = vector.broadcast %max3A_6 : vector<10000x1xf32> to vector<10000x3xf32>
    %div3A_32 = arith.divf %sub3A, %div3A_31 : vector<10000x3xf32>
    %add3A_33 = arith.addf %get3A_14, %div3A_32 : vector<10000x3xf32>
    %broadcast_in_dim3A = arith.constant 0.000000e+00 : f32
    %broadcast_in_dim3A_34 = vector.broadcast %broadcast_in_dim3A : f32 to vector<10000x13xf32>
    %concatenate3A = tpu.concatenate %max3A_27, %add3A_33, %broadcast_in_dim3A_34 in 1 : vector<10000x16xf32>, vector<10000x3xf32>, vector<10000x13xf32> -> vector<10000x32xf32>
    %swap3A = arith.constant 0 : index
    %swap3A_35 = arith.constant 0 : index
    %swap3A_36 = vector.load %arg4[%swap3A, %swap3A_35] : memref<10000x32xf32, #tpu.memory_space<vmem>>, vector<10000x32xf32>
    tpu.vector_store %arg4[%swap3A, %swap3A_35], %concatenate3A {strides = array<i32>} : memref<10000x32xf32, #tpu.memory_space<vmem>>, vector<10000x32xf32>,
    %swap3A_37 = arith.constant 0 : index
    %swap3A_38 = arith.constant 0 : index
    %swap3A_39 = vector.load %arg5[%swap3A_37, %swap3A_38] : memref<10000x1xf32, #tpu.memory_space<vmem>>, vector<10000x1xf32>
    tpu.vector_store %arg5[%swap3A_37, %swap3A_38], %max3A_6 {strides = array<i32>} : memref<10000x1xf32, #tpu.memory_space<vmem>>, vector<10000x1xf32>,
    return
  }
}

module attributes {stable_mosaic.version = 14 : i64} {
  func.func @body(%arg0: memref<10000x32xf32, #tpu.memory_space<vmem>>, %arg1: memref<20480x32xf32, #tpu.memory_space<vmem>>, %arg2: memref<10000x1xf32, #tpu.memory_space<vmem>>, %arg3: memref<16x16xf32, #tpu.memory_space<vmem>>, %arg4: memref<1x16xf32, #tpu.memory_space<vmem>>, %arg5: memref<16x32xf32, #tpu.memory_space<vmem>>, %arg6: memref<1x32xf32, #tpu.memory_space<vmem>>, %arg7: memref<32x1xf32, #tpu.memory_space<vmem>>, %arg8: memref<1x1xf32, #tpu.memory_space<vmem>>, %arg9: memref<10000x1xf32, #tpu.memory_space<vmem>>, %arg10: memref<10000x3xf32, #tpu.memory_space<vmem>>) attributes {dimension_semantics = [], scalar_prefetch = 0 : i64, scratch_operands = 0 : i64, tpu.core_type = #tpu.core_type<tc>} {
    %get3A = arith.constant 0 : index
    %get3A_0 = arith.constant 0 : index
    %get3A_1 = vector.load %arg1[%get3A, %get3A_0] : memref<20480x32xf32, #tpu.memory_space<vmem>>, vector<10000x32xf32>
    %get3A_2 = arith.constant 10240 : index
    %get3A_3 = arith.constant 0 : index
    %get3A_4 = vector.load %arg1[%get3A_2, %get3A_3] : memref<20480x32xf32, #tpu.memory_space<vmem>>, vector<10000x32xf32>
    %add3A = arith.addf %get3A_1, %get3A_4 : vector<10000x32xf32>
    %get3A_5 = arith.constant 0 : index
    %get3A_6 = arith.constant 0 : index
    %get3A_7 = vector.load %arg2[%get3A_5, %get3A_6] : memref<10000x1xf32, #tpu.memory_space<vmem>>, vector<10000x1xf32>
    %slice3A = vector.extract_strided_slice %add3A {offsets = [0, 0], sizes = [10000, 16], strides = [1, 1]} : vector<10000x32xf32> to vector<10000x16xf32>
    %div3A = vector.broadcast %get3A_7 : vector<10000x1xf32> to vector<10000x16xf32>
    %div3A_8 = arith.divf %slice3A, %div3A : vector<10000x16xf32>
    %get3A_9 = arith.constant 0 : index
    %get3A_10 = arith.constant 0 : index
    %get3A_11 = vector.load %arg0[%get3A_9, %get3A_10] : memref<10000x32xf32, #tpu.memory_space<vmem>>, vector<10000x16xf32>
    %get3A_12 = arith.constant 0 : index
    %get3A_13 = arith.constant 16 : index
    %get3A_14 = vector.load %arg0[%get3A_12, %get3A_13] : memref<10000x32xf32, #tpu.memory_space<vmem>>, vector<10000x3xf32>
    %get3A_15 = arith.constant 0 : index
    %get3A_16 = arith.constant 0 : index
    %get3A_17 = vector.load %arg3[%get3A_15, %get3A_16] : memref<16x16xf32, #tpu.memory_space<vmem>>, vector<16x16xf32>
    %dot_general3A = arith.constant dense<0.000000e+00> : vector<10000x16xf32>
    %dot_general3A_18 = tpu.matmul %get3A_11, %get3A_17, %dot_general3A {dimension_numbers = #tpu.dot_dimension_numbers<[1], [0], [0], [1], [0, 0, 1, 1], [], []>, transpose_lhs_hint = false} : vector<10000x16xf32>, vector<16x16xf32>, vector<10000x16xf32> -> vector<10000x16xf32>
    %add3A_19 = arith.addf %dot_general3A_18, %div3A_8 : vector<10000x16xf32>
    %get3A_20 = arith.constant 0 : index
    %get3A_21 = arith.constant 0 : index
    %get3A_22 = vector.load %arg4[%get3A_20, %get3A_21] : memref<1x16xf32, #tpu.memory_space<vmem>>, vector<1x16xf32>
    %add3A_23 = vector.broadcast %get3A_22 : vector<1x16xf32> to vector<10000x16xf32>
    %add3A_24 = arith.addf %add3A_19, %add3A_23 : vector<10000x16xf32>
    %max3A = arith.constant 0.000000e+00 : f32
    %max3A_25 = vector.broadcast %max3A : f32 to vector<10000x16xf32>
    %max3A_26 = arith.maximumf %add3A_24, %max3A_25 : vector<10000x16xf32>
    %slice3A_27 = vector.extract_strided_slice %add3A {offsets = [0, 19], sizes = [10000, 1], strides = [1, 1]} : vector<10000x32xf32> to vector<10000x1xf32>
    %mul3A = vector.broadcast %slice3A_27 : vector<10000x1xf32> to vector<10000x3xf32>
    %mul3A_28 = arith.mulf %get3A_14, %mul3A : vector<10000x3xf32>
    %slice3A_29 = vector.extract_strided_slice %add3A {offsets = [0, 16], sizes = [10000, 3], strides = [1, 1]} : vector<10000x32xf32> to vector<10000x3xf32>
    %sub3A = arith.subf %mul3A_28, %slice3A_29 : vector<10000x3xf32>
    %div3A_30 = vector.broadcast %get3A_7 : vector<10000x1xf32> to vector<10000x3xf32>
    %div3A_31 = arith.divf %sub3A, %div3A_30 : vector<10000x3xf32>
    %add3A_32 = arith.addf %get3A_14, %div3A_31 : vector<10000x3xf32>
    %swap3A = arith.constant 0 : index
    %swap3A_33 = arith.constant 0 : index
    %swap3A_34 = vector.load %arg10[%swap3A, %swap3A_33] : memref<10000x3xf32, #tpu.memory_space<vmem>>, vector<10000x3xf32>
    tpu.vector_store %arg10[%swap3A, %swap3A_33], %add3A_32 {strides = array<i32>} : memref<10000x3xf32, #tpu.memory_space<vmem>>, vector<10000x3xf32>,
    %get3A_35 = arith.constant 0 : index
    %get3A_36 = arith.constant 0 : index
    %get3A_37 = vector.load %arg5[%get3A_35, %get3A_36] : memref<16x32xf32, #tpu.memory_space<vmem>>, vector<16x32xf32>
    %dot_general3A_38 = arith.constant dense<0.000000e+00> : vector<10000x32xf32>
    %dot_general3A_39 = tpu.matmul %max3A_26, %get3A_37, %dot_general3A_38 {dimension_numbers = #tpu.dot_dimension_numbers<[1], [0], [0], [1], [0, 0, 1, 1], [], []>, transpose_lhs_hint = false} : vector<10000x16xf32>, vector<16x32xf32>, vector<10000x32xf32> -> vector<10000x32xf32>
    %get3A_40 = arith.constant 0 : index
    %get3A_41 = arith.constant 0 : index
    %get3A_42 = vector.load %arg6[%get3A_40, %get3A_41] : memref<1x32xf32, #tpu.memory_space<vmem>>, vector<1x32xf32>
    %add3A_43 = vector.broadcast %get3A_42 : vector<1x32xf32> to vector<10000x32xf32>
    %add3A_44 = arith.addf %dot_general3A_39, %add3A_43 : vector<10000x32xf32>
    %max3A_45 = arith.constant 0.000000e+00 : f32
    %max3A_46 = vector.broadcast %max3A_45 : f32 to vector<10000x32xf32>
    %max3A_47 = arith.maximumf %add3A_44, %max3A_46 : vector<10000x32xf32>
    %get3A_48 = arith.constant 0 : index
    %get3A_49 = arith.constant 0 : index
    %get3A_50 = vector.load %arg7[%get3A_48, %get3A_49] : memref<32x1xf32, #tpu.memory_space<vmem>>, vector<32x1xf32>
    %dot_general3A_51 = arith.constant dense<0.000000e+00> : vector<10000x1xf32>
    %dot_general3A_52 = tpu.matmul %max3A_47, %get3A_50, %dot_general3A_51 {dimension_numbers = #tpu.dot_dimension_numbers<[1], [0], [0], [1], [0, 0, 1, 1], [], []>, transpose_lhs_hint = false} : vector<10000x32xf32>, vector<32x1xf32>, vector<10000x1xf32> -> vector<10000x1xf32>
    %get3A_53 = arith.constant 0 : index
    %get3A_54 = arith.constant 0 : index
    %get3A_55 = vector.load %arg8[%get3A_53, %get3A_54] : memref<1x1xf32, #tpu.memory_space<vmem>>, vector<1x1xf32>
    %add3A_56 = vector.broadcast %get3A_55 : vector<1x1xf32> to vector<10000x1xf32>
    %add3A_57 = arith.addf %dot_general3A_52, %add3A_56 : vector<10000x1xf32>
    %swap3A_58 = arith.constant 0 : index
    %swap3A_59 = arith.constant 0 : index
    %swap3A_60 = vector.load %arg9[%swap3A_58, %swap3A_59] : memref<10000x1xf32, #tpu.memory_space<vmem>>, vector<10000x1xf32>
    tpu.vector_store %arg9[%swap3A_58, %swap3A_59], %add3A_57 {strides = array<i32>} : memref<10000x1xf32, #tpu.memory_space<vmem>>, vector<10000x1xf32>,
    return
  }
}

</mosaic_0001>

<sc_bundles>
// kernel: gather_offload_async_start.1
scs
__scs_entry_jumppad:
0x0: {  	(pc) =	sbr.rel $0x88, $3  }
0x1: {  	(tag) =	ssettag $0x0;
	lr =	simm.s32 $0x1  }
0x2: {  	[smem:$0x3F8C] =	sst lr;
	_ =	strace $0xD0000000  }
0x3: {  	_ = 	snop  }
0x4: {  	_ = 	snop  }
0x5: {  	_ = 	snop  }
0x6: {  	_ = 	snop  }
0x7: {  	_ = 	snop  }
__scs_overlays_trampoline_lowered:
0x8: {  	[smem:$0x3F9B] =	sst s0  }
0x9: {  	[smem:$0x3F9C] =	sst s1  }
0xa: {  	[smem:$0x3F9D] =	sst s2  }
0xb: {  	[smem:$0x3F9E] =	sst s3  }
0xc: {  	[smem:$0x3F9F] =	sst s4  }
0xd: {  	[smem:$0x3FA0] =	sst s5  }
0xe: {  	[smem:$0x3FA1] =	sst s6  }
0xf: {  	[smem:$0x3FA2] =	sst s7  }
0x10: {  	[smem:$0x3FA3] =	sst s8  }
0x11: {  	[smem:$0x3FA4] =	sst s9;
	s0 =	simm.s32 @!p0 $0x0  }
0x12: {  	s1 =	sld [smem:$0x3F8A];
	s0 =	simm.s32 @p0 $0x1  }
0x13: {  	[smem:$0x3FA5] =	sst s0;
	s0 =	simm.s32 @!p1 $0x0  }
0x14: {  	s2 =	sld [smem:$0x3F89];
	s0 =	simm.s32 @p1 $0x1  }
0x15: {  	[smem:$0x3FA6] =	sst s0;
	s0 =	simm.s32 @!p2 $0x0  }
0x16: {  	s3 =	sld [smem:$0x3FDB];
	s0 =	simm.s32 @p2 $0x1  }
0x17: {  	s4 =	simm.s32 $0x1BF5;
	[smem:$0x3FA8] =	sst s0  }
0x18: {  	s0 =	sld [smem:$0x3F8B];
	_ =	swait.ge [sflag:s4], $0x0  }
0x19: {  	s7 =	sld [smem:$0x3F8C]  }
0x1a: {  	s8 =	sadd.s32 $0xFFFFE003, lr  }
0x1b: {  	s9 =	sadd.s32 $0xFFFFFEF7, lr;
	s5 =	simm.s32 $0xFFFFFFFF;
	p2 =	slt.u32 s8, $0xFFFFF086  }
0x1c: {  	p1 =	slt.u32 s9, $0xF7A;
	s5 =	simm.s32 @!p2 $0x0  }
0x1d: {  	s5 =	simm.s32 @p1 $0x1;
	p0 =	seq.s32 s7, s2  }
0x1e: {  	s7 =	smul.u32 @!p0 $0xF7A, s2;
	p2 =	seq.s32 @!p0 s5, $0x0  }
0x1f: {  	s9 =	smul.u32 $0xF7A, s1;
	s8 =	simm.s32 @!p0 $0x1BF5;
	p2 =	por !p2, p0  }
0x20: {  	[sflag:s8] =	ssyncset.s32 @!p0 $0xFFFFF086;
	s6 =	sadd.s32 @!p0 s3, s7;
	s7 =	simm.s32 @!p0 $0x108  }
0x21: {  	s3 =	sadd.s32 s3, s9;
	s6 =	sadd.s32 @!p0 $0x88, s6;
	s7 =	simm.s32 @p2 $0x1082  }
0x22: {  	[simem:s7], [sflag:s8] =	dma.local @!p0 [hbm:s6], $0xF7A  }
0x23: {  	s9 =	sor.u32 $0xD0000000, s2;
	s6 =	simm.s32 $0x108;
	_ =	swait.ge @!p0 [sflag:s8], $0x0  }
0x24: {  	s3 =	sadd.s32 $0x88, s3;
	s6 =	simm.s32 @!p1 $0x1082;
	[sflag:s4] =	ssyncset.s32 $0xFFFFF086  }
0x25: {  	[simem:s6], [sflag:s4] =	dma.local [hbm:s3], $0xF7A  }
0x26: {  	[smem:$0x3F8C] =	sst s1;
	(tag) =	ssettag s2;
	_ =	strace s9  }
0x27: {  	s1 =	sld [smem:$0x3F9C]  }
0x28: {  	s2 =	sld [smem:$0x3F9D]  }
0x29: {  	s4 =	sld [smem:$0x3F9F]  }
0x2a: {  	p0 =	seq.s32 s5, $0x0;
	s5 =	sld [smem:$0x3FA0]  }
0x2b: {  	s6 =	sld [smem:$0x3FA1]  }
0x2c: {  	s7 =	sld [smem:$0x3FA2]  }
0x2d: {  	s3 =	simm.s32 $0x108;
	s8 =	sld [smem:$0x3FA3]  }
0x2e: {  	s3 =	simm.s32 @!p0 $0x1082;
	s9 =	sld [smem:$0x3FA4]  }
0x2f: {  	lr =	sadd.s32 s0, s3;
	s0 =	sld [smem:$0x3F9B]  }
0x30: {  	s3 =	sld [smem:$0x3F9E]  }
0x31: {  	[smem:$0x3FA7] =	sst s10  }
0x32: {  	s10 =	sld [smem:$0x3FA5];
	_ =	sdelay $0x3  }
0x33: {  	p0 =	seq.s32 s10, $0x1;
	s10 =	sld [smem:$0x3FA7];
	_ =	sdelay $0x3  }
0x34: {  	[smem:$0x3FA7] =	sst s10  }
0x35: {  	s10 =	sld [smem:$0x3FA6];
	_ =	sdelay $0x3  }
0x36: {  	p1 =	seq.s32 s10, $0x1;
	s10 =	sld [smem:$0x3FA7];
	_ =	sdelay $0x3  }
0x37: {  	[smem:$0x3FA7] =	sst s10  }
0x38: {  	s10 =	sld [smem:$0x3FA8]  }
0x39: {  	_ = 	snop;
	(pc) =	sbr.ind lr, $3  }
0x3a: {  	_ = 	snop  }
0x3b: {  	_ = 	snop  }
0x3c: {  	p2 =	seq.s32 s10, $0x1;
	s10 =	sld [smem:$0x3FA7]  }
0x3d: {  	_ =	shalt  }
0x3e: {  	_ =	shalt  }
0x3f: {  	_ =	shalt  }
0x40: {  	_ =	shalt  }
0x41: {  	_ =	shalt  }
0x42: {  	_ =	shalt  }
0x43: {  	_ =	shalt  }
0x44: {  	_ =	shalt  }
0x45: {  	_ =	shalt  }
0x46: {  	_ =	shalt  }
0x47: {  	_ =	shalt  }
0x48: {  	_ =	shalt  }
0x49: {  	_ =	shalt  }
0x4a: {  	_ =	shalt  }
0x4b: {  	_ =	shalt  }
0x4c: {  	_ =	shalt  }
0x4d: {  	_ =	shalt  }
0x4e: {  	_ =	shalt  }
0x4f: {  	_ =	shalt  }
0x50: {  	_ =	shalt  }
0x51: {  	_ =	shalt  }
0x52: {  	_ =	shalt  }
0x53: {  	_ =	shalt  }
0x54: {  	_ =	shalt  }
0x55: {  	_ =	shalt  }
0x56: {  	_ =	shalt  }
0x57: {  	_ =	shalt  }
0x58: {  	_ =	shalt  }
0x59: {  	_ =	shalt  }
0x5a: {  	_ =	shalt  }
0x5b: {  	_ =	shalt  }
0x5c: {  	_ =	shalt  }
0x5d: {  	_ =	shalt  }
0x5e: {  	_ =	shalt  }
0x5f: {  	_ =	shalt  }
0x60: {  	_ =	shalt  }
0x61: {  	_ =	shalt  }
0x62: {  	_ =	shalt  }
0x63: {  	_ =	shalt  }
0x64: {  	_ =	shalt  }
0x65: {  	_ =	shalt  }
0x66: {  	_ =	shalt  }
0x67: {  	_ =	shalt  }
0x68: {  	_ =	shalt  }
0x69: {  	_ =	shalt  }
0x6a: {  	_ =	shalt  }
0x6b: {  	_ =	shalt  }
0x6c: {  	_ =	shalt  }
0x6d: {  	_ =	shalt  }
0x6e: {  	_ =	shalt  }
0x6f: {  	_ =	shalt  }
0x70: {  	_ =	shalt  }
0x71: {  	_ =	shalt  }
0x72: {  	_ =	shalt  }
0x73: {  	_ =	shalt  }
0x74: {  	_ =	shalt  }
0x75: {  	_ =	shalt  }
0x76: {  	_ =	shalt  }
0x77: {  	_ =	shalt  }
0x78: {  	_ =	shalt  }
0x79: {  	_ =	shalt  }
0x7a: {  	_ =	shalt  }
0x7b: {  	_ =	shalt  }
0x7c: {  	_ =	shalt  }
0x7d: {  	_ =	shalt  }
0x7e: {  	_ =	shalt  }
0x7f: {  	_ =	shalt  }
0x80: {  	_ =	shalt  }
0x81: {  	_ =	shalt  }
0x82: {  	_ =	shalt  }
0x83: {  	_ =	shalt  }
0x84: {  	_ =	shalt  }
0x85: {  	_ =	shalt  }
0x86: {  	_ =	shalt  }
0x87: {  	_ =	shalt  }
.Lfunc_end0:
.L_simem_size_0:
called_computation.1_lowered:
.L_overlay_start_0:
0x88: {  	s2 =	sld [smem:$0x3FD9]  }
0x89: {  	s3 =	sld [smem:$0x3FFE];
	_ =	sdelay $0x1  }
0x8a: {  	s1 =	srdreg.scid  }
0x8b: {  	s0 =	sand.u32 $0x1, s1  }
0x8c: {  	s17 =	sshll.u32 s0, $0xA;
	s2 =	sadd.s32 s3, s2  }
0x8d: {  	s2 =	sadd.s32 s2, s17  }
0x8e: {  	[smem:$0x3FB3] =	sst s2  }
0x8f: {  	_ = 	snop  }
0x90: {  	(tm) =	ssettm $0x1  }
0x91: {  	s18 =	sld [smem:$0x3FFB];
	_ =	sdelay $0x3  }
0x92: {  	_ =	strace s18  }
0x93: {  	s2 =	sld [smem:$0x3FFC];
	_ =	sdelay $0x3  }
0x94: {  	_ =	strace s2  }
0x95: {  	s2 =	sld [smem:$0x3FFD];
	_ =	sdelay $0x3  }
0x96: {  	_ =	strace s2  }
0x97: {  	_ =	strace $0x8FFFFFFF  }
0x98: {  	s19 =	sld [smem:$0x3FDB];
	_ =	sdelay $0x1  }
0x99: {  	s20 =	simm.s32 $_scs_section_size  }
0x9a: {  	s4 =	simm.s32 $_size__tile_overlayer_lowered;
	s5 =	simm.s32 $_tile_overlayer_lowered  }
0x9b: {  	s6 =	simm.s32 $0x1BFF;
	s21 =	sshll.u32 s5, $0x1;
	s3 =	sadd.s32 s20, s19  }
0x9c: {  	s22 =	simm.s32 $0x0;
	s4 =	sshll.u32 s4, $0x1;
	s5 =	sadd.s32 s21, s3  }
0x9d: {  	[timem:s22], [sflag:s6] =	dma.local [hbm:s5], s4  }
0x9e: {  	_ =	swait.ge [sflag:s6], s4  }
0x9f: {  	s4 =	ssub.s32 $0x0, s4;
	[sflag:s6] =	ssyncset.done $0x0  }
0xa0: {  	[sflag:s6] =	ssyncadd.s32 s4;
	_ =	sdelay $0x1  }
0xa1: {  	s23 =	simm.s32 $0x1B8B  }
0xa2: {  	_ =	swait.ge [sflag:s23], $0x1  }
0xa3: {  	[sflag:s23] =	ssyncset.done $0x0  }
0xa4: {  	[sflag:s23] =	ssyncadd.s32 $0xFFFFFFFF  }
0xa5: {  	s4 =	sld [smem:$0x0]  }
0xa6: {  	s5 =	sand.u32 $0xFFFFFFFE, s1  }
0xa7: {  	p0 =	sne.s32 s1, s5  }
0xa8: {  	s5 =	sshll.u32 @p0 s5, $0xE  }
0xa9: {  	s5 =	sadd.s32 @p0 $0x11B8D, s5;
	s6 =	sshll.u32 @p0 s4, $0x11  }
0xaa: {  	s5 =	sor.u32 @p0 s6, s5  }
0xab: {  	[sflag:s5] =	ssyncadd.remote.s32 @p0 $0x1;
	_ =	sdelay $0x1  }
0xac: {  	s5 =	simm.s32 @p0 $0x1B8D  }
0xad: {  	_ =	swait.eq @p0 [sflag:s5], $0x1  }
0xae: {  	[sflag:s5] =	ssyncadd.s32 @p0 $0xFFFFFFFF  }
0xaf: {  	s6 =	sshll.u32 @!p0 s1, $0xE  }
0xb0: {  	s6 =	sor.u32 @!p0 $0x4000, s6;
	s5 =	simm.s32 @!p0 $0x1B8D  }
0xb1: {  	s4 =	sshll.u32 @!p0 s4, $0x11;
	s6 =	sadd.s32 @!p0 $0x11B8D, s6;
	_ =	swait.eq @!p0 [sflag:s5], $0x1  }
0xb2: {  	s4 =	sor.u32 @!p0 s4, s6;
	[sflag:s5] =	ssyncadd.s32 @!p0 $0xFFFFFFFF  }
0xb3: {  	s25 =	simm.s32 $0x1B8E;
	s24 =	sld [smem:$0x3FFE];
	[sflag:s4] =	ssyncadd.remote.s32 @!p0 $0x1  }
0xb4: {  	s26 =	simm.s32 $execute0_lowered;
	[smem:$0x3FD2] =	sst s25  }
0xb5: {  	s5 =	sshll.u32 s26, $0x1;
	_ =	strace $0x8000004C;
	[dreg:$0x1] =	wrdreg $0xFFFFFFFF  }
0xb6: {  	s28 =	simm.s32 $_size_execute0_lowered;
	s3 =	sadd.s32 s3, s5;
	[dreg:$0x0] =	wrdreg $0x0  }
0xb7: {  	s5 =	sshll.u32 s28, $0x1;
	[dreg:$0x2] =	wrdreg s3  }
0xb8: {  	[dreg:$0x3] =	wrdreg s5  }
0xb9: {  	[dreg:$0x4] =	wrdreg $0xC0  }
0xba: {  	_ =	task [dreg:s22], $0x5FFFF  }
0xbb: {  	[dreg:$0x1] =	wrdreg $0xFFFFFFFF  }
0xbc: {  	[dreg:$0x0] =	wrdreg $0x60  }
0xbd: {  	[dreg:$0x2] =	wrdreg s24  }
0xbe: {  	[dreg:$0x3] =	wrdreg $0x9  }
0xbf: {  	_ =	task.clear_ibuf [dreg:s22], $0x4FFFF;
	_ =	strace $0x9000004C  }
0xc0: {  	s29 =	simm.s32 $0x9;
	_ =	strace $0x8000004E  }
0xc1: {  	_ =	swait.ge [sflag:s29], $0x1  }
0xc2: {  	[sflag:s29] =	ssyncadd.s32 $0xFFFFFFFF  }
0xc3: {  	_ =	strace $0x9000004E  }
0xc4: {  	_ =	sfence  }
0xc5: {  	s30 =	sld [smem:$0x0];
	_ =	sdelay $0x2  }
0xc6: {  	s31 =	sshll.u32 s1, $0xD;
	s1 =	sshrl.u32 s1, $0x2  }
0xc7: {  	s4 =	sand.u32 $0x4000, s31;
	s1 =	sadd.s32 s1, s30  }
0xc8: {  	s0 =	sor.u32 s4, s0;
	s1 =	sshll.u32 s1, $0x11  }
0xc9: {  	s0 =	sor.u32 s1, s0  }
0xca: {  	s0 =	sadd.s32 $0x8F2B, s0  }
0xcb: {  	[sflag:s0] =	ssyncadd.remote.s32 $0x1  }
0xcc: {  	_ =	sfence.sel $0xFFFF  }
0xcd: {  	[dreg:$0x0] =	wrdreg $0xFFFFFFFF;
	(pc) =	sbr.abs _section_cstart, $3  }
0xce: {  	[dreg:$0x1] =	wrdreg $0xFFFFFFFF  }
0xcf: {  	_ =	task.clear_ibuf [dreg:s22], $0x2FFFF;
	_ =	strace $0x9FFFFFFF  }
0xd0: {  	(tm) =	ssettm $0x7FFFFFFF  }
0xd1: {  	_ =	shalt  }
tec
execute0_lowered:
.L_overlay_start_1:
0x0: {  	(tag) =	ssettag $0x1  }
0x1: {  	s0 =	srdreg.scid;
	s5 =	rddreg [dreg:$0x0]  }
0x2: {  	s1 =	stileid.u32;
	s6 =	simm.s32 $0x1;
	s9 =	simm.s32 $0x1  }
0x3: {  	s10 =	simm.s32 $0x3;
	s13 =	simm.s32 $0x0;
	s2 =	sshll.u32 s0, $0xC  }
0x4: {  	s12 =	simm.s32 $0x0;
	s3 =	sshll.u32 s1, $0xD;
	s2 =	sand.u32 $0x1000, s2  }
0x5: {  	s0 =	rddreg [dreg:$0x1];
	_ =	strace $0x8000004D;
	s2 =	sor.u32 s3, s2  }
0x6: {  	s4 =	sadd.s32 $0xA800, s5;
	[sflag:s6] =	ssyncpa.u1 $0x0;
	s8 =	ssub.s32 $0x28000, s2  }
.Ltmp0:
0x7: {  	s3 =	sadd.s32 $0xF800, s5;
	s7 =	sand.u32 $0x1F000, s8;
	(pc) =	sbr.rel .LBB2_1-.Ltmp0, $4  }
0x8: {  	s5 =	sadd.s32 $0x35B800, s5;
	s11 =	smov.u32 s2;
	p0 =	sne.s32 s7, $0x0  }
0x9: {  	s8 =	sshrl.u32 s8, $0x11;
	s7 =	simm.s32 $0x2;
	s9 =	simm.s32 @!p0 $0x0  }
0xa: {  	[sflag:s7] =	ssyncpa.u1 $0x0;
	p0 =	por $0x0, $0x0;
	s8 =	sadd.s32 s9, s8  }
0xb: {  	vm0 =	vmmov $0xffff;
	[sflag:s10] =	ssyncpa.u1 $0x0;
	s10 =	simm.s32 $0x0;
	s9 =	sadd.s32 $0x1, s8  }
.LBB2_4:
0xc: {  	v2 =	vnsel vm1, $0x0, v2  }
0xd: {  	vm1 =	vgt.s32 v0, $0x0;
	v2 =	vmin.u32 v2, $0x27FFF  }
0xe: {  	v0 =	vnsel vm1, $0x0, v0  }
0xf: {  	v0 =	vmin.u32 v0, $0x27FFF  }
0x10: {  	[tilespmem:s15], [sflag:$0x1] =	stream.indirect_vreg.gather [hbm4b:s3+s10], $0x1, v1, vm0, $0x4038;
	[tilespmem:$0x4000] =	vst v63  }
0x11: {  	(ifvalue) =	ssetifvalue $0x7FFFFFFF  }
0x12: {  	[tilespmem:s16], [sflag:$0x1] =	stream.indirect_vreg.gather [hbm4b:s3+s10], $0x1, v2, vm0, $0x4038;
	[tilespmem:$0x4000] =	vst v63  }
0x13: {  	s29 =	sadd.s32 $0x10, s16;
	(ifvalue) =	ssetifvalue $0x7FFFFFFF  }
0x14: {  	[tilespmem:s29], [sflag:$0x1] =	stream.indirect_vreg.gather [hbm4b:s3+s10], $0x1, v0, vm0, $0x4038;
	[tilespmem:$0x4000] =	vst v63  }
0x15: {  	_ =	swait.ge [sflag:s6], $0x1000  }
0x16: {  	s30 =	sshrl.u32 s13, $0x3;
	[sflag:s6] =	ssyncset.done $0x0  }
0x17: {  	s31 =	sand.u32 $0x7, s13;
	s15 =	sadd.s32 s5, s30;
	[sflag:s6] =	ssyncadd.s32 $0xFFFFF000  }
0x18: {  	[hbm4b:s15+s31] =	stream.linear.scatter [tilespmem:s14], [sflag:$0x3], $0x1000, $0x38;
	[tilespmem:$0x4000] =	vst v63  }
.LBB2_5:
0x19: {  	s15 =	sadd.s32 $0x20000, s11  }
0x1a: {  	p2 =	sgt.s32 s15, $0x27FFF  }
0x1b: {  	s15 =	smov.u32 @p2 s2;
	p2 =	sne.s32 s12, s9  }
.Ltmp1:
0x1c: {  	p1 =	slt.u32 s12, $0x2;
	(pc) =	sbr.rel @!p2 .LBB2_6-.Ltmp1, $4  }
0x1d: {  	s14 =	simm.s32 @!p1 $0x3  }
0x1e: {  	s16 =	sadd.s32 $0x1, s12;
	_ =	swait.ge @!p1 [sflag:s14], $0x1000  }
0x1f: {  	s13 =	smov.u32 s11;
	p0 =	por !p0, !p0;
	[sflag:s14] =	ssyncset.done @!p1 $0x0  }
0x20: {  	s12 =	smov.u32 s16;
	s11 =	smov.u32 s15;
	[sflag:s14] =	ssyncadd.s32 @!p1 $0xFFFFF000  }
.LBB2_1:
0x21: {  	p1 =	sge.u32 s12, s8  }
0x22: {  	s14 =	sxor.u32 @!p1 $0xFFFFFFFF, s12  }
0x23: {  	s31 =	sadd.s32 $0xFFFFFFFF, s12;
	s15 =	sshrl.u32 @!p1 s11, $0x3;
	s14 =	sshll.u32 @!p1 s14, $0xC  }
0x24: {  	s16 =	sand.u32 @!p1 $0x7, s11;
	s15 =	sadd.s32 @!p1 s4, s15;
	s14 =	sand.u32 @!p1 $0x1000, s14  }
0x25: {  	[tilespmem:s14], [sflag:$0x2] =	stream.linear.gather @!p1 [hbm4b:s15+s16], $0x1000, $0x38;
	[tilespmem:$0x4000] =	vst v63  }
0x26: {  	p1 =	sge.u32 s31, s8  }
.Ltmp2:
0x27: {  	_ = 	snop;
	(pc) =	sbr.rel @p1 .LBB2_5-.Ltmp2, $1  }
0x28: {  	_ =	sdelay $0x3  }
0x29: {  	s14 =	simm.s32 $0x1  }
0x2a: {  	_ =	swait.ge [sflag:s7], $0x1000;
	s14 =	simm.s32 @!p0 $0x0  }
0x2b: {  	[sflag:s7] =	ssyncset.done $0x0;
	s14 =	sshll.u32 s14, $0xC  }
0x2c: {  	[sflag:s7] =	ssyncadd.s32 $0xFFFFF000;
	(ifvalue) =	ssetifvalue $0x7FFFFFFF;
	v0 =	vld.msk [tilespmem:s14+$0x0 ss:$0x1], $0xffff;
	_ =	sdelay $0x4  }
0x2d: {  	s15 =	sadd.s32 $0x10, s14;
	vm1 =	vgt.s32 v0, $0x0  }
0x2e: {  	v2 =	vld.msk [tilespmem:s15+$0x0 ss:$0x1], $0xffff;
	v1 =	vnsel vm1, $0x0, v0  }
0x2f: {  	v1 =	vmin.u32 v1, $0x27FFF;
	_ =	sdelay $0x1  }
0x30: {  	s16 =	sshll.u32 s12, $0xC;
	s18 =	simm.s32 $0x20  }
0x31: {  	s16 =	sand.u32 $0x1000, s16;
	s17 =	sadd.s32 $0x10, s15;
	s15 =	sor.u32 $0x2000, s14  }
0x32: {  	s14 =	sor.u32 $0x2000, s16;
	s16 =	sadd.s32 $0x10, s15;
	v0 =	vld.msk [tilespmem:s17+$0x0 ss:$0x1], $0xffff;
	vm1 =	vgt.s32 v2, $0x0;
	(ifvalue) =	ssetifvalue $0x7FFFFFFF  }
.LBB2_3:
0x33: {  	[tilespmem:s15], [sflag:$0x1] =	stream.indirect_vreg.gather [hbm4b:s3+s10], $0x1, v1, vm0, $0x4038;
	[tilespmem:$0x4000] =	vst v63  }
0x34: {  	s18 =	sadd.s32 $0x10, s18  }
0x35: {  	v2 =	vnsel vm1, $0x0, v2;
	p1 =	slt.u32 s18, $0xFF0  }
.Ltmp3:
0x36: {  	s15 =	smov.u32 s16;
	v1 =	vmin.u32 v2, $0x27FFF;
	(pc) =	sbr.rel @p1 .LBB2_3-.Ltmp3, $3  }
0x37: {  	_ =	sdelay $0x1  }
0x38: {  	s17 =	sadd.s32 $0x10, s17  }
0x39: {  	vm1 =	vgt.s32 v0, $0x0;
	s16 =	sadd.s32 $0x10, s16;
	v2 =	vmov v0;
	(ifvalue) =	ssetifvalue $0x7FFFFFFF;
	v0 =	vld.msk [tilespmem:s17+$0x0 ss:$0x1], $0xffff  }
.Ltmp4:
0x3a: {  	_ = 	snop;
	(pc) =	sbr.rel .LBB2_4-.Ltmp4, $1  }
0x3b: {  	_ =	sdelay $0x3  }
.LBB2_6:
0x3c: {  	_ =	sfence.sel $0x180000  }
0x3d: {  	s2 =	simm.s32 $0x2;
	[bflag:$0x0] =	sbarrier.arrive $0xFFFF  }
0x3e: {  	s30 =	simm.s32 $0x3;
	[sflag:s2] =	ssyncpa.u1 $0x1  }
0x3f: {  	s31 =	simm.s32 $0x1;
	[sflag:s30] =	ssyncpa.u1 $0x1  }
0x40: {  	[sflag:s31] =	ssyncpa.u1 $0x1  }
0x41: {  	p0 =	sne.s32 s1, $0x0;
	_ =	strace $0x9000004D  }
0x42: {  	s0 =	sadd.s32 @!p0 $0x100000, s0;
	[bflag:$0x2] =	sbarrier.arrive $0xFFFF  }
0x43: {  	[sflag:s0] =	ssyncadd.tile.s32 @!p0 $0x1;
	_ =	shalt  }
.Lfunc_end2:
_tile_overlayer_lowered:
.L_overlay_start_2:
0x44: {  	(tag) =	ssettag $0x2  }
0x45: {  	s0 =	rddreg [dreg:$0x0];
	s2 =	stileid.u32  }
0x46: {  	s1 =	rddreg [dreg:$0x1];
	p0 =	sne.s32 s2, $0x0  }
0x47: {  	s3 =	rddreg [dreg:$0x2];
	[bflag:$0x3] =	sbarrier.arrive $0xFFFF;
	s2 =	simm.s32 @!p0 $0x1C01  }
0x48: {  	[timem:s3], [sflag:s2] =	dma.local @!p0 [hbm:s0], s1  }
0x49: {  	s0 =	simm.s32 @!p0 $0x1  }
0x4a: {  	_ =	swait.ge @!p0 [sflag:s0], s1  }
0x4b: {  	s1 =	ssub.s32 @!p0 $0x0, s1;
	[sflag:s0] =	ssyncset.done @!p0 $0x0  }
0x4c: {  	[sflag:s0] =	ssyncadd.s32 @!p0 s1  }
0x4d: {  	[bflag:$0x3] =	sbarrier.arrive $0xFFFF  }
0x4e: {  	_ =	shalt  }

// kernel: gather_offload_async_start
scs
__scs_entry_jumppad:
0x0: {  	(pc) =	sbr.rel $0x88, $3  }
0x1: {  	(tag) =	ssettag $0x0;
	lr =	simm.s32 $0x1  }
0x2: {  	[smem:$0x3F8C] =	sst lr;
	_ =	strace $0xD0000000  }
0x3: {  	_ = 	snop  }
0x4: {  	_ = 	snop  }
0x5: {  	_ = 	snop  }
0x6: {  	_ = 	snop  }
0x7: {  	_ = 	snop  }
__scs_overlays_trampoline_lowered:
0x8: {  	[smem:$0x3F9B] =	sst s0  }
0x9: {  	[smem:$0x3F9C] =	sst s1  }
0xa: {  	[smem:$0x3F9D] =	sst s2  }
0xb: {  	[smem:$0x3F9E] =	sst s3  }
0xc: {  	[smem:$0x3F9F] =	sst s4  }
0xd: {  	[smem:$0x3FA0] =	sst s5  }
0xe: {  	[smem:$0x3FA1] =	sst s6  }
0xf: {  	[smem:$0x3FA2] =	sst s7  }
0x10: {  	[smem:$0x3FA3] =	sst s8  }
0x11: {  	[smem:$0x3FA4] =	sst s9;
	s0 =	simm.s32 @!p0 $0x0  }
0x12: {  	s1 =	sld [smem:$0x3F8A];
	s0 =	simm.s32 @p0 $0x1  }
0x13: {  	[smem:$0x3FA5] =	sst s0;
	s0 =	simm.s32 @!p1 $0x0  }
0x14: {  	s2 =	sld [smem:$0x3F89];
	s0 =	simm.s32 @p1 $0x1  }
0x15: {  	[smem:$0x3FA6] =	sst s0;
	s0 =	simm.s32 @!p2 $0x0  }
0x16: {  	s3 =	sld [smem:$0x3FDB];
	s0 =	simm.s32 @p2 $0x1  }
0x17: {  	s4 =	simm.s32 $0x1BF5;
	[smem:$0x3FA8] =	sst s0  }
0x18: {  	s0 =	sld [smem:$0x3F8B];
	_ =	swait.ge [sflag:s4], $0x0  }
0x19: {  	s7 =	sld [smem:$0x3F8C]  }
0x1a: {  	s8 =	sadd.s32 $0xFFFFE003, lr  }
0x1b: {  	s9 =	sadd.s32 $0xFFFFFEF7, lr;
	s5 =	simm.s32 $0xFFFFFFFF;
	p2 =	slt.u32 s8, $0xFFFFF086  }
0x1c: {  	p1 =	slt.u32 s9, $0xF7A;
	s5 =	simm.s32 @!p2 $0x0  }
0x1d: {  	s5 =	simm.s32 @p1 $0x1;
	p0 =	seq.s32 s7, s2  }
0x1e: {  	s7 =	smul.u32 @!p0 $0xF7A, s2;
	p2 =	seq.s32 @!p0 s5, $0x0  }
0x1f: {  	s9 =	smul.u32 $0xF7A, s1;
	s8 =	simm.s32 @!p0 $0x1BF5;
	p2 =	por !p2, p0  }
0x20: {  	[sflag:s8] =	ssyncset.s32 @!p0 $0xFFFFF086;
	s6 =	sadd.s32 @!p0 s3, s7;
	s7 =	simm.s32 @!p0 $0x108  }
0x21: {  	s3 =	sadd.s32 s3, s9;
	s6 =	sadd.s32 @!p0 $0x88, s6;
	s7 =	simm.s32 @p2 $0x1082  }
0x22: {  	[simem:s7], [sflag:s8] =	dma.local @!p0 [hbm:s6], $0xF7A  }
0x23: {  	s9 =	sor.u32 $0xD0000000, s2;
	s6 =	simm.s32 $0x108;
	_ =	swait.ge @!p0 [sflag:s8], $0x0  }
0x24: {  	s3 =	sadd.s32 $0x88, s3;
	s6 =	simm.s32 @!p1 $0x1082;
	[sflag:s4] =	ssyncset.s32 $0xFFFFF086  }
0x25: {  	[simem:s6], [sflag:s4] =	dma.local [hbm:s3], $0xF7A  }
0x26: {  	[smem:$0x3F8C] =	sst s1;
	(tag) =	ssettag s2;
	_ =	strace s9  }
0x27: {  	s1 =	sld [smem:$0x3F9C]  }
0x28: {  	s2 =	sld [smem:$0x3F9D]  }
0x29: {  	s4 =	sld [smem:$0x3F9F]  }
0x2a: {  	p0 =	seq.s32 s5, $0x0;
	s5 =	sld [smem:$0x3FA0]  }
0x2b: {  	s6 =	sld [smem:$0x3FA1]  }
0x2c: {  	s7 =	sld [smem:$0x3FA2]  }
0x2d: {  	s3 =	simm.s32 $0x108;
	s8 =	sld [smem:$0x3FA3]  }
0x2e: {  	s3 =	simm.s32 @!p0 $0x1082;
	s9 =	sld [smem:$0x3FA4]  }
0x2f: {  	lr =	sadd.s32 s0, s3;
	s0 =	sld [smem:$0x3F9B]  }
0x30: {  	s3 =	sld [smem:$0x3F9E]  }
0x31: {  	[smem:$0x3FA7] =	sst s10  }
0x32: {  	s10 =	sld [smem:$0x3FA5];
	_ =	sdelay $0x3  }
0x33: {  	p0 =	seq.s32 s10, $0x1;
	s10 =	sld [smem:$0x3FA7];
	_ =	sdelay $0x3  }
0x34: {  	[smem:$0x3FA7] =	sst s10  }
0x35: {  	s10 =	sld [smem:$0x3FA6];
	_ =	sdelay $0x3  }
0x36: {  	p1 =	seq.s32 s10, $0x1;
	s10 =	sld [smem:$0x3FA7];
	_ =	sdelay $0x3  }
0x37: {  	[smem:$0x3FA7] =	sst s10  }
0x38: {  	s10 =	sld [smem:$0x3FA8]  }
0x39: {  	_ = 	snop;
	(pc) =	sbr.ind lr, $3  }
0x3a: {  	_ = 	snop  }
0x3b: {  	_ = 	snop  }
0x3c: {  	p2 =	seq.s32 s10, $0x1;
	s10 =	sld [smem:$0x3FA7]  }
0x3d: {  	_ =	shalt  }
0x3e: {  	_ =	shalt  }
0x3f: {  	_ =	shalt  }
0x40: {  	_ =	shalt  }
0x41: {  	_ =	shalt  }
0x42: {  	_ =	shalt  }
0x43: {  	_ =	shalt  }
0x44: {  	_ =	shalt  }
0x45: {  	_ =	shalt  }
0x46: {  	_ =	shalt  }
0x47: {  	_ =	shalt  }
0x48: {  	_ =	shalt  }
0x49: {  	_ =	shalt  }
0x4a: {  	_ =	shalt  }
0x4b: {  	_ =	shalt  }
0x4c: {  	_ =	shalt  }
0x4d: {  	_ =	shalt  }
0x4e: {  	_ =	shalt  }
0x4f: {  	_ =	shalt  }
0x50: {  	_ =	shalt  }
0x51: {  	_ =	shalt  }
0x52: {  	_ =	shalt  }
0x53: {  	_ =	shalt  }
0x54: {  	_ =	shalt  }
0x55: {  	_ =	shalt  }
0x56: {  	_ =	shalt  }
0x57: {  	_ =	shalt  }
0x58: {  	_ =	shalt  }
0x59: {  	_ =	shalt  }
0x5a: {  	_ =	shalt  }
0x5b: {  	_ =	shalt  }
0x5c: {  	_ =	shalt  }
0x5d: {  	_ =	shalt  }
0x5e: {  	_ =	shalt  }
0x5f: {  	_ =	shalt  }
0x60: {  	_ =	shalt  }
0x61: {  	_ =	shalt  }
0x62: {  	_ =	shalt  }
0x63: {  	_ =	shalt  }
0x64: {  	_ =	shalt  }
0x65: {  	_ =	shalt  }
0x66: {  	_ =	shalt  }
0x67: {  	_ =	shalt  }
0x68: {  	_ =	shalt  }
0x69: {  	_ =	shalt  }
0x6a: {  	_ =	shalt  }
0x6b: {  	_ =	shalt  }
0x6c: {  	_ =	shalt  }
0x6d: {  	_ =	shalt  }
0x6e: {  	_ =	shalt  }
0x6f: {  	_ =	shalt  }
0x70: {  	_ =	shalt  }
0x71: {  	_ =	shalt  }
0x72: {  	_ =	shalt  }
0x73: {  	_ =	shalt  }
0x74: {  	_ =	shalt  }
0x75: {  	_ =	shalt  }
0x76: {  	_ =	shalt  }
0x77: {  	_ =	shalt  }
0x78: {  	_ =	shalt  }
0x79: {  	_ =	shalt  }
0x7a: {  	_ =	shalt  }
0x7b: {  	_ =	shalt  }
0x7c: {  	_ =	shalt  }
0x7d: {  	_ =	shalt  }
0x7e: {  	_ =	shalt  }
0x7f: {  	_ =	shalt  }
0x80: {  	_ =	shalt  }
0x81: {  	_ =	shalt  }
0x82: {  	_ =	shalt  }
0x83: {  	_ =	shalt  }
0x84: {  	_ =	shalt  }
0x85: {  	_ =	shalt  }
0x86: {  	_ =	shalt  }
0x87: {  	_ =	shalt  }
.Lfunc_end0:
.L_simem_size_0:
called_computation_lowered:
.L_overlay_start_0:
0x88: {  	s2 =	sld [smem:$0x3FD9]  }
0x89: {  	s3 =	sld [smem:$0x3FFE];
	_ =	sdelay $0x1  }
0x8a: {  	s1 =	srdreg.scid  }
0x8b: {  	s0 =	sand.u32 $0x1, s1  }
0x8c: {  	s16 =	sshll.u32 s0, $0xA;
	s2 =	sadd.s32 s3, s2  }
0x8d: {  	s2 =	sadd.s32 s2, s16  }
0x8e: {  	[smem:$0x3FB3] =	sst s2  }
0x8f: {  	_ = 	snop  }
0x90: {  	(tm) =	ssettm $0x1  }
0x91: {  	s17 =	sld [smem:$0x3FFB];
	_ =	sdelay $0x3  }
0x92: {  	_ =	strace s17  }
0x93: {  	s2 =	sld [smem:$0x3FFC];
	_ =	sdelay $0x3  }
0x94: {  	_ =	strace s2  }
0x95: {  	s2 =	sld [smem:$0x3FFD];
	_ =	sdelay $0x3  }
0x96: {  	_ =	strace s2  }
0x97: {  	_ =	strace $0x8FFFFFFF  }
0x98: {  	s18 =	sld [smem:$0x3FDB];
	_ =	sdelay $0x1  }
0x99: {  	s19 =	simm.s32 $_scs_section_size  }
0x9a: {  	s4 =	simm.s32 $_size__tile_overlayer_lowered;
	s5 =	simm.s32 $_tile_overlayer_lowered  }
0x9b: {  	s22 =	simm.s32 $0x1BFF;
	s21 =	sshll.u32 s5, $0x1;
	s2 =	sadd.s32 s19, s18  }
0x9c: {  	s6 =	simm.s32 $0x0;
	s20 =	sshll.u32 s4, $0x1;
	s4 =	sadd.s32 s21, s2  }
0x9d: {  	[timem:s6], [sflag:s22] =	dma.local [hbm:s4], s20  }
0x9e: {  	_ =	swait.ge [sflag:s22], s20  }
0x9f: {  	s3 =	ssub.s32 $0x0, s20;
	[sflag:s22] =	ssyncset.done $0x0  }
0xa0: {  	[sflag:s22] =	ssyncadd.s32 s3;
	_ =	sdelay $0x1  }
0xa1: {  	s23 =	simm.s32 $0x1B8B  }
0xa2: {  	_ =	swait.ge [sflag:s23], $0x1  }
0xa3: {  	[sflag:s23] =	ssyncset.done $0x0  }
0xa4: {  	s25 =	simm.s32 $0x1B8E;
	s24 =	sld [smem:$0x3FFE];
	[sflag:s23] =	ssyncadd.s32 $0xFFFFFFFF  }
0xa5: {  	s26 =	simm.s32 $execute0_lowered;
	[smem:$0x3FD2] =	sst s25  }
0xa6: {  	s4 =	sshll.u32 s26, $0x1;
	_ =	strace $0x80000046;
	[dreg:$0x1] =	wrdreg $0xFFFFFFFF  }
0xa7: {  	s28 =	simm.s32 $_size_execute0_lowered;
	s2 =	sadd.s32 s2, s4;
	[dreg:$0x0] =	wrdreg $0x0  }
0xa8: {  	s4 =	sshll.u32 s28, $0x1;
	[dreg:$0x2] =	wrdreg s2  }
0xa9: {  	[dreg:$0x3] =	wrdreg s4  }
0xaa: {  	[dreg:$0x4] =	wrdreg $0xC0  }
0xab: {  	_ =	task [dreg:s6], $0x5FFFF  }
0xac: {  	[dreg:$0x1] =	wrdreg $0xFFFFFFFF  }
0xad: {  	[dreg:$0x0] =	wrdreg $0x60  }
0xae: {  	[dreg:$0x2] =	wrdreg s24  }
0xaf: {  	[dreg:$0x3] =	wrdreg $0x9  }
0xb0: {  	_ =	task.clear_ibuf [dreg:s6], $0x4FFFF;
	_ =	strace $0x90000046  }
0xb1: {  	s29 =	simm.s32 $0x9;
	_ =	strace $0x80000048  }
0xb2: {  	_ =	swait.ge [sflag:s29], $0x1  }
0xb3: {  	[sflag:s29] =	ssyncadd.s32 $0xFFFFFFFF  }
0xb4: {  	_ =	strace $0x90000048  }
0xb5: {  	_ =	sfence  }
0xb6: {  	s30 =	sld [smem:$0x0];
	_ =	sdelay $0x2  }
0xb7: {  	s31 =	sshll.u32 s1, $0xD;
	s1 =	sshrl.u32 s1, $0x2  }
0xb8: {  	s3 =	sand.u32 $0x4000, s31;
	s1 =	sadd.s32 s1, s30  }
0xb9: {  	s0 =	sor.u32 s3, s0;
	s1 =	sshll.u32 s1, $0x11  }
0xba: {  	s0 =	sor.u32 s1, s0  }
0xbb: {  	s0 =	sadd.s32 $0x8F2B, s0  }
0xbc: {  	[sflag:s0] =	ssyncadd.remote.s32 $0x1  }
0xbd: {  	_ =	sfence.sel $0xFFFF  }
0xbe: {  	[dreg:$0x0] =	wrdreg $0xFFFFFFFF;
	(pc) =	sbr.abs _section_cstart, $3  }
0xbf: {  	[dreg:$0x1] =	wrdreg $0xFFFFFFFF  }
0xc0: {  	_ =	task.clear_ibuf [dreg:s6], $0x2FFFF;
	_ =	strace $0x9FFFFFFF  }
0xc1: {  	(tm) =	ssettm $0x7FFFFFFF  }
tec
execute0_lowered:
.L_overlay_start_1:
0x0: {  	(tag) =	ssettag $0x1  }
0x1: {  	s0 =	srdreg.scid;
	s5 =	rddreg [dreg:$0x0]  }
0x2: {  	s1 =	stileid.u32;
	s6 =	simm.s32 $0x1;
	s9 =	simm.s32 $0x1  }
0x3: {  	s10 =	simm.s32 $0x3;
	s13 =	simm.s32 $0x0;
	s2 =	sshll.u32 s0, $0xC  }
0x4: {  	s12 =	simm.s32 $0x0;
	s3 =	sshll.u32 s1, $0xD;
	s2 =	sand.u32 $0x1000, s2  }
0x5: {  	s0 =	rddreg [dreg:$0x1];
	_ =	strace $0x80000047;
	s2 =	sor.u32 s3, s2  }
0x6: {  	s4 =	sadd.s32 $0xA800, s5;
	[sflag:s6] =	ssyncpa.u1 $0x0;
	s8 =	ssub.s32 $0x28000, s2  }
.Ltmp0:
0x7: {  	s3 =	sadd.s32 $0xF800, s5;
	s7 =	sand.u32 $0x1F000, s8;
	(pc) =	sbr.rel .LBB2_1-.Ltmp0, $4  }
0x8: {  	s5 =	sadd.s32 $0x3BA00, s5;
	s11 =	smov.u32 s2;
	p0 =	sne.s32 s7, $0x0  }
0x9: {  	s8 =	sshrl.u32 s8, $0x11;
	s7 =	simm.s32 $0x2;
	s9 =	simm.s32 @!p0 $0x0  }
0xa: {  	[sflag:s7] =	ssyncpa.u1 $0x0;
	p0 =	por $0x0, $0x0;
	s8 =	sadd.s32 s9, s8  }
0xb: {  	vm0 =	vmmov $0xffff;
	[sflag:s10] =	ssyncpa.u1 $0x0;
	s10 =	simm.s32 $0x0;
	s9 =	sadd.s32 $0x1, s8  }
.LBB2_4:
0xc: {  	v2 =	vnsel vm1, $0x0, v2  }
0xd: {  	vm1 =	vgt.s32 v0, $0x0;
	v2 =	vmin.u32 v2, $0x27FFF  }
0xe: {  	v0 =	vnsel vm1, $0x0, v0  }
0xf: {  	v0 =	vmin.u32 v0, $0x27FFF  }
0x10: {  	[tilespmem:s15], [sflag:$0x1] =	stream.indirect_vreg.gather [hbm4b:s3+s10], $0x1, v1, vm0, $0x4038;
	[tilespmem:$0x4000] =	vst v63  }
0x11: {  	(ifvalue) =	ssetifvalue $0x7FFFFFFF  }
0x12: {  	[tilespmem:s16], [sflag:$0x1] =	stream.indirect_vreg.gather [hbm4b:s3+s10], $0x1, v2, vm0, $0x4038;
	[tilespmem:$0x4000] =	vst v63  }
0x13: {  	s29 =	sadd.s32 $0x10, s16;
	(ifvalue) =	ssetifvalue $0x7FFFFFFF  }
0x14: {  	[tilespmem:s29], [sflag:$0x1] =	stream.indirect_vreg.gather [hbm4b:s3+s10], $0x1, v0, vm0, $0x4038;
	[tilespmem:$0x4000] =	vst v63  }
0x15: {  	_ =	swait.ge [sflag:s6], $0x1000  }
0x16: {  	s30 =	sshrl.u32 s13, $0x3;
	[sflag:s6] =	ssyncset.done $0x0  }
0x17: {  	s31 =	sand.u32 $0x7, s13;
	s15 =	sadd.s32 s5, s30;
	[sflag:s6] =	ssyncadd.s32 $0xFFFFF000  }
0x18: {  	[hbm4b:s15+s31] =	stream.linear.scatter [tilespmem:s14], [sflag:$0x3], $0x1000, $0x38;
	[tilespmem:$0x4000] =	vst v63  }
.LBB2_5:
0x19: {  	s15 =	sadd.s32 $0x20000, s11  }
0x1a: {  	p2 =	sgt.s32 s15, $0x27FFF  }
0x1b: {  	s15 =	smov.u32 @p2 s2;
	p2 =	sne.s32 s12, s9  }
.Ltmp1:
0x1c: {  	p1 =	slt.u32 s12, $0x2;
	(pc) =	sbr.rel @!p2 .LBB2_6-.Ltmp1, $4  }
0x1d: {  	s14 =	simm.s32 @!p1 $0x3  }
0x1e: {  	s16 =	sadd.s32 $0x1, s12;
	_ =	swait.ge @!p1 [sflag:s14], $0x1000  }
0x1f: {  	s13 =	smov.u32 s11;
	p0 =	por !p0, !p0;
	[sflag:s14] =	ssyncset.done @!p1 $0x0  }
0x20: {  	s12 =	smov.u32 s16;
	s11 =	smov.u32 s15;
	[sflag:s14] =	ssyncadd.s32 @!p1 $0xFFFFF000  }
.LBB2_1:
0x21: {  	p1 =	sge.u32 s12, s8  }
0x22: {  	s14 =	sxor.u32 @!p1 $0xFFFFFFFF, s12  }
0x23: {  	s31 =	sadd.s32 $0xFFFFFFFF, s12;
	s15 =	sshrl.u32 @!p1 s11, $0x3;
	s14 =	sshll.u32 @!p1 s14, $0xC  }
0x24: {  	s16 =	sand.u32 @!p1 $0x7, s11;
	s15 =	sadd.s32 @!p1 s4, s15;
	s14 =	sand.u32 @!p1 $0x1000, s14  }
0x25: {  	[tilespmem:s14], [sflag:$0x2] =	stream.linear.gather @!p1 [hbm4b:s15+s16], $0x1000, $0x38;
	[tilespmem:$0x4000] =	vst v63  }
0x26: {  	p1 =	sge.u32 s31, s8  }
.Ltmp2:
0x27: {  	_ = 	snop;
	(pc) =	sbr.rel @p1 .LBB2_5-.Ltmp2, $1  }
0x28: {  	_ =	sdelay $0x3  }
0x29: {  	s14 =	simm.s32 $0x1  }
0x2a: {  	_ =	swait.ge [sflag:s7], $0x1000;
	s14 =	simm.s32 @!p0 $0x0  }
0x2b: {  	[sflag:s7] =	ssyncset.done $0x0;
	s14 =	sshll.u32 s14, $0xC  }
0x2c: {  	[sflag:s7] =	ssyncadd.s32 $0xFFFFF000;
	(ifvalue) =	ssetifvalue $0x7FFFFFFF;
	v0 =	vld.msk [tilespmem:s14+$0x0 ss:$0x1], $0xffff;
	_ =	sdelay $0x4  }
0x2d: {  	s15 =	sadd.s32 $0x10, s14;
	vm1 =	vgt.s32 v0, $0x0  }
0x2e: {  	v2 =	vld.msk [tilespmem:s15+$0x0 ss:$0x1], $0xffff;
	v1 =	vnsel vm1, $0x0, v0  }
0x2f: {  	v1 =	vmin.u32 v1, $0x27FFF;
	_ =	sdelay $0x1  }
0x30: {  	s16 =	sshll.u32 s12, $0xC;
	s18 =	simm.s32 $0x20  }
0x31: {  	s16 =	sand.u32 $0x1000, s16;
	s17 =	sadd.s32 $0x10, s15;
	s15 =	sor.u32 $0x2000, s14  }
0x32: {  	s14 =	sor.u32 $0x2000, s16;
	s16 =	sadd.s32 $0x10, s15;
	v0 =	vld.msk [tilespmem:s17+$0x0 ss:$0x1], $0xffff;
	vm1 =	vgt.s32 v2, $0x0;
	(ifvalue) =	ssetifvalue $0x7FFFFFFF  }
.LBB2_3:
0x33: {  	[tilespmem:s15], [sflag:$0x1] =	stream.indirect_vreg.gather [hbm4b:s3+s10], $0x1, v1, vm0, $0x4038;
	[tilespmem:$0x4000] =	vst v63  }
0x34: {  	s18 =	sadd.s32 $0x10, s18  }
0x35: {  	v2 =	vnsel vm1, $0x0, v2;
	p1 =	slt.u32 s18, $0xFF0  }
.Ltmp3:
0x36: {  	s15 =	smov.u32 s16;
	v1 =	vmin.u32 v2, $0x27FFF;
	(pc) =	sbr.rel @p1 .LBB2_3-.Ltmp3, $3  }
0x37: {  	_ =	sdelay $0x1  }
0x38: {  	s17 =	sadd.s32 $0x10, s17  }
0x39: {  	vm1 =	vgt.s32 v0, $0x0;
	s16 =	sadd.s32 $0x10, s16;
	v2 =	vmov v0;
	(ifvalue) =	ssetifvalue $0x7FFFFFFF;
	v0 =	vld.msk [tilespmem:s17+$0x0 ss:$0x1], $0xffff  }
.Ltmp4:
0x3a: {  	_ = 	snop;
	(pc) =	sbr.rel .LBB2_4-.Ltmp4, $1  }
0x3b: {  	_ =	sdelay $0x3  }
.LBB2_6:
0x3c: {  	_ =	sfence.sel $0x180000  }
0x3d: {  	s2 =	simm.s32 $0x2;
	[bflag:$0x0] =	sbarrier.arrive $0xFFFF  }
0x3e: {  	s30 =	simm.s32 $0x3;
	[sflag:s2] =	ssyncpa.u1 $0x1  }
0x3f: {  	s31 =	simm.s32 $0x1;
	[sflag:s30] =	ssyncpa.u1 $0x1  }
0x40: {  	[sflag:s31] =	ssyncpa.u1 $0x1  }
0x41: {  	p0 =	sne.s32 s1, $0x0;
	_ =	strace $0x90000047  }
0x42: {  	s0 =	sadd.s32 @!p0 $0x100000, s0;
	[bflag:$0x2] =	sbarrier.arrive $0xFFFF  }
0x43: {  	[sflag:s0] =	ssyncadd.tile.s32 @!p0 $0x1;
	_ =	shalt  }
.Lfunc_end2:
_tile_overlayer_lowered:
.L_overlay_start_2:
0x44: {  	(tag) =	ssettag $0x2  }
0x45: {  	s0 =	rddreg [dreg:$0x0];
	s2 =	stileid.u32  }
0x46: {  	s1 =	rddreg [dreg:$0x1];
	p0 =	sne.s32 s2, $0x0  }
0x47: {  	s3 =	rddreg [dreg:$0x2];
	[bflag:$0x3] =	sbarrier.arrive $0xFFFF;
	s2 =	simm.s32 @!p0 $0x1C01  }
0x48: {  	[timem:s3], [sflag:s2] =	dma.local @!p0 [hbm:s0], s1  }
0x49: {  	s0 =	simm.s32 @!p0 $0x1  }
0x4a: {  	_ =	swait.ge @!p0 [sflag:s0], s1  }
0x4b: {  	s1 =	ssub.s32 @!p0 $0x0, s1;
	[sflag:s0] =	ssyncset.done @!p0 $0x0  }
0x4c: {  	[sflag:s0] =	ssyncadd.s32 @!p0 s1  }
0x4d: {  	[bflag:$0x3] =	sbarrier.arrive $0xFFFF  }
0x4e: {  	_ =	shalt  }

// kernel: kernel.11.cloned.1.call-start
scs
__scs_entry_jumppad:
0x0: {  	(pc) =	sbr.rel $0x88, $3  }
0x1: {  	(tag) =	ssettag $0x0;
	lr =	simm.s32 $0x1  }
0x2: {  	[smem:$0x3F8C] =	sst lr;
	_ =	strace $0xD0000000  }
0x3: {  	_ = 	snop  }
0x4: {  	_ = 	snop  }
0x5: {  	_ = 	snop  }
0x6: {  	_ = 	snop  }
0x7: {  	_ = 	snop  }
__scs_overlays_trampoline_lowered:
0x8: {  	[smem:$0x3F9B] =	sst s0  }
0x9: {  	[smem:$0x3F9C] =	sst s1  }
0xa: {  	[smem:$0x3F9D] =	sst s2  }
0xb: {  	[smem:$0x3F9E] =	sst s3  }
0xc: {  	[smem:$0x3F9F] =	sst s4  }
0xd: {  	[smem:$0x3FA0] =	sst s5  }
0xe: {  	[smem:$0x3FA1] =	sst s6  }
0xf: {  	[smem:$0x3FA2] =	sst s7  }
0x10: {  	[smem:$0x3FA3] =	sst s8  }
0x11: {  	[smem:$0x3FA4] =	sst s9;
	s0 =	simm.s32 @!p0 $0x0  }
0x12: {  	s1 =	sld [smem:$0x3F8A];
	s0 =	simm.s32 @p0 $0x1  }
0x13: {  	[smem:$0x3FA5] =	sst s0;
	s0 =	simm.s32 @!p1 $0x0  }
0x14: {  	s2 =	sld [smem:$0x3F89];
	s0 =	simm.s32 @p1 $0x1  }
0x15: {  	[smem:$0x3FA6] =	sst s0;
	s0 =	simm.s32 @!p2 $0x0  }
0x16: {  	s3 =	sld [smem:$0x3FDB];
	s0 =	simm.s32 @p2 $0x1  }
0x17: {  	s4 =	simm.s32 $0x1BF5;
	[smem:$0x3FA8] =	sst s0  }
0x18: {  	s0 =	sld [smem:$0x3F8B];
	_ =	swait.ge [sflag:s4], $0x0  }
0x19: {  	s7 =	sld [smem:$0x3F8C]  }
0x1a: {  	s8 =	sadd.s32 $0xFFFFE003, lr  }
0x1b: {  	s9 =	sadd.s32 $0xFFFFFEF7, lr;
	s5 =	simm.s32 $0xFFFFFFFF;
	p2 =	slt.u32 s8, $0xFFFFF086  }
0x1c: {  	p1 =	slt.u32 s9, $0xF7A;
	s5 =	simm.s32 @!p2 $0x0  }
0x1d: {  	s5 =	simm.s32 @p1 $0x1;
	p0 =	seq.s32 s7, s2  }
0x1e: {  	s7 =	smul.u32 @!p0 $0xF7A, s2;
	p2 =	seq.s32 @!p0 s5, $0x0  }
0x1f: {  	s9 =	smul.u32 $0xF7A, s1;
	s8 =	simm.s32 @!p0 $0x1BF5;
	p2 =	por !p2, p0  }
0x20: {  	[sflag:s8] =	ssyncset.s32 @!p0 $0xFFFFF086;
	s6 =	sadd.s32 @!p0 s3, s7;
	s7 =	simm.s32 @!p0 $0x108  }
0x21: {  	s3 =	sadd.s32 s3, s9;
	s6 =	sadd.s32 @!p0 $0x88, s6;
	s7 =	simm.s32 @p2 $0x1082  }
0x22: {  	[simem:s7], [sflag:s8] =	dma.local @!p0 [hbm:s6], $0xF7A  }
0x23: {  	s9 =	sor.u32 $0xD0000000, s2;
	s6 =	simm.s32 $0x108;
	_ =	swait.ge @!p0 [sflag:s8], $0x0  }
0x24: {  	s3 =	sadd.s32 $0x88, s3;
	s6 =	simm.s32 @!p1 $0x1082;
	[sflag:s4] =	ssyncset.s32 $0xFFFFF086  }
0x25: {  	[simem:s6], [sflag:s4] =	dma.local [hbm:s3], $0xF7A  }
0x26: {  	[smem:$0x3F8C] =	sst s1;
	(tag) =	ssettag s2;
	_ =	strace s9  }
0x27: {  	s1 =	sld [smem:$0x3F9C]  }
0x28: {  	s2 =	sld [smem:$0x3F9D]  }
0x29: {  	s4 =	sld [smem:$0x3F9F]  }
0x2a: {  	p0 =	seq.s32 s5, $0x0;
	s5 =	sld [smem:$0x3FA0]  }
0x2b: {  	s6 =	sld [smem:$0x3FA1]  }
0x2c: {  	s7 =	sld [smem:$0x3FA2]  }
0x2d: {  	s3 =	simm.s32 $0x108;
	s8 =	sld [smem:$0x3FA3]  }
0x2e: {  	s3 =	simm.s32 @!p0 $0x1082;
	s9 =	sld [smem:$0x3FA4]  }
0x2f: {  	lr =	sadd.s32 s0, s3;
	s0 =	sld [smem:$0x3F9B]  }
0x30: {  	s3 =	sld [smem:$0x3F9E]  }
0x31: {  	[smem:$0x3FA7] =	sst s10  }
0x32: {  	s10 =	sld [smem:$0x3FA5];
	_ =	sdelay $0x3  }
0x33: {  	p0 =	seq.s32 s10, $0x1;
	s10 =	sld [smem:$0x3FA7];
	_ =	sdelay $0x3  }
0x34: {  	[smem:$0x3FA7] =	sst s10  }
0x35: {  	s10 =	sld [smem:$0x3FA6];
	_ =	sdelay $0x3  }
0x36: {  	p1 =	seq.s32 s10, $0x1;
	s10 =	sld [smem:$0x3FA7];
	_ =	sdelay $0x3  }
0x37: {  	[smem:$0x3FA7] =	sst s10  }
0x38: {  	s10 =	sld [smem:$0x3FA8]  }
0x39: {  	_ = 	snop;
	(pc) =	sbr.ind lr, $3  }
0x3a: {  	_ = 	snop  }
0x3b: {  	_ = 	snop  }
0x3c: {  	p2 =	seq.s32 s10, $0x1;
	s10 =	sld [smem:$0x3FA7]  }
0x3d: {  	_ =	shalt  }
0x3e: {  	_ =	shalt  }
0x3f: {  	_ =	shalt  }
0x40: {  	_ =	shalt  }
0x41: {  	_ =	shalt  }
0x42: {  	_ =	shalt  }
0x43: {  	_ =	shalt  }
0x44: {  	_ =	shalt  }
0x45: {  	_ =	shalt  }
0x46: {  	_ =	shalt  }
0x47: {  	_ =	shalt  }
0x48: {  	_ =	shalt  }
0x49: {  	_ =	shalt  }
0x4a: {  	_ =	shalt  }
0x4b: {  	_ =	shalt  }
0x4c: {  	_ =	shalt  }
0x4d: {  	_ =	shalt  }
0x4e: {  	_ =	shalt  }
0x4f: {  	_ =	shalt  }
0x50: {  	_ =	shalt  }
0x51: {  	_ =	shalt  }
0x52: {  	_ =	shalt  }
0x53: {  	_ =	shalt  }
0x54: {  	_ =	shalt  }
0x55: {  	_ =	shalt  }
0x56: {  	_ =	shalt  }
0x57: {  	_ =	shalt  }
0x58: {  	_ =	shalt  }
0x59: {  	_ =	shalt  }
0x5a: {  	_ =	shalt  }
0x5b: {  	_ =	shalt  }
0x5c: {  	_ =	shalt  }
0x5d: {  	_ =	shalt  }
0x5e: {  	_ =	shalt  }
0x5f: {  	_ =	shalt  }
0x60: {  	_ =	shalt  }
0x61: {  	_ =	shalt  }
0x62: {  	_ =	shalt  }
0x63: {  	_ =	shalt  }
0x64: {  	_ =	shalt  }
0x65: {  	_ =	shalt  }
0x66: {  	_ =	shalt  }
0x67: {  	_ =	shalt  }
0x68: {  	_ =	shalt  }
0x69: {  	_ =	shalt  }
0x6a: {  	_ =	shalt  }
0x6b: {  	_ =	shalt  }
0x6c: {  	_ =	shalt  }
0x6d: {  	_ =	shalt  }
0x6e: {  	_ =	shalt  }
0x6f: {  	_ =	shalt  }
0x70: {  	_ =	shalt  }
0x71: {  	_ =	shalt  }
0x72: {  	_ =	shalt  }
0x73: {  	_ =	shalt  }
0x74: {  	_ =	shalt  }
0x75: {  	_ =	shalt  }
0x76: {  	_ =	shalt  }
0x77: {  	_ =	shalt  }
0x78: {  	_ =	shalt  }
0x79: {  	_ =	shalt  }
0x7a: {  	_ =	shalt  }
0x7b: {  	_ =	shalt  }
0x7c: {  	_ =	shalt  }
0x7d: {  	_ =	shalt  }
0x7e: {  	_ =	shalt  }
0x7f: {  	_ =	shalt  }
0x80: {  	_ =	shalt  }
0x81: {  	_ =	shalt  }
0x82: {  	_ =	shalt  }
0x83: {  	_ =	shalt  }
0x84: {  	_ =	shalt  }
0x85: {  	_ =	shalt  }
0x86: {  	_ =	shalt  }
0x87: {  	_ =	shalt  }
.Lfunc_end0:
.L_simem_size_0:
called_computation.2_lowered:
.L_overlay_start_0:
0x88: {  	s2 =	sld [smem:$0x3FD9]  }
0x89: {  	s3 =	sld [smem:$0x3FFE];
	_ =	sdelay $0x1  }
0x8a: {  	s1 =	srdreg.scid  }
0x8b: {  	s0 =	sand.u32 $0x1, s1  }
0x8c: {  	s16 =	sshll.u32 s0, $0xA;
	s2 =	sadd.s32 s3, s2  }
0x8d: {  	s2 =	sadd.s32 s2, s16  }
0x8e: {  	[smem:$0x3FB3] =	sst s2  }
0x8f: {  	_ = 	snop  }
0x90: {  	(tm) =	ssettm $0x1  }
0x91: {  	s17 =	sld [smem:$0x3FFB];
	_ =	sdelay $0x3  }
0x92: {  	_ =	strace s17  }
0x93: {  	s2 =	sld [smem:$0x3FFC];
	_ =	sdelay $0x3  }
0x94: {  	_ =	strace s2  }
0x95: {  	s2 =	sld [smem:$0x3FFD];
	_ =	sdelay $0x3  }
0x96: {  	_ =	strace s2  }
0x97: {  	_ =	strace $0x8FFFFFFF  }
0x98: {  	s18 =	sld [smem:$0x3FDB];
	_ =	sdelay $0x1  }
0x99: {  	s19 =	simm.s32 $_scs_section_size  }
0x9a: {  	s4 =	simm.s32 $_size__tile_overlayer_lowered;
	s5 =	simm.s32 $_tile_overlayer_lowered  }
0x9b: {  	s22 =	simm.s32 $0x1BFF;
	s21 =	sshll.u32 s5, $0x1;
	s2 =	sadd.s32 s19, s18  }
0x9c: {  	s6 =	simm.s32 $0x0;
	s20 =	sshll.u32 s4, $0x1;
	s4 =	sadd.s32 s21, s2  }
0x9d: {  	[timem:s6], [sflag:s22] =	dma.local [hbm:s4], s20  }
0x9e: {  	_ =	swait.ge [sflag:s22], s20  }
0x9f: {  	s3 =	ssub.s32 $0x0, s20;
	[sflag:s22] =	ssyncset.done $0x0  }
0xa0: {  	[sflag:s22] =	ssyncadd.s32 s3;
	_ =	sdelay $0x1  }
0xa1: {  	s23 =	simm.s32 $0x1B8B  }
0xa2: {  	_ =	swait.ge [sflag:s23], $0x1  }
0xa3: {  	[sflag:s23] =	ssyncset.done $0x0  }
0xa4: {  	s25 =	simm.s32 $0x1B8E;
	s24 =	sld [smem:$0x3FFE];
	[sflag:s23] =	ssyncadd.s32 $0xFFFFFFFF  }
0xa5: {  	s26 =	simm.s32 $execute0_lowered;
	[smem:$0x3FD2] =	sst s25  }
0xa6: {  	s4 =	sshll.u32 s26, $0x1;
	_ =	strace $0x80000049;
	[dreg:$0x1] =	wrdreg $0xFFFFFFFF  }
0xa7: {  	s28 =	simm.s32 $_size_execute0_lowered;
	s2 =	sadd.s32 s2, s4;
	[dreg:$0x0] =	wrdreg $0x0  }
0xa8: {  	s4 =	sshll.u32 s28, $0x1;
	[dreg:$0x2] =	wrdreg s2  }
0xa9: {  	[dreg:$0x3] =	wrdreg s4  }
0xaa: {  	[dreg:$0x4] =	wrdreg $0xC0  }
0xab: {  	_ =	task [dreg:s6], $0x5FFFF  }
0xac: {  	[dreg:$0x1] =	wrdreg $0xFFFFFFFF  }
0xad: {  	[dreg:$0x0] =	wrdreg $0x60  }
0xae: {  	[dreg:$0x2] =	wrdreg s24  }
0xaf: {  	[dreg:$0x3] =	wrdreg $0xA  }
0xb0: {  	_ =	task.clear_ibuf [dreg:s6], $0x4FFFF;
	_ =	strace $0x90000049  }
0xb1: {  	s29 =	simm.s32 $0xA;
	_ =	strace $0x8000004B  }
0xb2: {  	_ =	swait.ge [sflag:s29], $0x1  }
0xb3: {  	[sflag:s29] =	ssyncadd.s32 $0xFFFFFFFF  }
0xb4: {  	_ =	strace $0x9000004B  }
0xb5: {  	_ =	sfence  }
0xb6: {  	s30 =	sld [smem:$0x0];
	_ =	sdelay $0x2  }
0xb7: {  	s31 =	sshll.u32 s1, $0xD;
	s1 =	sshrl.u32 s1, $0x2  }
0xb8: {  	s3 =	sand.u32 $0x4000, s31;
	s1 =	sadd.s32 s1, s30  }
0xb9: {  	s0 =	sor.u32 s3, s0;
	s1 =	sshll.u32 s1, $0x11  }
0xba: {  	s0 =	sor.u32 s1, s0  }
0xbb: {  	s0 =	sadd.s32 $0x8F2B, s0  }
0xbc: {  	[sflag:s0] =	ssyncadd.remote.s32 $0x1  }
0xbd: {  	_ =	sfence.sel $0xFFFF  }
0xbe: {  	[dreg:$0x0] =	wrdreg $0xFFFFFFFF;
	(pc) =	sbr.abs _section_cstart, $3  }
0xbf: {  	[dreg:$0x1] =	wrdreg $0xFFFFFFFF  }
0xc0: {  	_ =	task.clear_ibuf [dreg:s6], $0x2FFFF;
	_ =	strace $0x9FFFFFFF  }
0xc1: {  	(tm) =	ssettm $0x7FFFFFFF  }
tec
execute0_lowered:
.L_overlay_start_1:
0x0: {  	(tag) =	ssettag $0x1  }
0x1: {  	s1 =	srdreg.scid  }
0x2: {  	s0 =	stileid.u32;
	s4 =	rddreg [dreg:$0x0];
	s2 =	simm.s32 $0x0  }
0x3: {  	s30 =	simm.s32 $0x5;
	s9 =	simm.s32 $0x200;
	s10 =	simm.s32 $0x1400  }
0x4: {  	s13 =	simm.s32 $0x1;
	s8 =	simm.s32 $0x5400;
	s11 =	simm.s32 $0x2  }
0x5: {  	s29 =	simm.s32 $0x400;
	s28 =	simm.s32 $0x600;
	s25 =	simm.s32 $0x800  }
0x6: {  	p0 =	por $0x0, $0x0;
	s24 =	simm.s32 $0xA00;
	s22 =	simm.s32 $0xC00  }
0x7: {  	s20 =	simm.s32 $0xE00;
	s1 =	sand.u32 $0x1, s1;
	s3 =	sshll.u32 s0, $0x1  }
0x8: {  	s18 =	simm.s32 $0x1000;
	s16 =	simm.s32 $0x1200;
	s3 =	sor.u32 s1, s3  }
0x9: {  	[smem:$0x7FF] =	sst s2;
	s1 =	ssub.s32 $0x2, s1;
	s5 =	smul.u32 $0x280, s3  }
0xa: {  	_ =	strace $0x8000004A;
	s6 =	smul.u32 $0x28000, s3;
	s7 =	sshrl.u32 s1, $0x1  }
0xb: {  	s3 =	sadd.s32 $0x40A00, s4;
	s1 =	ssub.s32 s1, s7;
	s7 =	simm.s32 $0x3  }
0xc: {  	s5 =	sadd.s32 s5, s4;
	s6 =	sshrl.u32 s6, $0x3;
	s1 =	smax.u32 s1, $0x1  }
0xd: {  	s5 =	sadd.s32 $0x3BA00, s5;
	s4 =	sadd.s32 s6, s4;
	p1 =	sne.s32 s1, $0x1  }
.Ltmp0:
0xe: {  	s6 =	simm.s32 $0x4;
	s31 =	sadd.s32 $0xFFFFFFFF, s1;
	(pc) =	sbr.rel @!p1 .LBB2_3-.Ltmp0, $4  }
0xf: {  	[dreg:$0x2] =	wrdreg s5;
	s26 =	sadd.s32 $0x4A800, s4;
	s23 =	sadd.s32 $0x4B000, s4  }
0x10: {  	s21 =	sadd.s32 $0x4B800, s4;
	s19 =	sadd.s32 $0x4C000, s4;
	s17 =	sadd.s32 $0x4C800, s4  }
0x11: {  	s15 =	sadd.s32 $0x4D000, s4;
	s14 =	sadd.s32 $0x4D800, s4;
	s12 =	sadd.s32 $0x4E000, s4  }
0x12: {  	s5 =	sadd.s32 $0x4E800, s4;
	s4 =	sadd.s32 $0x4F000, s4;
	s1 =	rddreg [dreg:$0x2]  }
0x13: {  	[tilespmem:s2], [sflag:$0x5] =	stream.linear.gather [hbm4b:s1+s2], $0x1400, $0x38;
	[tilespmem:$0x9400] =	vst v63  }
0x14: {  	_ =	swait.ge [sflag:s30], $0x1400  }
0x15: {  	[sflag:s30] =	ssyncset.done $0x0  }
0x16: {  	[sflag:s30] =	ssyncadd.s32 $0xFFFFEC00  }
0x17: {  	[tilespmem:s10], [sflag:$0x1] =	stream.indirect.gather [hbm4b:s3+s9], $0x20, s2, s9, $0xb8;
	[tilespmem:$0x9400] =	vst v63  }
0x18: {  	_ =	swait.ge [sflag:s13], $0x4000  }
0x19: {  	[sflag:s13] =	ssyncset.done $0x0  }
0x1a: {  	[sflag:s13] =	ssyncadd.s32 $0xFFFFC000  }
0x1b: {  	[tilespmem:s8], [sflag:$0x2] =	stream.indirect.gather [hbm4b:s3+s9], $0x20, s9, s9, $0xb8;
	[tilespmem:$0x9400] =	vst v63  }
0x1c: {  	_ = 	snop  }
0x1d: {  	[hbm4b:s26+s2] =	stream.linear.scatter [tilespmem:s10], [sflag:$0x3], $0x4000, $0x38;
	[tilespmem:$0x9400] =	vst v63  }
0x1e: {  	_ =	swait.ge [sflag:s11], $0x4000  }
0x1f: {  	[sflag:s11] =	ssyncset.done $0x0  }
0x20: {  	[sflag:s11] =	ssyncadd.s32 $0xFFFFC000  }
0x21: {  	_ =	swait.ge [sflag:s7], $0x4000  }
0x22: {  	[sflag:s7] =	ssyncset.done $0x0  }
0x23: {  	[sflag:s7] =	ssyncadd.s32 $0xFFFFC000  }
0x24: {  	[tilespmem:s10], [sflag:$0x1] =	stream.indirect.gather [hbm4b:s3+s9], $0x20, s29, s9, $0xb8;
	[tilespmem:$0x9400] =	vst v63  }
0x25: {  	_ = 	snop  }
0x26: {  	[hbm4b:s23+s2] =	stream.linear.scatter [tilespmem:s8], [sflag:$0x4], $0x4000, $0x38;
	[tilespmem:$0x9400] =	vst v63  }
0x27: {  	_ =	swait.ge [sflag:s13], $0x4000  }
0x28: {  	[sflag:s13] =	ssyncset.done $0x0  }
0x29: {  	[sflag:s13] =	ssyncadd.s32 $0xFFFFC000  }
0x2a: {  	_ =	swait.ge [sflag:s6], $0x4000  }
0x2b: {  	[sflag:s6] =	ssyncset.done $0x0  }
0x2c: {  	[sflag:s6] =	ssyncadd.s32 $0xFFFFC000  }
0x2d: {  	[tilespmem:s8], [sflag:$0x2] =	stream.indirect.gather [hbm4b:s3+s9], $0x20, s28, s9, $0xb8;
	[tilespmem:$0x9400] =	vst v63  }
0x2e: {  	_ = 	snop  }
0x2f: {  	[hbm4b:s21+s2] =	stream.linear.scatter [tilespmem:s10], [sflag:$0x3], $0x4000, $0x38;
	[tilespmem:$0x9400] =	vst v63  }
0x30: {  	_ =	swait.ge [sflag:s11], $0x4000  }
0x31: {  	[sflag:s11] =	ssyncset.done $0x0  }
0x32: {  	[sflag:s11] =	ssyncadd.s32 $0xFFFFC000  }
0x33: {  	_ =	swait.ge [sflag:s7], $0x4000  }
0x34: {  	[sflag:s7] =	ssyncset.done $0x0  }
0x35: {  	[sflag:s7] =	ssyncadd.s32 $0xFFFFC000  }
0x36: {  	[tilespmem:s10], [sflag:$0x1] =	stream.indirect.gather [hbm4b:s3+s9], $0x20, s25, s9, $0xb8;
	[tilespmem:$0x9400] =	vst v63  }
0x37: {  	_ = 	snop  }
0x38: {  	[hbm4b:s19+s2] =	stream.linear.scatter [tilespmem:s8], [sflag:$0x4], $0x4000, $0x38;
	[tilespmem:$0x9400] =	vst v63  }
0x39: {  	_ =	swait.ge [sflag:s13], $0x4000  }
0x3a: {  	[sflag:s13] =	ssyncset.done $0x0  }
0x3b: {  	[sflag:s13] =	ssyncadd.s32 $0xFFFFC000  }
0x3c: {  	_ =	swait.ge [sflag:s6], $0x4000  }
0x3d: {  	[sflag:s6] =	ssyncset.done $0x0  }
0x3e: {  	[sflag:s6] =	ssyncadd.s32 $0xFFFFC000  }
0x3f: {  	[tilespmem:s8], [sflag:$0x2] =	stream.indirect.gather [hbm4b:s3+s9], $0x20, s24, s9, $0xb8;
	[tilespmem:$0x9400] =	vst v63  }
0x40: {  	_ = 	snop  }
0x41: {  	[hbm4b:s17+s2] =	stream.linear.scatter [tilespmem:s10], [sflag:$0x3], $0x4000, $0x38;
	[tilespmem:$0x9400] =	vst v63  }
0x42: {  	_ =	swait.ge [sflag:s11], $0x4000  }
0x43: {  	[sflag:s11] =	ssyncset.done $0x0  }
0x44: {  	[sflag:s11] =	ssyncadd.s32 $0xFFFFC000  }
0x45: {  	_ =	swait.ge [sflag:s7], $0x4000  }
0x46: {  	[sflag:s7] =	ssyncset.done $0x0  }
0x47: {  	[sflag:s7] =	ssyncadd.s32 $0xFFFFC000  }
0x48: {  	[tilespmem:s10], [sflag:$0x1] =	stream.indirect.gather [hbm4b:s3+s9], $0x20, s22, s9, $0xb8;
	[tilespmem:$0x9400] =	vst v63  }
0x49: {  	_ = 	snop  }
0x4a: {  	[hbm4b:s15+s2] =	stream.linear.scatter [tilespmem:s8], [sflag:$0x4], $0x4000, $0x38;
	[tilespmem:$0x9400] =	vst v63  }
0x4b: {  	_ =	swait.ge [sflag:s13], $0x4000  }
0x4c: {  	[sflag:s13] =	ssyncset.done $0x0  }
0x4d: {  	[sflag:s13] =	ssyncadd.s32 $0xFFFFC000  }
0x4e: {  	_ =	swait.ge [sflag:s6], $0x4000  }
0x4f: {  	[sflag:s6] =	ssyncset.done $0x0  }
0x50: {  	[sflag:s6] =	ssyncadd.s32 $0xFFFFC000  }
0x51: {  	[tilespmem:s8], [sflag:$0x2] =	stream.indirect.gather [hbm4b:s3+s9], $0x20, s20, s9, $0xb8;
	[tilespmem:$0x9400] =	vst v63  }
0x52: {  	_ = 	snop  }
0x53: {  	[hbm4b:s14+s2] =	stream.linear.scatter [tilespmem:s10], [sflag:$0x3], $0x4000, $0x38;
	[tilespmem:$0x9400] =	vst v63  }
0x54: {  	_ =	swait.ge [sflag:s11], $0x4000  }
0x55: {  	[sflag:s11] =	ssyncset.done $0x0  }
0x56: {  	[sflag:s11] =	ssyncadd.s32 $0xFFFFC000  }
0x57: {  	_ =	swait.ge [sflag:s7], $0x4000  }
0x58: {  	[sflag:s7] =	ssyncset.done $0x0  }
0x59: {  	[sflag:s7] =	ssyncadd.s32 $0xFFFFC000  }
0x5a: {  	[tilespmem:s10], [sflag:$0x1] =	stream.indirect.gather [hbm4b:s3+s9], $0x20, s18, s9, $0xb8;
	[tilespmem:$0x9400] =	vst v63  }
0x5b: {  	_ = 	snop  }
0x5c: {  	[hbm4b:s12+s2] =	stream.linear.scatter [tilespmem:s8], [sflag:$0x4], $0x4000, $0x38;
	[tilespmem:$0x9400] =	vst v63  }
0x5d: {  	_ =	swait.ge [sflag:s13], $0x4000  }
0x5e: {  	[sflag:s13] =	ssyncset.done $0x0  }
0x5f: {  	[sflag:s13] =	ssyncadd.s32 $0xFFFFC000  }
0x60: {  	_ =	swait.ge [sflag:s6], $0x4000  }
0x61: {  	[sflag:s6] =	ssyncset.done $0x0  }
0x62: {  	[sflag:s6] =	ssyncadd.s32 $0xFFFFC000  }
0x63: {  	[tilespmem:s8], [sflag:$0x2] =	stream.indirect.gather [hbm4b:s3+s9], $0x20, s16, s9, $0xb8;
	[tilespmem:$0x9400] =	vst v63  }
0x64: {  	_ = 	snop  }
0x65: {  	[hbm4b:s5+s2] =	stream.linear.scatter [tilespmem:s10], [sflag:$0x3], $0x4000, $0x38;
	[tilespmem:$0x9400] =	vst v63  }
0x66: {  	_ =	swait.ge [sflag:s11], $0x4000  }
0x67: {  	[sflag:s11] =	ssyncset.done $0x0  }
0x68: {  	p1 =	sne.s32 s31, $0x1;
	[sflag:s11] =	ssyncadd.s32 $0xFFFFC000  }
0x69: {  	[hbm4b:s4+s2] =	stream.linear.scatter [tilespmem:s8], [sflag:$0x4], $0x4000, $0x38;
	[tilespmem:$0x9400] =	vst v63  }
.Ltmp1:
0x6a: {  	_ =	swait.ge [sflag:s7], $0x4000;
	(pc) =	sbr.rel @!p1 .LBB2_3-.Ltmp1, $4  }
0x6b: {  	[sflag:s7] =	ssyncset.done $0x0  }
0x6c: {  	[sflag:s7] =	ssyncadd.s32 $0xFFFFC000  }
0x6d: {  	s31 =	sadd.s32 $0xFFFFFFFF, s31;
	_ =	swait.ge [sflag:s6], $0x4000  }
0x6e: {  	p0 =	por $0x1, $0x1;
	s1 =	rddreg [dreg:$0x2];
	[sflag:s6] =	ssyncset.done $0x0  }
.LBB2_2:
0x6f: {  	[sflag:s6] =	ssyncadd.s32 $0xFFFFC000  }
0x70: {  	[tilespmem:s2], [sflag:$0x5] =	stream.linear.gather [hbm4b:s1+s2], $0x1400, $0x38;
	[tilespmem:$0x9400] =	vst v63  }
0x71: {  	_ =	swait.ge [sflag:s30], $0x1400  }
0x72: {  	[sflag:s30] =	ssyncset.done $0x0  }
0x73: {  	[sflag:s30] =	ssyncadd.s32 $0xFFFFEC00  }
0x74: {  	[tilespmem:s10], [sflag:$0x1] =	stream.indirect.gather [hbm4b:s3+s9], $0x20, s2, s9, $0xb8;
	[tilespmem:$0x9400] =	vst v63  }
0x75: {  	_ =	swait.ge [sflag:s13], $0x4000  }
0x76: {  	[sflag:s13] =	ssyncset.done $0x0  }
0x77: {  	[sflag:s13] =	ssyncadd.s32 $0xFFFFC000  }
0x78: {  	[tilespmem:s8], [sflag:$0x2] =	stream.indirect.gather [hbm4b:s3+s9], $0x20, s9, s9, $0xb8;
	[tilespmem:$0x9400] =	vst v63  }
0x79: {  	_ = 	snop  }
0x7a: {  	[hbm4b:s26+s2] =	stream.linear.scatter [tilespmem:s10], [sflag:$0x3], $0x4000, $0x38;
	[tilespmem:$0x9400] =	vst v63  }
0x7b: {  	_ =	swait.ge [sflag:s11], $0x4000  }
0x7c: {  	[sflag:s11] =	ssyncset.done $0x0  }
0x7d: {  	[sflag:s11] =	ssyncadd.s32 $0xFFFFC000  }
0x7e: {  	_ =	swait.ge [sflag:s7], $0x4000  }
0x7f: {  	[sflag:s7] =	ssyncset.done $0x0  }
0x80: {  	[sflag:s7] =	ssyncadd.s32 $0xFFFFC000  }
0x81: {  	[tilespmem:s10], [sflag:$0x1] =	stream.indirect.gather [hbm4b:s3+s9], $0x20, s29, s9, $0xb8;
	[tilespmem:$0x9400] =	vst v63  }
0x82: {  	_ = 	snop  }
0x83: {  	[hbm4b:s23+s2] =	stream.linear.scatter [tilespmem:s8], [sflag:$0x4], $0x4000, $0x38;
	[tilespmem:$0x9400] =	vst v63  }
0x84: {  	_ =	swait.ge [sflag:s13], $0x4000  }
0x85: {  	[sflag:s13] =	ssyncset.done $0x0  }
0x86: {  	[sflag:s13] =	ssyncadd.s32 $0xFFFFC000  }
0x87: {  	_ =	swait.ge [sflag:s6], $0x4000  }
0x88: {  	[sflag:s6] =	ssyncset.done $0x0  }
0x89: {  	[sflag:s6] =	ssyncadd.s32 $0xFFFFC000  }
0x8a: {  	[tilespmem:s8], [sflag:$0x2] =	stream.indirect.gather [hbm4b:s3+s9], $0x20, s28, s9, $0xb8;
	[tilespmem:$0x9400] =	vst v63  }
0x8b: {  	_ = 	snop  }
0x8c: {  	[hbm4b:s21+s2] =	stream.linear.scatter [tilespmem:s10], [sflag:$0x3], $0x4000, $0x38;
	[tilespmem:$0x9400] =	vst v63  }
0x8d: {  	_ =	swait.ge [sflag:s11], $0x4000  }
0x8e: {  	[sflag:s11] =	ssyncset.done $0x0  }
0x8f: {  	[sflag:s11] =	ssyncadd.s32 $0xFFFFC000  }
0x90: {  	_ =	swait.ge [sflag:s7], $0x4000  }
0x91: {  	[sflag:s7] =	ssyncset.done $0x0  }
0x92: {  	[sflag:s7] =	ssyncadd.s32 $0xFFFFC000  }
0x93: {  	[tilespmem:s10], [sflag:$0x1] =	stream.indirect.gather [hbm4b:s3+s9], $0x20, s25, s9, $0xb8;
	[tilespmem:$0x9400] =	vst v63  }
0x94: {  	_ = 	snop  }
0x95: {  	[hbm4b:s19+s2] =	stream.linear.scatter [tilespmem:s8], [sflag:$0x4], $0x4000, $0x38;
	[tilespmem:$0x9400] =	vst v63  }
0x96: {  	_ =	swait.ge [sflag:s13], $0x4000  }
0x97: {  	[sflag:s13] =	ssyncset.done $0x0  }
0x98: {  	[sflag:s13] =	ssyncadd.s32 $0xFFFFC000  }
0x99: {  	_ =	swait.ge [sflag:s6], $0x4000  }
0x9a: {  	[sflag:s6] =	ssyncset.done $0x0  }
0x9b: {  	[sflag:s6] =	ssyncadd.s32 $0xFFFFC000  }
0x9c: {  	[tilespmem:s8], [sflag:$0x2] =	stream.indirect.gather [hbm4b:s3+s9], $0x20, s24, s9, $0xb8;
	[tilespmem:$0x9400] =	vst v63  }
0x9d: {  	_ = 	snop  }
0x9e: {  	[hbm4b:s17+s2] =	stream.linear.scatter [tilespmem:s10], [sflag:$0x3], $0x4000, $0x38;
	[tilespmem:$0x9400] =	vst v63  }
0x9f: {  	_ =	swait.ge [sflag:s11], $0x4000  }
0xa0: {  	[sflag:s11] =	ssyncset.done $0x0  }
0xa1: {  	[sflag:s11] =	ssyncadd.s32 $0xFFFFC000  }
0xa2: {  	_ =	swait.ge [sflag:s7], $0x4000  }
0xa3: {  	[sflag:s7] =	ssyncset.done $0x0  }
0xa4: {  	[sflag:s7] =	ssyncadd.s32 $0xFFFFC000  }
0xa5: {  	[tilespmem:s10], [sflag:$0x1] =	stream.indirect.gather [hbm4b:s3+s9], $0x20, s22, s9, $0xb8;
	[tilespmem:$0x9400] =	vst v63  }
0xa6: {  	_ = 	snop  }
0xa7: {  	[hbm4b:s15+s2] =	stream.linear.scatter [tilespmem:s8], [sflag:$0x4], $0x4000, $0x38;
	[tilespmem:$0x9400] =	vst v63  }
0xa8: {  	_ =	swait.ge [sflag:s13], $0x4000  }
0xa9: {  	[sflag:s13] =	ssyncset.done $0x0  }
0xaa: {  	[sflag:s13] =	ssyncadd.s32 $0xFFFFC000  }
0xab: {  	_ =	swait.ge [sflag:s6], $0x4000  }
0xac: {  	[sflag:s6] =	ssyncset.done $0x0  }
0xad: {  	[sflag:s6] =	ssyncadd.s32 $0xFFFFC000  }
0xae: {  	[tilespmem:s8], [sflag:$0x2] =	stream.indirect.gather [hbm4b:s3+s9], $0x20, s20, s9, $0xb8;
	[tilespmem:$0x9400] =	vst v63  }
0xaf: {  	_ = 	snop  }
0xb0: {  	[hbm4b:s14+s2] =	stream.linear.scatter [tilespmem:s10], [sflag:$0x3], $0x4000, $0x38;
	[tilespmem:$0x9400] =	vst v63  }
0xb1: {  	_ =	swait.ge [sflag:s11], $0x4000  }
0xb2: {  	[sflag:s11] =	ssyncset.done $0x0  }
0xb3: {  	[sflag:s11] =	ssyncadd.s32 $0xFFFFC000  }
0xb4: {  	_ =	swait.ge [sflag:s7], $0x4000  }
0xb5: {  	[sflag:s7] =	ssyncset.done $0x0  }
0xb6: {  	[sflag:s7] =	ssyncadd.s32 $0xFFFFC000  }
0xb7: {  	[tilespmem:s10], [sflag:$0x1] =	stream.indirect.gather [hbm4b:s3+s9], $0x20, s18, s9, $0xb8;
	[tilespmem:$0x9400] =	vst v63  }
0xb8: {  	_ = 	snop  }
0xb9: {  	[hbm4b:s12+s2] =	stream.linear.scatter [tilespmem:s8], [sflag:$0x4], $0x4000, $0x38;
	[tilespmem:$0x9400] =	vst v63  }
0xba: {  	_ =	swait.ge [sflag:s13], $0x4000  }
0xbb: {  	[sflag:s13] =	ssyncset.done $0x0  }
0xbc: {  	[sflag:s13] =	ssyncadd.s32 $0xFFFFC000  }
0xbd: {  	_ =	swait.ge [sflag:s6], $0x4000  }
0xbe: {  	[sflag:s6] =	ssyncset.done $0x0  }
0xbf: {  	[sflag:s6] =	ssyncadd.s32 $0xFFFFC000  }
0xc0: {  	[tilespmem:s8], [sflag:$0x2] =	stream.indirect.gather [hbm4b:s3+s9], $0x20, s16, s9, $0xb8;
	[tilespmem:$0x9400] =	vst v63  }
0xc1: {  	_ = 	snop  }
0xc2: {  	[hbm4b:s5+s2] =	stream.linear.scatter [tilespmem:s10], [sflag:$0x3], $0x4000, $0x38;
	[tilespmem:$0x9400] =	vst v63  }
0xc3: {  	_ =	swait.ge [sflag:s11], $0x4000  }
0xc4: {  	[sflag:s11] =	ssyncset.done $0x0  }
0xc5: {  	p1 =	sne.s32 s31, $0x1;
	[sflag:s11] =	ssyncadd.s32 $0xFFFFC000  }
0xc6: {  	[hbm4b:s4+s2] =	stream.linear.scatter [tilespmem:s8], [sflag:$0x4], $0x4000, $0x38;
	[tilespmem:$0x9400] =	vst v63  }
.Ltmp2:
0xc7: {  	_ =	swait.ge [sflag:s7], $0x4000;
	(pc) =	sbr.rel @p1 .LBB2_2-.Ltmp2, $4  }
0xc8: {  	[sflag:s7] =	ssyncset.done $0x0  }
0xc9: {  	[sflag:s7] =	ssyncadd.s32 $0xFFFFC000  }
0xca: {  	_ =	swait.ge [sflag:s6], $0x4000  }
0xcb: {  	s31 =	sadd.s32 $0xFFFFFFFF, s31;
	s1 =	rddreg [dreg:$0x2];
	[sflag:s6] =	ssyncset.done $0x0  }
.LBB2_3:
0xcc: {  	[sflag:s6] =	ssyncadd.s32 @p0 $0xFFFFC000  }
0xcd: {  	[tilespmem:s2], [sflag:$0x5] =	stream.linear.gather [hbm4b:s1+s2], $0x1400, $0x38;
	[tilespmem:$0x9400] =	vst v63  }
0xce: {  	_ =	swait.ge [sflag:s30], $0x1400  }
0xcf: {  	[sflag:s30] =	ssyncset.done $0x0  }
0xd0: {  	[sflag:s30] =	ssyncadd.s32 $0xFFFFEC00  }
0xd1: {  	[tilespmem:s10], [sflag:$0x1] =	stream.indirect.gather [hbm4b:s3+s9], $0x20, s2, s9, $0xb8;
	[tilespmem:$0x9400] =	vst v63  }
0xd2: {  	_ =	swait.ge [sflag:s13], $0x4000  }
0xd3: {  	[sflag:s13] =	ssyncset.done $0x0  }
0xd4: {  	[sflag:s13] =	ssyncadd.s32 $0xFFFFC000  }
0xd5: {  	[tilespmem:s8], [sflag:$0x2] =	stream.indirect.gather [hbm4b:s3+s9], $0x20, s9, s9, $0xb8;
	[tilespmem:$0x9400] =	vst v63  }
0xd6: {  	_ = 	snop  }
0xd7: {  	[hbm4b:s26+s2] =	stream.linear.scatter [tilespmem:s10], [sflag:$0x3], $0x4000, $0x38;
	[tilespmem:$0x9400] =	vst v63  }
0xd8: {  	_ =	swait.ge [sflag:s11], $0x4000  }
0xd9: {  	[sflag:s11] =	ssyncset.done $0x0  }
0xda: {  	[sflag:s11] =	ssyncadd.s32 $0xFFFFC000  }
0xdb: {  	_ =	swait.ge [sflag:s7], $0x4000  }
0xdc: {  	[sflag:s7] =	ssyncset.done $0x0  }
0xdd: {  	[sflag:s7] =	ssyncadd.s32 $0xFFFFC000  }
0xde: {  	[tilespmem:s10], [sflag:$0x1] =	stream.indirect.gather [hbm4b:s3+s9], $0x20, s29, s9, $0xb8;
	[tilespmem:$0x9400] =	vst v63  }
0xdf: {  	_ = 	snop  }
0xe0: {  	[hbm4b:s23+s2] =	stream.linear.scatter [tilespmem:s8], [sflag:$0x4], $0x4000, $0x38;
	[tilespmem:$0x9400] =	vst v63  }
0xe1: {  	_ =	swait.ge [sflag:s13], $0x4000  }
0xe2: {  	[sflag:s13] =	ssyncset.done $0x0  }
0xe3: {  	[sflag:s13] =	ssyncadd.s32 $0xFFFFC000  }
0xe4: {  	_ =	swait.ge [sflag:s6], $0x4000  }
0xe5: {  	[sflag:s6] =	ssyncset.done $0x0  }
0xe6: {  	[sflag:s6] =	ssyncadd.s32 $0xFFFFC000  }
0xe7: {  	[tilespmem:s8], [sflag:$0x2] =	stream.indirect.gather [hbm4b:s3+s9], $0x20, s28, s9, $0xb8;
	[tilespmem:$0x9400] =	vst v63  }
0xe8: {  	_ = 	snop  }
0xe9: {  	[hbm4b:s21+s2] =	stream.linear.scatter [tilespmem:s10], [sflag:$0x3], $0x4000, $0x38;
	[tilespmem:$0x9400] =	vst v63  }
0xea: {  	_ =	swait.ge [sflag:s11], $0x4000  }
0xeb: {  	[sflag:s11] =	ssyncset.done $0x0  }
0xec: {  	[sflag:s11] =	ssyncadd.s32 $0xFFFFC000  }
0xed: {  	_ =	swait.ge [sflag:s7], $0x4000  }
0xee: {  	[sflag:s7] =	ssyncset.done $0x0  }
0xef: {  	[sflag:s7] =	ssyncadd.s32 $0xFFFFC000  }
0xf0: {  	[tilespmem:s10], [sflag:$0x1] =	stream.indirect.gather [hbm4b:s3+s9], $0x20, s25, s9, $0xb8;
	[tilespmem:$0x9400] =	vst v63  }
0xf1: {  	_ = 	snop  }
0xf2: {  	[hbm4b:s19+s2] =	stream.linear.scatter [tilespmem:s8], [sflag:$0x4], $0x4000, $0x38;
	[tilespmem:$0x9400] =	vst v63  }
0xf3: {  	_ =	swait.ge [sflag:s13], $0x4000  }
0xf4: {  	[sflag:s13] =	ssyncset.done $0x0  }
0xf5: {  	[sflag:s13] =	ssyncadd.s32 $0xFFFFC000  }
0xf6: {  	_ =	swait.ge [sflag:s6], $0x4000  }
0xf7: {  	[sflag:s6] =	ssyncset.done $0x0  }
0xf8: {  	[sflag:s6] =	ssyncadd.s32 $0xFFFFC000  }
0xf9: {  	[tilespmem:s8], [sflag:$0x2] =	stream.indirect.gather [hbm4b:s3+s9], $0x20, s24, s9, $0xb8;
	[tilespmem:$0x9400] =	vst v63  }
0xfa: {  	_ = 	snop  }
0xfb: {  	[hbm4b:s17+s2] =	stream.linear.scatter [tilespmem:s10], [sflag:$0x3], $0x4000, $0x38;
	[tilespmem:$0x9400] =	vst v63  }
0xfc: {  	_ =	swait.ge [sflag:s11], $0x4000  }
0xfd: {  	[sflag:s11] =	ssyncset.done $0x0  }
0xfe: {  	[sflag:s11] =	ssyncadd.s32 $0xFFFFC000  }
0xff: {  	_ =	swait.ge [sflag:s7], $0x4000  }
0x100: {  	[sflag:s7] =	ssyncset.done $0x0  }
0x101: {  	[sflag:s7] =	ssyncadd.s32 $0xFFFFC000  }
0x102: {  	[tilespmem:s10], [sflag:$0x1] =	stream.indirect.gather [hbm4b:s3+s9], $0x20, s22, s9, $0xb8;
	[tilespmem:$0x9400] =	vst v63  }
0x103: {  	_ = 	snop  }
0x104: {  	[hbm4b:s15+s2] =	stream.linear.scatter [tilespmem:s8], [sflag:$0x4], $0x4000, $0x38;
	[tilespmem:$0x9400] =	vst v63  }
0x105: {  	_ =	swait.ge [sflag:s13], $0x4000  }
0x106: {  	[sflag:s13] =	ssyncset.done $0x0  }
0x107: {  	[sflag:s13] =	ssyncadd.s32 $0xFFFFC000  }
0x108: {  	_ =	swait.ge [sflag:s6], $0x4000  }
0x109: {  	[sflag:s6] =	ssyncset.done $0x0  }
0x10a: {  	[sflag:s6] =	ssyncadd.s32 $0xFFFFC000  }
0x10b: {  	[tilespmem:s8], [sflag:$0x2] =	stream.indirect.gather [hbm4b:s3+s9], $0x20, s20, s9, $0xb8;
	[tilespmem:$0x9400] =	vst v63  }
0x10c: {  	_ = 	snop  }
0x10d: {  	[hbm4b:s14+s2] =	stream.linear.scatter [tilespmem:s10], [sflag:$0x3], $0x4000, $0x38;
	[tilespmem:$0x9400] =	vst v63  }
0x10e: {  	_ =	swait.ge [sflag:s11], $0x4000  }
0x10f: {  	[sflag:s11] =	ssyncset.done $0x0  }
0x110: {  	[sflag:s11] =	ssyncadd.s32 $0xFFFFC000  }
0x111: {  	_ =	swait.ge [sflag:s7], $0x4000  }
0x112: {  	[sflag:s7] =	ssyncset.done $0x0  }
0x113: {  	[sflag:s7] =	ssyncadd.s32 $0xFFFFC000  }
0x114: {  	[tilespmem:s10], [sflag:$0x1] =	stream.indirect.gather [hbm4b:s3+s9], $0x20, s18, s9, $0xb8;
	[tilespmem:$0x9400] =	vst v63  }
0x115: {  	_ = 	snop  }
0x116: {  	[hbm4b:s12+s2] =	stream.linear.scatter [tilespmem:s8], [sflag:$0x4], $0x4000, $0x38;
	[tilespmem:$0x9400] =	vst v63  }
0x117: {  	_ =	swait.ge [sflag:s13], $0x4000  }
0x118: {  	[sflag:s13] =	ssyncset.done $0x0  }
0x119: {  	[sflag:s13] =	ssyncadd.s32 $0xFFFFC000  }
0x11a: {  	_ =	swait.ge [sflag:s6], $0x4000  }
0x11b: {  	[sflag:s6] =	ssyncset.done $0x0  }
0x11c: {  	[sflag:s6] =	ssyncadd.s32 $0xFFFFC000  }
0x11d: {  	[tilespmem:s8], [sflag:$0x2] =	stream.indirect.gather [hbm4b:s3+s9], $0x20, s16, s9, $0xb8;
	[tilespmem:$0x9400] =	vst v63  }
0x11e: {  	_ = 	snop  }
0x11f: {  	[hbm4b:s5+s2] =	stream.linear.scatter [tilespmem:s10], [sflag:$0x3], $0x4000, $0x38;
	[tilespmem:$0x9400] =	vst v63  }
0x120: {  	_ =	swait.ge [sflag:s11], $0x4000  }
0x121: {  	[sflag:s11] =	ssyncset.done $0x0  }
0x122: {  	[sflag:s11] =	ssyncadd.s32 $0xFFFFC000  }
0x123: {  	[hbm4b:s4+s2] =	stream.linear.scatter [tilespmem:s8], [sflag:$0x4], $0x4000, $0x38;
	[tilespmem:$0x9400] =	vst v63  }
0x124: {  	_ =	swait.ge [sflag:s7], $0x4000  }
0x125: {  	[sflag:s7] =	ssyncset.done $0x0  }
0x126: {  	[sflag:s7] =	ssyncadd.s32 $0xFFFFC000  }
0x127: {  	_ =	swait.ge [sflag:s6], $0x4000  }
0x128: {  	[sflag:s6] =	ssyncset.done $0x0  }
0x129: {  	[sflag:s6] =	ssyncadd.s32 $0xFFFFC000  }
0x12a: {  	_ =	sfence.sel $0x180000  }
0x12b: {  	[bflag:$0x0] =	sbarrier.arrive $0xFFFF  }
0x12c: {  	_ =	strace $0x9000004A  }
0x12d: {  	[bflag:$0x2] =	sbarrier.arrive $0xFFFF  }
0x12e: {  	p0 =	sne.s32 s0, $0x0;
	s0 =	rddreg [dreg:$0x1]  }
0x12f: {  	s0 =	sadd.s32 @!p0 $0x100000, s0  }
0x130: {  	[sflag:s0] =	ssyncadd.tile.s32 @!p0 $0x1;
	_ =	shalt  }
.Lfunc_end2:
_tile_overlayer_lowered:
.L_overlay_start_2:
0x131: {  	(tag) =	ssettag $0x2  }
0x132: {  	s0 =	rddreg [dreg:$0x0];
	s2 =	stileid.u32  }
0x133: {  	s1 =	rddreg [dreg:$0x1];
	p0 =	sne.s32 s2, $0x0  }
0x134: {  	s3 =	rddreg [dreg:$0x2];
	[bflag:$0x3] =	sbarrier.arrive $0xFFFF;
	s2 =	simm.s32 @!p0 $0x1C05  }
0x135: {  	[timem:s3], [sflag:s2] =	dma.local @!p0 [hbm:s0], s1  }
0x136: {  	s0 =	simm.s32 @!p0 $0x5  }
0x137: {  	_ =	swait.ge @!p0 [sflag:s0], s1  }
0x138: {  	s1 =	ssub.s32 @!p0 $0x0, s1;
	[sflag:s0] =	ssyncset.done @!p0 $0x0  }
0x139: {  	[sflag:s0] =	ssyncadd.s32 @!p0 s1  }
0x13a: {  	[bflag:$0x3] =	sbarrier.arrive $0xFFFF  }
0x13b: {  	_ =	shalt  }

// kernel: kernel.14.cloned.1.call-start
scs
__scs_entry_jumppad:
0x0: {  	(pc) =	sbr.rel $0x88, $3  }
0x1: {  	(tag) =	ssettag $0x0;
	lr =	simm.s32 $0x1  }
0x2: {  	[smem:$0x3F8C] =	sst lr;
	_ =	strace $0xD0000000  }
0x3: {  	_ = 	snop  }
0x4: {  	_ = 	snop  }
0x5: {  	_ = 	snop  }
0x6: {  	_ = 	snop  }
0x7: {  	_ = 	snop  }
__scs_overlays_trampoline_lowered:
0x8: {  	[smem:$0x3F9B] =	sst s0  }
0x9: {  	[smem:$0x3F9C] =	sst s1  }
0xa: {  	[smem:$0x3F9D] =	sst s2  }
0xb: {  	[smem:$0x3F9E] =	sst s3  }
0xc: {  	[smem:$0x3F9F] =	sst s4  }
0xd: {  	[smem:$0x3FA0] =	sst s5  }
0xe: {  	[smem:$0x3FA1] =	sst s6  }
0xf: {  	[smem:$0x3FA2] =	sst s7  }
0x10: {  	[smem:$0x3FA3] =	sst s8  }
0x11: {  	[smem:$0x3FA4] =	sst s9;
	s0 =	simm.s32 @!p0 $0x0  }
0x12: {  	s1 =	sld [smem:$0x3F8A];
	s0 =	simm.s32 @p0 $0x1  }
0x13: {  	[smem:$0x3FA5] =	sst s0;
	s0 =	simm.s32 @!p1 $0x0  }
0x14: {  	s2 =	sld [smem:$0x3F89];
	s0 =	simm.s32 @p1 $0x1  }
0x15: {  	[smem:$0x3FA6] =	sst s0;
	s0 =	simm.s32 @!p2 $0x0  }
0x16: {  	s3 =	sld [smem:$0x3FDB];
	s0 =	simm.s32 @p2 $0x1  }
0x17: {  	s4 =	simm.s32 $0x1BF5;
	[smem:$0x3FA8] =	sst s0  }
0x18: {  	s0 =	sld [smem:$0x3F8B];
	_ =	swait.ge [sflag:s4], $0x0  }
0x19: {  	s7 =	sld [smem:$0x3F8C]  }
0x1a: {  	s8 =	sadd.s32 $0xFFFFE003, lr  }
0x1b: {  	s9 =	sadd.s32 $0xFFFFFEF7, lr;
	s5 =	simm.s32 $0xFFFFFFFF;
	p2 =	slt.u32 s8, $0xFFFFF086  }
0x1c: {  	p1 =	slt.u32 s9, $0xF7A;
	s5 =	simm.s32 @!p2 $0x0  }
0x1d: {  	s5 =	simm.s32 @p1 $0x1;
	p0 =	seq.s32 s7, s2  }
0x1e: {  	s7 =	smul.u32 @!p0 $0xF7A, s2;
	p2 =	seq.s32 @!p0 s5, $0x0  }
0x1f: {  	s9 =	smul.u32 $0xF7A, s1;
	s8 =	simm.s32 @!p0 $0x1BF5;
	p2 =	por !p2, p0  }
0x20: {  	[sflag:s8] =	ssyncset.s32 @!p0 $0xFFFFF086;
	s6 =	sadd.s32 @!p0 s3, s7;
	s7 =	simm.s32 @!p0 $0x108  }
0x21: {  	s3 =	sadd.s32 s3, s9;
	s6 =	sadd.s32 @!p0 $0x88, s6;
	s7 =	simm.s32 @p2 $0x1082  }
0x22: {  	[simem:s7], [sflag:s8] =	dma.local @!p0 [hbm:s6], $0xF7A  }
0x23: {  	s9 =	sor.u32 $0xD0000000, s2;
	s6 =	simm.s32 $0x108;
	_ =	swait.ge @!p0 [sflag:s8], $0x0  }
0x24: {  	s3 =	sadd.s32 $0x88, s3;
	s6 =	simm.s32 @!p1 $0x1082;
	[sflag:s4] =	ssyncset.s32 $0xFFFFF086  }
0x25: {  	[simem:s6], [sflag:s4] =	dma.local [hbm:s3], $0xF7A  }
0x26: {  	[smem:$0x3F8C] =	sst s1;
	(tag) =	ssettag s2;
	_ =	strace s9  }
0x27: {  	s1 =	sld [smem:$0x3F9C]  }
0x28: {  	s2 =	sld [smem:$0x3F9D]  }
0x29: {  	s4 =	sld [smem:$0x3F9F]  }
0x2a: {  	p0 =	seq.s32 s5, $0x0;
	s5 =	sld [smem:$0x3FA0]  }
0x2b: {  	s6 =	sld [smem:$0x3FA1]  }
0x2c: {  	s7 =	sld [smem:$0x3FA2]  }
0x2d: {  	s3 =	simm.s32 $0x108;
	s8 =	sld [smem:$0x3FA3]  }
0x2e: {  	s3 =	simm.s32 @!p0 $0x1082;
	s9 =	sld [smem:$0x3FA4]  }
0x2f: {  	lr =	sadd.s32 s0, s3;
	s0 =	sld [smem:$0x3F9B]  }
0x30: {  	s3 =	sld [smem:$0x3F9E]  }
0x31: {  	[smem:$0x3FA7] =	sst s10  }
0x32: {  	s10 =	sld [smem:$0x3FA5];
	_ =	sdelay $0x3  }
0x33: {  	p0 =	seq.s32 s10, $0x1;
	s10 =	sld [smem:$0x3FA7];
	_ =	sdelay $0x3  }
0x34: {  	[smem:$0x3FA7] =	sst s10  }
0x35: {  	s10 =	sld [smem:$0x3FA6];
	_ =	sdelay $0x3  }
0x36: {  	p1 =	seq.s32 s10, $0x1;
	s10 =	sld [smem:$0x3FA7];
	_ =	sdelay $0x3  }
0x37: {  	[smem:$0x3FA7] =	sst s10  }
0x38: {  	s10 =	sld [smem:$0x3FA8]  }
0x39: {  	_ = 	snop;
	(pc) =	sbr.ind lr, $3  }
0x3a: {  	_ = 	snop  }
0x3b: {  	_ = 	snop  }
0x3c: {  	p2 =	seq.s32 s10, $0x1;
	s10 =	sld [smem:$0x3FA7]  }
0x3d: {  	_ =	shalt  }
0x3e: {  	_ =	shalt  }
0x3f: {  	_ =	shalt  }
0x40: {  	_ =	shalt  }
0x41: {  	_ =	shalt  }
0x42: {  	_ =	shalt  }
0x43: {  	_ =	shalt  }
0x44: {  	_ =	shalt  }
0x45: {  	_ =	shalt  }
0x46: {  	_ =	shalt  }
0x47: {  	_ =	shalt  }
0x48: {  	_ =	shalt  }
0x49: {  	_ =	shalt  }
0x4a: {  	_ =	shalt  }
0x4b: {  	_ =	shalt  }
0x4c: {  	_ =	shalt  }
0x4d: {  	_ =	shalt  }
0x4e: {  	_ =	shalt  }
0x4f: {  	_ =	shalt  }
0x50: {  	_ =	shalt  }
0x51: {  	_ =	shalt  }
0x52: {  	_ =	shalt  }
0x53: {  	_ =	shalt  }
0x54: {  	_ =	shalt  }
0x55: {  	_ =	shalt  }
0x56: {  	_ =	shalt  }
0x57: {  	_ =	shalt  }
0x58: {  	_ =	shalt  }
0x59: {  	_ =	shalt  }
0x5a: {  	_ =	shalt  }
0x5b: {  	_ =	shalt  }
0x5c: {  	_ =	shalt  }
0x5d: {  	_ =	shalt  }
0x5e: {  	_ =	shalt  }
0x5f: {  	_ =	shalt  }
0x60: {  	_ =	shalt  }
0x61: {  	_ =	shalt  }
0x62: {  	_ =	shalt  }
0x63: {  	_ =	shalt  }
0x64: {  	_ =	shalt  }
0x65: {  	_ =	shalt  }
0x66: {  	_ =	shalt  }
0x67: {  	_ =	shalt  }
0x68: {  	_ =	shalt  }
0x69: {  	_ =	shalt  }
0x6a: {  	_ =	shalt  }
0x6b: {  	_ =	shalt  }
0x6c: {  	_ =	shalt  }
0x6d: {  	_ =	shalt  }
0x6e: {  	_ =	shalt  }
0x6f: {  	_ =	shalt  }
0x70: {  	_ =	shalt  }
0x71: {  	_ =	shalt  }
0x72: {  	_ =	shalt  }
0x73: {  	_ =	shalt  }
0x74: {  	_ =	shalt  }
0x75: {  	_ =	shalt  }
0x76: {  	_ =	shalt  }
0x77: {  	_ =	shalt  }
0x78: {  	_ =	shalt  }
0x79: {  	_ =	shalt  }
0x7a: {  	_ =	shalt  }
0x7b: {  	_ =	shalt  }
0x7c: {  	_ =	shalt  }
0x7d: {  	_ =	shalt  }
0x7e: {  	_ =	shalt  }
0x7f: {  	_ =	shalt  }
0x80: {  	_ =	shalt  }
0x81: {  	_ =	shalt  }
0x82: {  	_ =	shalt  }
0x83: {  	_ =	shalt  }
0x84: {  	_ =	shalt  }
0x85: {  	_ =	shalt  }
0x86: {  	_ =	shalt  }
0x87: {  	_ =	shalt  }
.Lfunc_end0:
.L_simem_size_0:
called_computation.3_lowered:
.L_overlay_start_0:
0x88: {  	s2 =	sld [smem:$0x3FD9]  }
0x89: {  	s3 =	sld [smem:$0x3FFE];
	_ =	sdelay $0x1  }
0x8a: {  	s1 =	srdreg.scid  }
0x8b: {  	s0 =	sand.u32 $0x1, s1  }
0x8c: {  	s14 =	sshll.u32 s0, $0xA;
	s2 =	sadd.s32 s3, s2  }
0x8d: {  	s2 =	sadd.s32 s2, s14  }
0x8e: {  	[smem:$0x3FB3] =	sst s2  }
0x8f: {  	_ = 	snop  }
0x90: {  	s2 =	sld [smem:$0x3FD0];
	_ =	sdelay $0x2  }
0x91: {  	s15 =	simm.s32 $0xB;
	s4 =	simm.s32 $0x10  }
0x92: {  	[smem:s4], [sflag:s15] =	dma.local [hbm:s2], $0x1  }
0x93: {  	_ =	swait.eq [sflag:s15], $0x1  }
0x94: {  	[sflag:s15] =	ssyncset.done $0x0  }
0x95: {  	[sflag:s15] =	ssyncadd.s32 $0xFFFFFFFF  }
0x96: {  	s16 =	sld [smem:$0x11];
	(tm) =	ssettm $0x1  }
0x97: {  	s17 =	sld [smem:$0x3FFB];
	_ =	sdelay $0x3  }
0x98: {  	_ =	strace s17  }
0x99: {  	s3 =	sld [smem:$0x3FFC];
	_ =	sdelay $0x3  }
0x9a: {  	_ =	strace s3  }
0x9b: {  	s3 =	sld [smem:$0x3FFD];
	_ =	sdelay $0x3  }
0x9c: {  	_ =	strace s3  }
0x9d: {  	_ =	strace $0x8FFFFFFF  }
0x9e: {  	s18 =	sld [smem:$0x3FDB];
	_ =	sdelay $0x1  }
0x9f: {  	s19 =	simm.s32 $_scs_section_size  }
0xa0: {  	s5 =	simm.s32 $_size__tile_overlayer_lowered;
	s6 =	simm.s32 $_tile_overlayer_lowered  }
0xa1: {  	s22 =	simm.s32 $0x1BFF;
	s21 =	sshll.u32 s6, $0x1;
	s3 =	sadd.s32 s19, s18  }
0xa2: {  	s7 =	simm.s32 $0x0;
	s20 =	sshll.u32 s5, $0x1;
	s5 =	sadd.s32 s21, s3  }
0xa3: {  	[timem:s7], [sflag:s22] =	dma.local [hbm:s5], s20  }
0xa4: {  	_ =	swait.ge [sflag:s22], s20  }
0xa5: {  	s4 =	ssub.s32 $0x0, s20;
	[sflag:s22] =	ssyncset.done $0x0  }
0xa6: {  	[sflag:s22] =	ssyncadd.s32 s4;
	_ =	sdelay $0x1  }
0xa7: {  	s23 =	simm.s32 $0x1B8B  }
0xa8: {  	_ =	swait.ge [sflag:s23], $0x1  }
0xa9: {  	[sflag:s23] =	ssyncset.done $0x0  }
0xaa: {  	s25 =	simm.s32 $0x1B8E;
	s24 =	sld [smem:$0x3FFE];
	[sflag:s23] =	ssyncadd.s32 $0xFFFFFFFF  }
0xab: {  	s26 =	simm.s32 $execute0_lowered;
	[smem:$0x3FD2] =	sst s25  }
0xac: {  	s5 =	sshll.u32 s26, $0x1;
	_ =	strace $0x8000004F;
	[dreg:$0x1] =	wrdreg $0xFFFFFFFF  }
0xad: {  	s28 =	simm.s32 $_size_execute0_lowered;
	s3 =	sadd.s32 s3, s5;
	[dreg:$0x0] =	wrdreg $0x0  }
0xae: {  	s5 =	sshll.u32 s28, $0x1;
	[dreg:$0x2] =	wrdreg s3  }
0xaf: {  	[dreg:$0x3] =	wrdreg s5  }
0xb0: {  	[dreg:$0x4] =	wrdreg $0xC0  }
0xb1: {  	_ =	task [dreg:s7], $0x5FFFF  }
0xb2: {  	[dreg:$0x1] =	wrdreg $0xFFFFFFFF  }
0xb3: {  	[dreg:$0x0] =	wrdreg $0x60  }
0xb4: {  	[dreg:$0x2] =	wrdreg s24  }
0xb5: {  	[dreg:$0x3] =	wrdreg s16  }
0xb6: {  	[dreg:$0x4] =	wrdreg $0x94000  }
0xb7: {  	[dreg:$0x5] =	wrdreg $0x9  }
0xb8: {  	_ =	task.clear_ibuf [dreg:s7], $0x6FFFF;
	_ =	strace $0x9000004F  }
0xb9: {  	s29 =	simm.s32 $0x9;
	_ =	strace $0x80000051  }
0xba: {  	_ =	swait.ge [sflag:s29], $0x1  }
0xbb: {  	[sflag:s29] =	ssyncadd.s32 $0xFFFFFFFF  }
0xbc: {  	_ =	strace $0x90000051  }
0xbd: {  	_ =	sfence  }
0xbe: {  	s30 =	sld [smem:$0x0];
	_ =	sdelay $0x2  }
0xbf: {  	s31 =	sshll.u32 s1, $0xD;
	s1 =	sshrl.u32 s1, $0x2  }
0xc0: {  	s3 =	sand.u32 $0x4000, s31;
	s1 =	sadd.s32 s1, s30  }
0xc1: {  	s0 =	sor.u32 s3, s0;
	s1 =	sshll.u32 s1, $0x11  }
0xc2: {  	s0 =	sor.u32 s1, s0  }
0xc3: {  	s0 =	sadd.s32 $0x8F2B, s0  }
0xc4: {  	[sflag:s0] =	ssyncadd.remote.s32 $0x1  }
0xc5: {  	_ =	sfence.sel $0xFFFF  }
0xc6: {  	[dreg:$0x0] =	wrdreg $0xFFFFFFFF;
	(pc) =	sbr.abs _section_cstart, $3  }
0xc7: {  	[dreg:$0x1] =	wrdreg $0xFFFFFFFF  }
0xc8: {  	_ =	task.clear_ibuf [dreg:s7], $0x2FFFF;
	_ =	strace $0x9FFFFFFF  }
0xc9: {  	(tm) =	ssettm $0x7FFFFFFF  }
tec
execute0_lowered:
.L_overlay_start_1:
0x0: {  	(tag) =	ssettag $0x1  }
0x1: {  	s5 =	rddreg [dreg:$0x0]  }
0x2: {  	s2 =	rddreg [dreg:$0x1];
	s1 =	srdreg.scid  }
0x3: {  	s0 =	stileid.u32;
	s3 =	rddreg [dreg:$0x2]  }
0x4: {  	s4 =	simm.s32 $0x0;
	s13 =	simm.s32 $0x80;
	s14 =	simm.s32 $0x2400  }
0x5: {  	s15 =	simm.s32 $0x3400;
	s16 =	simm.s32 $0x4400;
	s17 =	simm.s32 $0x5400  }
0x6: {  	s18 =	simm.s32 $0x6400;
	s19 =	simm.s32 $0x7400;
	s7 =	smul.u32 $0x50000, s0  }
0x7: {  	s20 =	simm.s32 $0x8400;
	s21 =	simm.s32 $0x0;
	s9 =	smul.u32 $0xA00, s0  }
0x8: {  	s6 =	sand.u32 $0x1, s1;
	s1 =	rddreg [dreg:$0x3];
	s26 =	smul.u32 $0x14000, s0  }
0x9: {  	[smem:$0x7FF] =	sst s4;
	s23 =	sshll.u32 s0, $0x1;
	s8 =	smul.u32 $0x28000, s6  }
0xa: {  	s31 =	sshll.u32 s0, $0x6;
	s10 =	smul.u32 $0xA000, s6;
	_ =	strace $0x80000050  }
0xb: {  	s30 =	sshrl.u32 s26, $0x2;
	s7 =	sadd.s32 s8, s7;
	s8 =	sor.u32 s6, s23  }
0xc: {  	s25 =	sadd.s32 s9, s10;
	s6 =	ssub.s32 $0x2, s6;
	s12 =	sadd.s32 s30, s3  }
0xd: {  	s7 =	sshrl.u32 s7, $0x3;
	s24 =	smul.u32 $0x280, s8;
	s8 =	sadd.s32 s25, s5  }
0xe: {  	s28 =	sshrl.u32 s6, $0x1;
	s10 =	sshrl.u32 s12, $0x3;
	s12 =	simm.s32 $0x1400  }
0xf: {  	s11 =	sadd.s32 s7, s5;
	s29 =	ssub.s32 s6, s28;
	s7 =	sadd.s32 s24, s5  }
0x10: {  	s5 =	sor.u32 $0x1C01, s31;
	s9 =	sadd.s32 $0x40A00, s11;
	s11 =	simm.s32 $0x1  }
0x11: {  	s6 =	sadd.s32 $0x35B800, s7;
	s7 =	sadd.s32 $0x360800, s8;
	s8 =	smax.u32 s29, $0x1  }
.LBB2_1:
0x12: {  	[spmem:s10], [sflag:s5] =	dma.local [hbm:s2], $0xA00  }
0x13: {  	_ =	swait.ge [sflag:s11], $0xA00  }
0x14: {  	[sflag:s11] =	ssyncset.done $0x0  }
0x15: {  	[sflag:s11] =	ssyncadd.s32 $0xFFFFF600  }
0x16: {  	[tilespmem:s4], [sflag:$0x1] =	stream.linear.gather [hbm4b:s6+s4], $0x1400, $0x38;
	[tilespmem:$0xE400] =	vst v63  }
0x17: {  	_ =	swait.ge [sflag:s11], $0x1400  }
0x18: {  	[sflag:s11] =	ssyncset.done $0x0  }
0x19: {  	[sflag:s11] =	ssyncadd.s32 $0xFFFFEC00  }
0x1a: {  	s22 =	sadd.s32 $0x0, s9;
	[bflag:$0x0] =	sbarrier.arrive $0xFFFF  }
0x1b: {  	[tilespmem:s12], [sflag:$0x1] =	stream.linear.gather [hbm4b:s22+s4], $0x8000, $0x38;
	[tilespmem:$0xE400] =	vst v63  }
0x1c: {  	_ =	swait.ge [sflag:s11], $0x8000  }
0x1d: {  	[sflag:s11] =	ssyncset.done $0x0  }
0x1e: {  	s23 =	simm.s32 $0x0;
	[sflag:s11] =	ssyncadd.s32 $0xFFFF8000  }
0x1f: {  	[spmem:s3] =	stream.indirect.scatter.add.f32 [tilespmem:s12], [sflag:$0x1], $0x20, s23, s13, $0xb8;
	[tilespmem:$0xE400] =	vst v63  }
0x20: {  	_ =	swait.ge [sflag:s11], $0x1000  }
0x21: {  	[sflag:s11] =	ssyncset.done $0x0  }
0x22: {  	s24 =	simm.s32 $0x80;
	[sflag:s11] =	ssyncadd.s32 $0xFFFFF000  }
0x23: {  	[spmem:s3] =	stream.indirect.scatter.add.f32 [tilespmem:s14], [sflag:$0x1], $0x20, s24, s13, $0xb8;
	[tilespmem:$0xE400] =	vst v63  }
0x24: {  	_ =	swait.ge [sflag:s11], $0x1000  }
0x25: {  	[sflag:s11] =	ssyncset.done $0x0  }
0x26: {  	s25 =	simm.s32 $0x100;
	[sflag:s11] =	ssyncadd.s32 $0xFFFFF000  }
0x27: {  	[spmem:s3] =	stream.indirect.scatter.add.f32 [tilespmem:s15], [sflag:$0x1], $0x20, s25, s13, $0xb8;
	[tilespmem:$0xE400] =	vst v63  }
0x28: {  	_ =	swait.ge [sflag:s11], $0x1000  }
0x29: {  	[sflag:s11] =	ssyncset.done $0x0  }
0x2a: {  	s26 =	simm.s32 $0x180;
	[sflag:s11] =	ssyncadd.s32 $0xFFFFF000  }
0x2b: {  	[spmem:s3] =	stream.indirect.scatter.add.f32 [tilespmem:s16], [sflag:$0x1], $0x20, s26, s13, $0xb8;
	[tilespmem:$0xE400] =	vst v63  }
0x2c: {  	_ =	swait.ge [sflag:s11], $0x1000  }
0x2d: {  	[sflag:s11] =	ssyncset.done $0x0  }
0x2e: {  	s28 =	simm.s32 $0x200;
	[sflag:s11] =	ssyncadd.s32 $0xFFFFF000  }
0x2f: {  	[spmem:s3] =	stream.indirect.scatter.add.f32 [tilespmem:s17], [sflag:$0x1], $0x20, s28, s13, $0xb8;
	[tilespmem:$0xE400] =	vst v63  }
0x30: {  	_ =	swait.ge [sflag:s11], $0x1000  }
0x31: {  	[sflag:s11] =	ssyncset.done $0x0  }
0x32: {  	s29 =	simm.s32 $0x280;
	[sflag:s11] =	ssyncadd.s32 $0xFFFFF000  }
0x33: {  	[spmem:s3] =	stream.indirect.scatter.add.f32 [tilespmem:s18], [sflag:$0x1], $0x20, s29, s13, $0xb8;
	[tilespmem:$0xE400] =	vst v63  }
0x34: {  	_ =	swait.ge [sflag:s11], $0x1000  }
0x35: {  	[sflag:s11] =	ssyncset.done $0x0  }
0x36: {  	s30 =	simm.s32 $0x300;
	[sflag:s11] =	ssyncadd.s32 $0xFFFFF000  }
0x37: {  	[spmem:s3] =	stream.indirect.scatter.add.f32 [tilespmem:s19], [sflag:$0x1], $0x20, s30, s13, $0xb8;
	[tilespmem:$0xE400] =	vst v63  }
0x38: {  	_ =	swait.ge [sflag:s11], $0x1000  }
0x39: {  	[sflag:s11] =	ssyncset.done $0x0  }
0x3a: {  	s31 =	simm.s32 $0x380;
	[sflag:s11] =	ssyncadd.s32 $0xFFFFF000  }
0x3b: {  	[spmem:s3] =	stream.indirect.scatter.add.f32 [tilespmem:s20], [sflag:$0x1], $0x20, s31, s13, $0xb8;
	[tilespmem:$0xE400] =	vst v63  }
0x3c: {  	_ =	swait.ge [sflag:s11], $0x1000  }
0x3d: {  	s22 =	simm.s32 $0x1000;
	s24 =	simm.s32 $0x2000;
	[sflag:s11] =	ssyncset.done $0x0  }
.LBB2_2:
0x3e: {  	s25 =	sadd.s32 s22, s9  }
0x3f: {  	[sflag:s11] =	ssyncadd.s32 $0xFFFFF000;
	s26 =	smov.u32 s24;
	s23 =	sadd.s32 $0x1000, s24  }
0x40: {  	[tilespmem:s12], [sflag:$0x1] =	stream.linear.gather [hbm4b:s25+s4], $0x8000, $0x38;
	[tilespmem:$0xE400] =	vst v63  }
0x41: {  	p0 =	sne.s32 s24, $0x4000;
	_ =	swait.ge [sflag:s11], $0x8000  }
0x42: {  	[sflag:s11] =	ssyncset.done $0x0  }
0x43: {  	s24 =	sshra.s32 s22, $0x2;
	s22 =	smov.u32 s26;
	[sflag:s11] =	ssyncadd.s32 $0xFFFF8000  }
0x44: {  	[spmem:s3] =	stream.indirect.scatter.add.f32 [tilespmem:s12], [sflag:$0x1], $0x20, s24, s13, $0xb8;
	[tilespmem:$0xE400] =	vst v63  }
0x45: {  	_ =	swait.ge [sflag:s11], $0x1000  }
0x46: {  	[sflag:s11] =	ssyncset.done $0x0  }
0x47: {  	s25 =	sadd.s32 $0x80, s24;
	[sflag:s11] =	ssyncadd.s32 $0xFFFFF000  }
0x48: {  	[spmem:s3] =	stream.indirect.scatter.add.f32 [tilespmem:s14], [sflag:$0x1], $0x20, s25, s13, $0xb8;
	[tilespmem:$0xE400] =	vst v63  }
0x49: {  	_ =	swait.ge [sflag:s11], $0x1000  }
0x4a: {  	[sflag:s11] =	ssyncset.done $0x0  }
0x4b: {  	s25 =	sadd.s32 $0x100, s24;
	[sflag:s11] =	ssyncadd.s32 $0xFFFFF000  }
0x4c: {  	[spmem:s3] =	stream.indirect.scatter.add.f32 [tilespmem:s15], [sflag:$0x1], $0x20, s25, s13, $0xb8;
	[tilespmem:$0xE400] =	vst v63  }
0x4d: {  	_ =	swait.ge [sflag:s11], $0x1000  }
0x4e: {  	[sflag:s11] =	ssyncset.done $0x0  }
0x4f: {  	s25 =	sadd.s32 $0x180, s24;
	[sflag:s11] =	ssyncadd.s32 $0xFFFFF000  }
0x50: {  	[spmem:s3] =	stream.indirect.scatter.add.f32 [tilespmem:s16], [sflag:$0x1], $0x20, s25, s13, $0xb8;
	[tilespmem:$0xE400] =	vst v63  }
0x51: {  	_ =	swait.ge [sflag:s11], $0x1000  }
0x52: {  	[sflag:s11] =	ssyncset.done $0x0  }
0x53: {  	s25 =	sadd.s32 $0x200, s24;
	[sflag:s11] =	ssyncadd.s32 $0xFFFFF000  }
0x54: {  	[spmem:s3] =	stream.indirect.scatter.add.f32 [tilespmem:s17], [sflag:$0x1], $0x20, s25, s13, $0xb8;
	[tilespmem:$0xE400] =	vst v63  }
0x55: {  	_ =	swait.ge [sflag:s11], $0x1000  }
0x56: {  	[sflag:s11] =	ssyncset.done $0x0  }
0x57: {  	s25 =	sadd.s32 $0x280, s24;
	[sflag:s11] =	ssyncadd.s32 $0xFFFFF000  }
0x58: {  	[spmem:s3] =	stream.indirect.scatter.add.f32 [tilespmem:s18], [sflag:$0x1], $0x20, s25, s13, $0xb8;
	[tilespmem:$0xE400] =	vst v63  }
0x59: {  	_ =	swait.ge [sflag:s11], $0x1000  }
0x5a: {  	[sflag:s11] =	ssyncset.done $0x0  }
0x5b: {  	s25 =	sadd.s32 $0x300, s24;
	[sflag:s11] =	ssyncadd.s32 $0xFFFFF000  }
0x5c: {  	[spmem:s3] =	stream.indirect.scatter.add.f32 [tilespmem:s19], [sflag:$0x1], $0x20, s25, s13, $0xb8;
	[tilespmem:$0xE400] =	vst v63  }
0x5d: {  	_ =	swait.ge [sflag:s11], $0x1000  }
.Ltmp0:
0x5e: {  	[sflag:s11] =	ssyncset.done $0x0;
	(pc) =	sbr.rel @p0 .LBB2_2-.Ltmp0, $4  }
0x5f: {  	s24 =	sadd.s32 $0x380, s24;
	[sflag:s11] =	ssyncadd.s32 $0xFFFFF000  }
0x60: {  	[spmem:s3] =	stream.indirect.scatter.add.f32 [tilespmem:s20], [sflag:$0x1], $0x20, s24, s13, $0xb8;
	[tilespmem:$0xE400] =	vst v63  }
0x61: {  	_ =	swait.ge [sflag:s11], $0x1000  }
0x62: {  	s24 =	smov.u32 s23;
	[sflag:s11] =	ssyncset.done $0x0  }
0x63: {  	s23 =	sadd.s32 s22, s9;
	[sflag:s11] =	ssyncadd.s32 $0xFFFFF000  }
0x64: {  	[tilespmem:s12], [sflag:$0x1] =	stream.linear.gather [hbm4b:s23+s4], $0x8000, $0x38;
	[tilespmem:$0xE400] =	vst v63  }
0x65: {  	_ =	swait.ge [sflag:s11], $0x8000  }
0x66: {  	[sflag:s11] =	ssyncset.done $0x0  }
0x67: {  	s24 =	sshra.s32 s22, $0x2;
	[sflag:s11] =	ssyncadd.s32 $0xFFFF8000  }
0x68: {  	[spmem:s3] =	stream.indirect.scatter.add.f32 [tilespmem:s12], [sflag:$0x1], $0x20, s24, s13, $0xb8;
	[tilespmem:$0xE400] =	vst v63  }
0x69: {  	_ =	swait.ge [sflag:s11], $0x1000  }
0x6a: {  	[sflag:s11] =	ssyncset.done $0x0  }
0x6b: {  	s25 =	sadd.s32 $0x80, s24;
	[sflag:s11] =	ssyncadd.s32 $0xFFFFF000  }
0x6c: {  	[spmem:s3] =	stream.indirect.scatter.add.f32 [tilespmem:s14], [sflag:$0x1], $0x20, s25, s13, $0xb8;
	[tilespmem:$0xE400] =	vst v63  }
0x6d: {  	_ =	swait.ge [sflag:s11], $0x1000  }
0x6e: {  	[sflag:s11] =	ssyncset.done $0x0  }
0x6f: {  	s26 =	sadd.s32 $0x100, s24;
	[sflag:s11] =	ssyncadd.s32 $0xFFFFF000  }
0x70: {  	[spmem:s3] =	stream.indirect.scatter.add.f32 [tilespmem:s15], [sflag:$0x1], $0x20, s26, s13, $0xb8;
	[tilespmem:$0xE400] =	vst v63  }
0x71: {  	_ =	swait.ge [sflag:s11], $0x1000  }
0x72: {  	[sflag:s11] =	ssyncset.done $0x0  }
0x73: {  	s28 =	sadd.s32 $0x180, s24;
	[sflag:s11] =	ssyncadd.s32 $0xFFFFF000  }
0x74: {  	[spmem:s3] =	stream.indirect.scatter.add.f32 [tilespmem:s16], [sflag:$0x1], $0x20, s28, s13, $0xb8;
	[tilespmem:$0xE400] =	vst v63  }
0x75: {  	_ =	swait.ge [sflag:s11], $0x1000  }
0x76: {  	[sflag:s11] =	ssyncset.done $0x0  }
0x77: {  	s29 =	sadd.s32 $0x200, s24;
	[sflag:s11] =	ssyncadd.s32 $0xFFFFF000  }
0x78: {  	[spmem:s3] =	stream.indirect.scatter.add.f32 [tilespmem:s17], [sflag:$0x1], $0x20, s29, s13, $0xb8;
	[tilespmem:$0xE400] =	vst v63  }
0x79: {  	_ =	swait.ge [sflag:s11], $0x1000  }
0x7a: {  	[sflag:s11] =	ssyncset.done $0x0  }
0x7b: {  	s30 =	sadd.s32 $0x280, s24;
	[sflag:s11] =	ssyncadd.s32 $0xFFFFF000  }
0x7c: {  	[spmem:s3] =	stream.indirect.scatter.add.f32 [tilespmem:s18], [sflag:$0x1], $0x20, s30, s13, $0xb8;
	[tilespmem:$0xE400] =	vst v63  }
0x7d: {  	_ =	swait.ge [sflag:s11], $0x1000  }
0x7e: {  	[sflag:s11] =	ssyncset.done $0x0  }
0x7f: {  	s31 =	sadd.s32 $0x300, s24;
	[sflag:s11] =	ssyncadd.s32 $0xFFFFF000  }
0x80: {  	[spmem:s3] =	stream.indirect.scatter.add.f32 [tilespmem:s19], [sflag:$0x1], $0x20, s31, s13, $0xb8;
	[tilespmem:$0xE400] =	vst v63  }
0x81: {  	_ =	swait.ge [sflag:s11], $0x1000  }
0x82: {  	[sflag:s11] =	ssyncset.done $0x0  }
0x83: {  	s22 =	sadd.s32 $0x380, s24;
	[sflag:s11] =	ssyncadd.s32 $0xFFFFF000  }
0x84: {  	[spmem:s3] =	stream.indirect.scatter.add.f32 [tilespmem:s20], [sflag:$0x1], $0x20, s22, s13, $0xb8;
	[tilespmem:$0xE400] =	vst v63  }
0x85: {  	_ =	swait.ge [sflag:s11], $0x1000  }
0x86: {  	s21 =	sadd.s32 $0x1, s21;
	[sflag:s11] =	ssyncset.done $0x0  }
0x87: {  	p0 =	sne.s32 s21, s8;
	[sflag:s11] =	ssyncadd.s32 $0xFFFFF000  }
.Ltmp1:
0x88: {  	[bflag:$0x0] =	sbarrier.arrive $0xFFFF;
	(pc) =	sbr.rel @p0 .LBB2_1-.Ltmp1, $4  }
0x89: {  	[hbm:s7], [sflag:s5] =	dma.local [spmem:s10], $0xA00  }
0x8a: {  	_ =	swait.ge [sflag:s11], $0xA00  }
0x8b: {  	[sflag:s11] =	ssyncset.done $0x0  }
0x8c: {  	[sflag:s11] =	ssyncadd.s32 $0xFFFFF600  }
0x8d: {  	_ =	sfence.sel $0x180000  }
0x8e: {  	[bflag:$0x0] =	sbarrier.arrive $0xFFFF  }
0x8f: {  	p0 =	sne.s32 s0, $0x0;
	_ =	strace $0x90000050  }
0x90: {  	s0 =	sadd.s32 @!p0 $0x100000, s1;
	[bflag:$0x2] =	sbarrier.arrive $0xFFFF  }
0x91: {  	[sflag:s0] =	ssyncadd.tile.s32 @!p0 $0x1;
	_ =	shalt  }
.Lfunc_end2:
_tile_overlayer_lowered:
.L_overlay_start_2:
0x92: {  	(tag) =	ssettag $0x2  }
0x93: {  	s0 =	rddreg [dreg:$0x0];
	s2 =	stileid.u32  }
0x94: {  	s1 =	rddreg [dreg:$0x1];
	p0 =	sne.s32 s2, $0x0  }
0x95: {  	s3 =	rddreg [dreg:$0x2];
	[bflag:$0x3] =	sbarrier.arrive $0xFFFF;
	s2 =	simm.s32 @!p0 $0x1C01  }
0x96: {  	[timem:s3], [sflag:s2] =	dma.local @!p0 [hbm:s0], s1  }
0x97: {  	s0 =	simm.s32 @!p0 $0x1  }
0x98: {  	_ =	swait.ge @!p0 [sflag:s0], s1  }
0x99: {  	s1 =	ssub.s32 @!p0 $0x0, s1;
	[sflag:s0] =	ssyncset.done @!p0 $0x0  }
0x9a: {  	[sflag:s0] =	ssyncadd.s32 @!p0 s1  }
0x9b: {  	[bflag:$0x3] =	sbarrier.arrive $0xFFFF  }
0x9c: {  	_ =	shalt  }

// kernel: kernel.17.cloned.1.call-start
scs
__scs_entry_jumppad:
0x0: {  	(pc) =	sbr.rel $0x88, $3  }
0x1: {  	(tag) =	ssettag $0x0;
	lr =	simm.s32 $0x1  }
0x2: {  	[smem:$0x3F8C] =	sst lr;
	_ =	strace $0xD0000000  }
0x3: {  	_ = 	snop  }
0x4: {  	_ = 	snop  }
0x5: {  	_ = 	snop  }
0x6: {  	_ = 	snop  }
0x7: {  	_ = 	snop  }
__scs_overlays_trampoline_lowered:
0x8: {  	[smem:$0x3F9B] =	sst s0  }
0x9: {  	[smem:$0x3F9C] =	sst s1  }
0xa: {  	[smem:$0x3F9D] =	sst s2  }
0xb: {  	[smem:$0x3F9E] =	sst s3  }
0xc: {  	[smem:$0x3F9F] =	sst s4  }
0xd: {  	[smem:$0x3FA0] =	sst s5  }
0xe: {  	[smem:$0x3FA1] =	sst s6  }
0xf: {  	[smem:$0x3FA2] =	sst s7  }
0x10: {  	[smem:$0x3FA3] =	sst s8  }
0x11: {  	[smem:$0x3FA4] =	sst s9;
	s0 =	simm.s32 @!p0 $0x0  }
0x12: {  	s1 =	sld [smem:$0x3F8A];
	s0 =	simm.s32 @p0 $0x1  }
0x13: {  	[smem:$0x3FA5] =	sst s0;
	s0 =	simm.s32 @!p1 $0x0  }
0x14: {  	s2 =	sld [smem:$0x3F89];
	s0 =	simm.s32 @p1 $0x1  }
0x15: {  	[smem:$0x3FA6] =	sst s0;
	s0 =	simm.s32 @!p2 $0x0  }
0x16: {  	s3 =	sld [smem:$0x3FDB];
	s0 =	simm.s32 @p2 $0x1  }
0x17: {  	s4 =	simm.s32 $0x1BF5;
	[smem:$0x3FA8] =	sst s0  }
0x18: {  	s0 =	sld [smem:$0x3F8B];
	_ =	swait.ge [sflag:s4], $0x0  }
0x19: {  	s7 =	sld [smem:$0x3F8C]  }
0x1a: {  	s8 =	sadd.s32 $0xFFFFE003, lr  }
0x1b: {  	s9 =	sadd.s32 $0xFFFFFEF7, lr;
	s5 =	simm.s32 $0xFFFFFFFF;
	p2 =	slt.u32 s8, $0xFFFFF086  }
0x1c: {  	p1 =	slt.u32 s9, $0xF7A;
	s5 =	simm.s32 @!p2 $0x0  }
0x1d: {  	s5 =	simm.s32 @p1 $0x1;
	p0 =	seq.s32 s7, s2  }
0x1e: {  	s7 =	smul.u32 @!p0 $0xF7A, s2;
	p2 =	seq.s32 @!p0 s5, $0x0  }
0x1f: {  	s9 =	smul.u32 $0xF7A, s1;
	s8 =	simm.s32 @!p0 $0x1BF5;
	p2 =	por !p2, p0  }
0x20: {  	[sflag:s8] =	ssyncset.s32 @!p0 $0xFFFFF086;
	s6 =	sadd.s32 @!p0 s3, s7;
	s7 =	simm.s32 @!p0 $0x108  }
0x21: {  	s3 =	sadd.s32 s3, s9;
	s6 =	sadd.s32 @!p0 $0x88, s6;
	s7 =	simm.s32 @p2 $0x1082  }
0x22: {  	[simem:s7], [sflag:s8] =	dma.local @!p0 [hbm:s6], $0xF7A  }
0x23: {  	s9 =	sor.u32 $0xD0000000, s2;
	s6 =	simm.s32 $0x108;
	_ =	swait.ge @!p0 [sflag:s8], $0x0  }
0x24: {  	s3 =	sadd.s32 $0x88, s3;
	s6 =	simm.s32 @!p1 $0x1082;
	[sflag:s4] =	ssyncset.s32 $0xFFFFF086  }
0x25: {  	[simem:s6], [sflag:s4] =	dma.local [hbm:s3], $0xF7A  }
0x26: {  	[smem:$0x3F8C] =	sst s1;
	(tag) =	ssettag s2;
	_ =	strace s9  }
0x27: {  	s1 =	sld [smem:$0x3F9C]  }
0x28: {  	s2 =	sld [smem:$0x3F9D]  }
0x29: {  	s4 =	sld [smem:$0x3F9F]  }
0x2a: {  	p0 =	seq.s32 s5, $0x0;
	s5 =	sld [smem:$0x3FA0]  }
0x2b: {  	s6 =	sld [smem:$0x3FA1]  }
0x2c: {  	s7 =	sld [smem:$0x3FA2]  }
0x2d: {  	s3 =	simm.s32 $0x108;
	s8 =	sld [smem:$0x3FA3]  }
0x2e: {  	s3 =	simm.s32 @!p0 $0x1082;
	s9 =	sld [smem:$0x3FA4]  }
0x2f: {  	lr =	sadd.s32 s0, s3;
	s0 =	sld [smem:$0x3F9B]  }
0x30: {  	s3 =	sld [smem:$0x3F9E]  }
0x31: {  	[smem:$0x3FA7] =	sst s10  }
0x32: {  	s10 =	sld [smem:$0x3FA5];
	_ =	sdelay $0x3  }
0x33: {  	p0 =	seq.s32 s10, $0x1;
	s10 =	sld [smem:$0x3FA7];
	_ =	sdelay $0x3  }
0x34: {  	[smem:$0x3FA7] =	sst s10  }
0x35: {  	s10 =	sld [smem:$0x3FA6];
	_ =	sdelay $0x3  }
0x36: {  	p1 =	seq.s32 s10, $0x1;
	s10 =	sld [smem:$0x3FA7];
	_ =	sdelay $0x3  }
0x37: {  	[smem:$0x3FA7] =	sst s10  }
0x38: {  	s10 =	sld [smem:$0x3FA8]  }
0x39: {  	_ = 	snop;
	(pc) =	sbr.ind lr, $3  }
0x3a: {  	_ = 	snop  }
0x3b: {  	_ = 	snop  }
0x3c: {  	p2 =	seq.s32 s10, $0x1;
	s10 =	sld [smem:$0x3FA7]  }
0x3d: {  	_ =	shalt  }
0x3e: {  	_ =	shalt  }
0x3f: {  	_ =	shalt  }
0x40: {  	_ =	shalt  }
0x41: {  	_ =	shalt  }
0x42: {  	_ =	shalt  }
0x43: {  	_ =	shalt  }
0x44: {  	_ =	shalt  }
0x45: {  	_ =	shalt  }
0x46: {  	_ =	shalt  }
0x47: {  	_ =	shalt  }
0x48: {  	_ =	shalt  }
0x49: {  	_ =	shalt  }
0x4a: {  	_ =	shalt  }
0x4b: {  	_ =	shalt  }
0x4c: {  	_ =	shalt  }
0x4d: {  	_ =	shalt  }
0x4e: {  	_ =	shalt  }
0x4f: {  	_ =	shalt  }
0x50: {  	_ =	shalt  }
0x51: {  	_ =	shalt  }
0x52: {  	_ =	shalt  }
0x53: {  	_ =	shalt  }
0x54: {  	_ =	shalt  }
0x55: {  	_ =	shalt  }
0x56: {  	_ =	shalt  }
0x57: {  	_ =	shalt  }
0x58: {  	_ =	shalt  }
0x59: {  	_ =	shalt  }
0x5a: {  	_ =	shalt  }
0x5b: {  	_ =	shalt  }
0x5c: {  	_ =	shalt  }
0x5d: {  	_ =	shalt  }
0x5e: {  	_ =	shalt  }
0x5f: {  	_ =	shalt  }
0x60: {  	_ =	shalt  }
0x61: {  	_ =	shalt  }
0x62: {  	_ =	shalt  }
0x63: {  	_ =	shalt  }
0x64: {  	_ =	shalt  }
0x65: {  	_ =	shalt  }
0x66: {  	_ =	shalt  }
0x67: {  	_ =	shalt  }
0x68: {  	_ =	shalt  }
0x69: {  	_ =	shalt  }
0x6a: {  	_ =	shalt  }
0x6b: {  	_ =	shalt  }
0x6c: {  	_ =	shalt  }
0x6d: {  	_ =	shalt  }
0x6e: {  	_ =	shalt  }
0x6f: {  	_ =	shalt  }
0x70: {  	_ =	shalt  }
0x71: {  	_ =	shalt  }
0x72: {  	_ =	shalt  }
0x73: {  	_ =	shalt  }
0x74: {  	_ =	shalt  }
0x75: {  	_ =	shalt  }
0x76: {  	_ =	shalt  }
0x77: {  	_ =	shalt  }
0x78: {  	_ =	shalt  }
0x79: {  	_ =	shalt  }
0x7a: {  	_ =	shalt  }
0x7b: {  	_ =	shalt  }
0x7c: {  	_ =	shalt  }
0x7d: {  	_ =	shalt  }
0x7e: {  	_ =	shalt  }
0x7f: {  	_ =	shalt  }
0x80: {  	_ =	shalt  }
0x81: {  	_ =	shalt  }
0x82: {  	_ =	shalt  }
0x83: {  	_ =	shalt  }
0x84: {  	_ =	shalt  }
0x85: {  	_ =	shalt  }
0x86: {  	_ =	shalt  }
0x87: {  	_ =	shalt  }
.Lfunc_end0:
.L_simem_size_0:
called_computation.4_lowered:
.L_overlay_start_0:
0x88: {  	s2 =	sld [smem:$0x3FD9]  }
0x89: {  	s3 =	sld [smem:$0x3FFE];
	_ =	sdelay $0x1  }
0x8a: {  	s1 =	srdreg.scid  }
0x8b: {  	s0 =	sand.u32 $0x1, s1  }
0x8c: {  	s16 =	sshll.u32 s0, $0xA;
	s2 =	sadd.s32 s3, s2  }
0x8d: {  	s2 =	sadd.s32 s2, s16  }
0x8e: {  	[smem:$0x3FB3] =	sst s2  }
0x8f: {  	_ = 	snop  }
0x90: {  	(tm) =	ssettm $0x1  }
0x91: {  	s17 =	sld [smem:$0x3FFB];
	_ =	sdelay $0x3  }
0x92: {  	_ =	strace s17  }
0x93: {  	s2 =	sld [smem:$0x3FFC];
	_ =	sdelay $0x3  }
0x94: {  	_ =	strace s2  }
0x95: {  	s2 =	sld [smem:$0x3FFD];
	_ =	sdelay $0x3  }
0x96: {  	_ =	strace s2  }
0x97: {  	_ =	strace $0x8FFFFFFF  }
0x98: {  	s18 =	sld [smem:$0x3FDB];
	_ =	sdelay $0x1  }
0x99: {  	s19 =	simm.s32 $_scs_section_size  }
0x9a: {  	s4 =	simm.s32 $_size__tile_overlayer_lowered;
	s5 =	simm.s32 $_tile_overlayer_lowered  }
0x9b: {  	s22 =	simm.s32 $0x1BFF;
	s21 =	sshll.u32 s5, $0x1;
	s2 =	sadd.s32 s19, s18  }
0x9c: {  	s6 =	simm.s32 $0x0;
	s20 =	sshll.u32 s4, $0x1;
	s4 =	sadd.s32 s21, s2  }
0x9d: {  	[timem:s6], [sflag:s22] =	dma.local [hbm:s4], s20  }
0x9e: {  	_ =	swait.ge [sflag:s22], s20  }
0x9f: {  	s3 =	ssub.s32 $0x0, s20;
	[sflag:s22] =	ssyncset.done $0x0  }
0xa0: {  	[sflag:s22] =	ssyncadd.s32 s3;
	_ =	sdelay $0x1  }
0xa1: {  	s23 =	simm.s32 $0x1B8B  }
0xa2: {  	_ =	swait.ge [sflag:s23], $0x1  }
0xa3: {  	[sflag:s23] =	ssyncset.done $0x0  }
0xa4: {  	s25 =	simm.s32 $0x1B8E;
	s24 =	sld [smem:$0x3FFE];
	[sflag:s23] =	ssyncadd.s32 $0xFFFFFFFF  }
0xa5: {  	s26 =	simm.s32 $execute0_lowered;
	[smem:$0x3FD2] =	sst s25  }
0xa6: {  	s4 =	sshll.u32 s26, $0x1;
	_ =	strace $0x80000052;
	[dreg:$0x1] =	wrdreg $0xFFFFFFFF  }
0xa7: {  	s28 =	simm.s32 $_size_execute0_lowered;
	s2 =	sadd.s32 s2, s4;
	[dreg:$0x0] =	wrdreg $0x0  }
0xa8: {  	s4 =	sshll.u32 s28, $0x1;
	[dreg:$0x2] =	wrdreg s2  }
0xa9: {  	[dreg:$0x3] =	wrdreg s4  }
0xaa: {  	[dreg:$0x4] =	wrdreg $0xC0  }
0xab: {  	_ =	task [dreg:s6], $0x5FFFF  }
0xac: {  	[dreg:$0x1] =	wrdreg $0xFFFFFFFF  }
0xad: {  	[dreg:$0x0] =	wrdreg $0x60  }
0xae: {  	[dreg:$0x2] =	wrdreg s24  }
0xaf: {  	[dreg:$0x3] =	wrdreg $0x9  }
0xb0: {  	_ =	task.clear_ibuf [dreg:s6], $0x4FFFF;
	_ =	strace $0x90000052  }
0xb1: {  	s29 =	simm.s32 $0x9;
	_ =	strace $0x80000054  }
0xb2: {  	_ =	swait.ge [sflag:s29], $0x1  }
0xb3: {  	[sflag:s29] =	ssyncadd.s32 $0xFFFFFFFF  }
0xb4: {  	_ =	strace $0x90000054  }
0xb5: {  	_ =	sfence  }
0xb6: {  	s30 =	sld [smem:$0x0];
	_ =	sdelay $0x2  }
0xb7: {  	s31 =	sshll.u32 s1, $0xD;
	s1 =	sshrl.u32 s1, $0x2  }
0xb8: {  	s3 =	sand.u32 $0x4000, s31;
	s1 =	sadd.s32 s1, s30  }
0xb9: {  	s0 =	sor.u32 s3, s0;
	s1 =	sshll.u32 s1, $0x11  }
0xba: {  	s0 =	sor.u32 s1, s0  }
0xbb: {  	s0 =	sadd.s32 $0x8F2B, s0  }
0xbc: {  	[sflag:s0] =	ssyncadd.remote.s32 $0x1  }
0xbd: {  	_ =	sfence.sel $0xFFFF  }
0xbe: {  	[dreg:$0x0] =	wrdreg $0xFFFFFFFF;
	(pc) =	sbr.abs _section_cstart, $3  }
0xbf: {  	[dreg:$0x1] =	wrdreg $0xFFFFFFFF  }
0xc0: {  	_ =	task.clear_ibuf [dreg:s6], $0x2FFFF;
	_ =	strace $0x9FFFFFFF  }
0xc1: {  	(tm) =	ssettm $0x7FFFFFFF  }
tec
execute0_lowered:
.L_overlay_start_1:
0x0: {  	(tag) =	ssettag $0x1  }
0x1: {  	s1 =	srdreg.scid  }
0x2: {  	s0 =	stileid.u32;
	s4 =	rddreg [dreg:$0x0];
	s2 =	simm.s32 $0x0  }
0x3: {  	s30 =	simm.s32 $0x5;
	s9 =	simm.s32 $0x200;
	s10 =	simm.s32 $0x1400  }
0x4: {  	s13 =	simm.s32 $0x1;
	s8 =	simm.s32 $0x5400;
	s11 =	simm.s32 $0x2  }
0x5: {  	s29 =	simm.s32 $0x400;
	s28 =	simm.s32 $0x600;
	s25 =	simm.s32 $0x800  }
0x6: {  	p0 =	por $0x0, $0x0;
	s24 =	simm.s32 $0xA00;
	s22 =	simm.s32 $0xC00  }
0x7: {  	s20 =	simm.s32 $0xE00;
	s1 =	sand.u32 $0x1, s1;
	s3 =	sshll.u32 s0, $0x1  }
0x8: {  	s18 =	simm.s32 $0x1000;
	s16 =	simm.s32 $0x1200;
	s3 =	sor.u32 s1, s3  }
0x9: {  	[smem:$0x7FF] =	sst s2;
	s1 =	ssub.s32 $0x2, s1;
	s5 =	smul.u32 $0x280, s3  }
0xa: {  	_ =	strace $0x80000053;
	s6 =	smul.u32 $0x28000, s3;
	s7 =	sshrl.u32 s1, $0x1  }
0xb: {  	s3 =	sadd.s32 $0x5800, s4;
	s1 =	ssub.s32 s1, s7;
	s7 =	simm.s32 $0x3  }
0xc: {  	s5 =	sadd.s32 s5, s4;
	s6 =	sshrl.u32 s6, $0x3;
	s1 =	smax.u32 s1, $0x1  }
0xd: {  	s5 =	sadd.s32 $0x3BA00, s5;
	s4 =	sadd.s32 s6, s4;
	p1 =	sne.s32 s1, $0x1  }
.Ltmp0:
0xe: {  	s6 =	simm.s32 $0x4;
	s31 =	sadd.s32 $0xFFFFFFFF, s1;
	(pc) =	sbr.rel @!p1 .LBB2_3-.Ltmp0, $4  }
0xf: {  	[dreg:$0x2] =	wrdreg s5;
	s26 =	sadd.s32 $0x40A00, s4;
	s23 =	sadd.s32 $0x41200, s4  }
0x10: {  	s21 =	sadd.s32 $0x41A00, s4;
	s19 =	sadd.s32 $0x42200, s4;
	s17 =	sadd.s32 $0x42A00, s4  }
0x11: {  	s15 =	sadd.s32 $0x43200, s4;
	s14 =	sadd.s32 $0x43A00, s4;
	s12 =	sadd.s32 $0x44200, s4  }
0x12: {  	s5 =	sadd.s32 $0x44A00, s4;
	s4 =	sadd.s32 $0x45200, s4;
	s1 =	rddreg [dreg:$0x2]  }
0x13: {  	[tilespmem:s2], [sflag:$0x5] =	stream.linear.gather [hbm4b:s1+s2], $0x1400, $0x38;
	[tilespmem:$0x9400] =	vst v63  }
0x14: {  	_ =	swait.ge [sflag:s30], $0x1400  }
0x15: {  	[sflag:s30] =	ssyncset.done $0x0  }
0x16: {  	[sflag:s30] =	ssyncadd.s32 $0xFFFFEC00  }
0x17: {  	[tilespmem:s10], [sflag:$0x1] =	stream.indirect.gather [hbm4b:s3+s9], $0x20, s2, s9, $0xb8;
	[tilespmem:$0x9400] =	vst v63  }
0x18: {  	_ =	swait.ge [sflag:s13], $0x4000  }
0x19: {  	[sflag:s13] =	ssyncset.done $0x0  }
0x1a: {  	[sflag:s13] =	ssyncadd.s32 $0xFFFFC000  }
0x1b: {  	[tilespmem:s8], [sflag:$0x2] =	stream.indirect.gather [hbm4b:s3+s9], $0x20, s9, s9, $0xb8;
	[tilespmem:$0x9400] =	vst v63  }
0x1c: {  	_ = 	snop  }
0x1d: {  	[hbm4b:s26+s2] =	stream.linear.scatter [tilespmem:s10], [sflag:$0x3], $0x4000, $0x38;
	[tilespmem:$0x9400] =	vst v63  }
0x1e: {  	_ =	swait.ge [sflag:s11], $0x4000  }
0x1f: {  	[sflag:s11] =	ssyncset.done $0x0  }
0x20: {  	[sflag:s11] =	ssyncadd.s32 $0xFFFFC000  }
0x21: {  	_ =	swait.ge [sflag:s7], $0x4000  }
0x22: {  	[sflag:s7] =	ssyncset.done $0x0  }
0x23: {  	[sflag:s7] =	ssyncadd.s32 $0xFFFFC000  }
0x24: {  	[tilespmem:s10], [sflag:$0x1] =	stream.indirect.gather [hbm4b:s3+s9], $0x20, s29, s9, $0xb8;
	[tilespmem:$0x9400] =	vst v63  }
0x25: {  	_ = 	snop  }
0x26: {  	[hbm4b:s23+s2] =	stream.linear.scatter [tilespmem:s8], [sflag:$0x4], $0x4000, $0x38;
	[tilespmem:$0x9400] =	vst v63  }
0x27: {  	_ =	swait.ge [sflag:s13], $0x4000  }
0x28: {  	[sflag:s13] =	ssyncset.done $0x0  }
0x29: {  	[sflag:s13] =	ssyncadd.s32 $0xFFFFC000  }
0x2a: {  	_ =	swait.ge [sflag:s6], $0x4000  }
0x2b: {  	[sflag:s6] =	ssyncset.done $0x0  }
0x2c: {  	[sflag:s6] =	ssyncadd.s32 $0xFFFFC000  }
0x2d: {  	[tilespmem:s8], [sflag:$0x2] =	stream.indirect.gather [hbm4b:s3+s9], $0x20, s28, s9, $0xb8;
	[tilespmem:$0x9400] =	vst v63  }
0x2e: {  	_ = 	snop  }
0x2f: {  	[hbm4b:s21+s2] =	stream.linear.scatter [tilespmem:s10], [sflag:$0x3], $0x4000, $0x38;
	[tilespmem:$0x9400] =	vst v63  }
0x30: {  	_ =	swait.ge [sflag:s11], $0x4000  }
0x31: {  	[sflag:s11] =	ssyncset.done $0x0  }
0x32: {  	[sflag:s11] =	ssyncadd.s32 $0xFFFFC000  }
0x33: {  	_ =	swait.ge [sflag:s7], $0x4000  }
0x34: {  	[sflag:s7] =	ssyncset.done $0x0  }
0x35: {  	[sflag:s7] =	ssyncadd.s32 $0xFFFFC000  }
0x36: {  	[tilespmem:s10], [sflag:$0x1] =	stream.indirect.gather [hbm4b:s3+s9], $0x20, s25, s9, $0xb8;
	[tilespmem:$0x9400] =	vst v63  }
0x37: {  	_ = 	snop  }
0x38: {  	[hbm4b:s19+s2] =	stream.linear.scatter [tilespmem:s8], [sflag:$0x4], $0x4000, $0x38;
	[tilespmem:$0x9400] =	vst v63  }
0x39: {  	_ =	swait.ge [sflag:s13], $0x4000  }
0x3a: {  	[sflag:s13] =	ssyncset.done $0x0  }
0x3b: {  	[sflag:s13] =	ssyncadd.s32 $0xFFFFC000  }
0x3c: {  	_ =	swait.ge [sflag:s6], $0x4000  }
0x3d: {  	[sflag:s6] =	ssyncset.done $0x0  }
0x3e: {  	[sflag:s6] =	ssyncadd.s32 $0xFFFFC000  }
0x3f: {  	[tilespmem:s8], [sflag:$0x2] =	stream.indirect.gather [hbm4b:s3+s9], $0x20, s24, s9, $0xb8;
	[tilespmem:$0x9400] =	vst v63  }
0x40: {  	_ = 	snop  }
0x41: {  	[hbm4b:s17+s2] =	stream.linear.scatter [tilespmem:s10], [sflag:$0x3], $0x4000, $0x38;
	[tilespmem:$0x9400] =	vst v63  }
0x42: {  	_ =	swait.ge [sflag:s11], $0x4000  }
0x43: {  	[sflag:s11] =	ssyncset.done $0x0  }
0x44: {  	[sflag:s11] =	ssyncadd.s32 $0xFFFFC000  }
0x45: {  	_ =	swait.ge [sflag:s7], $0x4000  }
0x46: {  	[sflag:s7] =	ssyncset.done $0x0  }
0x47: {  	[sflag:s7] =	ssyncadd.s32 $0xFFFFC000  }
0x48: {  	[tilespmem:s10], [sflag:$0x1] =	stream.indirect.gather [hbm4b:s3+s9], $0x20, s22, s9, $0xb8;
	[tilespmem:$0x9400] =	vst v63  }
0x49: {  	_ = 	snop  }
0x4a: {  	[hbm4b:s15+s2] =	stream.linear.scatter [tilespmem:s8], [sflag:$0x4], $0x4000, $0x38;
	[tilespmem:$0x9400] =	vst v63  }
0x4b: {  	_ =	swait.ge [sflag:s13], $0x4000  }
0x4c: {  	[sflag:s13] =	ssyncset.done $0x0  }
0x4d: {  	[sflag:s13] =	ssyncadd.s32 $0xFFFFC000  }
0x4e: {  	_ =	swait.ge [sflag:s6], $0x4000  }
0x4f: {  	[sflag:s6] =	ssyncset.done $0x0  }
0x50: {  	[sflag:s6] =	ssyncadd.s32 $0xFFFFC000  }
0x51: {  	[tilespmem:s8], [sflag:$0x2] =	stream.indirect.gather [hbm4b:s3+s9], $0x20, s20, s9, $0xb8;
	[tilespmem:$0x9400] =	vst v63  }
0x52: {  	_ = 	snop  }
0x53: {  	[hbm4b:s14+s2] =	stream.linear.scatter [tilespmem:s10], [sflag:$0x3], $0x4000, $0x38;
	[tilespmem:$0x9400] =	vst v63  }
0x54: {  	_ =	swait.ge [sflag:s11], $0x4000  }
0x55: {  	[sflag:s11] =	ssyncset.done $0x0  }
0x56: {  	[sflag:s11] =	ssyncadd.s32 $0xFFFFC000  }
0x57: {  	_ =	swait.ge [sflag:s7], $0x4000  }
0x58: {  	[sflag:s7] =	ssyncset.done $0x0  }
0x59: {  	[sflag:s7] =	ssyncadd.s32 $0xFFFFC000  }
0x5a: {  	[tilespmem:s10], [sflag:$0x1] =	stream.indirect.gather [hbm4b:s3+s9], $0x20, s18, s9, $0xb8;
	[tilespmem:$0x9400] =	vst v63  }
0x5b: {  	_ = 	snop  }
0x5c: {  	[hbm4b:s12+s2] =	stream.linear.scatter [tilespmem:s8], [sflag:$0x4], $0x4000, $0x38;
	[tilespmem:$0x9400] =	vst v63  }
0x5d: {  	_ =	swait.ge [sflag:s13], $0x4000  }
0x5e: {  	[sflag:s13] =	ssyncset.done $0x0  }
0x5f: {  	[sflag:s13] =	ssyncadd.s32 $0xFFFFC000  }
0x60: {  	_ =	swait.ge [sflag:s6], $0x4000  }
0x61: {  	[sflag:s6] =	ssyncset.done $0x0  }
0x62: {  	[sflag:s6] =	ssyncadd.s32 $0xFFFFC000  }
0x63: {  	[tilespmem:s8], [sflag:$0x2] =	stream.indirect.gather [hbm4b:s3+s9], $0x20, s16, s9, $0xb8;
	[tilespmem:$0x9400] =	vst v63  }
0x64: {  	_ = 	snop  }
0x65: {  	[hbm4b:s5+s2] =	stream.linear.scatter [tilespmem:s10], [sflag:$0x3], $0x4000, $0x38;
	[tilespmem:$0x9400] =	vst v63  }
0x66: {  	_ =	swait.ge [sflag:s11], $0x4000  }
0x67: {  	[sflag:s11] =	ssyncset.done $0x0  }
0x68: {  	p1 =	sne.s32 s31, $0x1;
	[sflag:s11] =	ssyncadd.s32 $0xFFFFC000  }
0x69: {  	[hbm4b:s4+s2] =	stream.linear.scatter [tilespmem:s8], [sflag:$0x4], $0x4000, $0x38;
	[tilespmem:$0x9400] =	vst v63  }
.Ltmp1:
0x6a: {  	_ =	swait.ge [sflag:s7], $0x4000;
	(pc) =	sbr.rel @!p1 .LBB2_3-.Ltmp1, $4  }
0x6b: {  	[sflag:s7] =	ssyncset.done $0x0  }
0x6c: {  	[sflag:s7] =	ssyncadd.s32 $0xFFFFC000  }
0x6d: {  	s31 =	sadd.s32 $0xFFFFFFFF, s31;
	_ =	swait.ge [sflag:s6], $0x4000  }
0x6e: {  	p0 =	por $0x1, $0x1;
	s1 =	rddreg [dreg:$0x2];
	[sflag:s6] =	ssyncset.done $0x0  }
.LBB2_2:
0x6f: {  	[sflag:s6] =	ssyncadd.s32 $0xFFFFC000  }
0x70: {  	[tilespmem:s2], [sflag:$0x5] =	stream.linear.gather [hbm4b:s1+s2], $0x1400, $0x38;
	[tilespmem:$0x9400] =	vst v63  }
0x71: {  	_ =	swait.ge [sflag:s30], $0x1400  }
0x72: {  	[sflag:s30] =	ssyncset.done $0x0  }
0x73: {  	[sflag:s30] =	ssyncadd.s32 $0xFFFFEC00  }
0x74: {  	[tilespmem:s10], [sflag:$0x1] =	stream.indirect.gather [hbm4b:s3+s9], $0x20, s2, s9, $0xb8;
	[tilespmem:$0x9400] =	vst v63  }
0x75: {  	_ =	swait.ge [sflag:s13], $0x4000  }
0x76: {  	[sflag:s13] =	ssyncset.done $0x0  }
0x77: {  	[sflag:s13] =	ssyncadd.s32 $0xFFFFC000  }
0x78: {  	[tilespmem:s8], [sflag:$0x2] =	stream.indirect.gather [hbm4b:s3+s9], $0x20, s9, s9, $0xb8;
	[tilespmem:$0x9400] =	vst v63  }
0x79: {  	_ = 	snop  }
0x7a: {  	[hbm4b:s26+s2] =	stream.linear.scatter [tilespmem:s10], [sflag:$0x3], $0x4000, $0x38;
	[tilespmem:$0x9400] =	vst v63  }
0x7b: {  	_ =	swait.ge [sflag:s11], $0x4000  }
0x7c: {  	[sflag:s11] =	ssyncset.done $0x0  }
0x7d: {  	[sflag:s11] =	ssyncadd.s32 $0xFFFFC000  }
0x7e: {  	_ =	swait.ge [sflag:s7], $0x4000  }
0x7f: {  	[sflag:s7] =	ssyncset.done $0x0  }
0x80: {  	[sflag:s7] =	ssyncadd.s32 $0xFFFFC000  }
0x81: {  	[tilespmem:s10], [sflag:$0x1] =	stream.indirect.gather [hbm4b:s3+s9], $0x20, s29, s9, $0xb8;
	[tilespmem:$0x9400] =	vst v63  }
0x82: {  	_ = 	snop  }
0x83: {  	[hbm4b:s23+s2] =	stream.linear.scatter [tilespmem:s8], [sflag:$0x4], $0x4000, $0x38;
	[tilespmem:$0x9400] =	vst v63  }
0x84: {  	_ =	swait.ge [sflag:s13], $0x4000  }
0x85: {  	[sflag:s13] =	ssyncset.done $0x0  }
0x86: {  	[sflag:s13] =	ssyncadd.s32 $0xFFFFC000  }
0x87: {  	_ =	swait.ge [sflag:s6], $0x4000  }
0x88: {  	[sflag:s6] =	ssyncset.done $0x0  }
0x89: {  	[sflag:s6] =	ssyncadd.s32 $0xFFFFC000  }
0x8a: {  	[tilespmem:s8], [sflag:$0x2] =	stream.indirect.gather [hbm4b:s3+s9], $0x20, s28, s9, $0xb8;
	[tilespmem:$0x9400] =	vst v63  }
0x8b: {  	_ = 	snop  }
0x8c: {  	[hbm4b:s21+s2] =	stream.linear.scatter [tilespmem:s10], [sflag:$0x3], $0x4000, $0x38;
	[tilespmem:$0x9400] =	vst v63  }
0x8d: {  	_ =	swait.ge [sflag:s11], $0x4000  }
0x8e: {  	[sflag:s11] =	ssyncset.done $0x0  }
0x8f: {  	[sflag:s11] =	ssyncadd.s32 $0xFFFFC000  }
0x90: {  	_ =	swait.ge [sflag:s7], $0x4000  }
0x91: {  	[sflag:s7] =	ssyncset.done $0x0  }
0x92: {  	[sflag:s7] =	ssyncadd.s32 $0xFFFFC000  }
0x93: {  	[tilespmem:s10], [sflag:$0x1] =	stream.indirect.gather [hbm4b:s3+s9], $0x20, s25, s9, $0xb8;
	[tilespmem:$0x9400] =	vst v63  }
0x94: {  	_ = 	snop  }
0x95: {  	[hbm4b:s19+s2] =	stream.linear.scatter [tilespmem:s8], [sflag:$0x4], $0x4000, $0x38;
	[tilespmem:$0x9400] =	vst v63  }
0x96: {  	_ =	swait.ge [sflag:s13], $0x4000  }
0x97: {  	[sflag:s13] =	ssyncset.done $0x0  }
0x98: {  	[sflag:s13] =	ssyncadd.s32 $0xFFFFC000  }
0x99: {  	_ =	swait.ge [sflag:s6], $0x4000  }
0x9a: {  	[sflag:s6] =	ssyncset.done $0x0  }
0x9b: {  	[sflag:s6] =	ssyncadd.s32 $0xFFFFC000  }
0x9c: {  	[tilespmem:s8], [sflag:$0x2] =	stream.indirect.gather [hbm4b:s3+s9], $0x20, s24, s9, $0xb8;
	[tilespmem:$0x9400] =	vst v63  }
0x9d: {  	_ = 	snop  }
0x9e: {  	[hbm4b:s17+s2] =	stream.linear.scatter [tilespmem:s10], [sflag:$0x3], $0x4000, $0x38;
	[tilespmem:$0x9400] =	vst v63  }
0x9f: {  	_ =	swait.ge [sflag:s11], $0x4000  }
0xa0: {  	[sflag:s11] =	ssyncset.done $0x0  }
0xa1: {  	[sflag:s11] =	ssyncadd.s32 $0xFFFFC000  }
0xa2: {  	_ =	swait.ge [sflag:s7], $0x4000  }
0xa3: {  	[sflag:s7] =	ssyncset.done $0x0  }
0xa4: {  	[sflag:s7] =	ssyncadd.s32 $0xFFFFC000  }
0xa5: {  	[tilespmem:s10], [sflag:$0x1] =	stream.indirect.gather [hbm4b:s3+s9], $0x20, s22, s9, $0xb8;
	[tilespmem:$0x9400] =	vst v63  }
0xa6: {  	_ = 	snop  }
0xa7: {  	[hbm4b:s15+s2] =	stream.linear.scatter [tilespmem:s8], [sflag:$0x4], $0x4000, $0x38;
	[tilespmem:$0x9400] =	vst v63  }
0xa8: {  	_ =	swait.ge [sflag:s13], $0x4000  }
0xa9: {  	[sflag:s13] =	ssyncset.done $0x0  }
0xaa: {  	[sflag:s13] =	ssyncadd.s32 $0xFFFFC000  }
0xab: {  	_ =	swait.ge [sflag:s6], $0x4000  }
0xac: {  	[sflag:s6] =	ssyncset.done $0x0  }
0xad: {  	[sflag:s6] =	ssyncadd.s32 $0xFFFFC000  }
0xae: {  	[tilespmem:s8], [sflag:$0x2] =	stream.indirect.gather [hbm4b:s3+s9], $0x20, s20, s9, $0xb8;
	[tilespmem:$0x9400] =	vst v63  }
0xaf: {  	_ = 	snop  }
0xb0: {  	[hbm4b:s14+s2] =	stream.linear.scatter [tilespmem:s10], [sflag:$0x3], $0x4000, $0x38;
	[tilespmem:$0x9400] =	vst v63  }
0xb1: {  	_ =	swait.ge [sflag:s11], $0x4000  }
0xb2: {  	[sflag:s11] =	ssyncset.done $0x0  }
0xb3: {  	[sflag:s11] =	ssyncadd.s32 $0xFFFFC000  }
0xb4: {  	_ =	swait.ge [sflag:s7], $0x4000  }
0xb5: {  	[sflag:s7] =	ssyncset.done $0x0  }
0xb6: {  	[sflag:s7] =	ssyncadd.s32 $0xFFFFC000  }
0xb7: {  	[tilespmem:s10], [sflag:$0x1] =	stream.indirect.gather [hbm4b:s3+s9], $0x20, s18, s9, $0xb8;
	[tilespmem:$0x9400] =	vst v63  }
0xb8: {  	_ = 	snop  }
0xb9: {  	[hbm4b:s12+s2] =	stream.linear.scatter [tilespmem:s8], [sflag:$0x4], $0x4000, $0x38;
	[tilespmem:$0x9400] =	vst v63  }
0xba: {  	_ =	swait.ge [sflag:s13], $0x4000  }
0xbb: {  	[sflag:s13] =	ssyncset.done $0x0  }
0xbc: {  	[sflag:s13] =	ssyncadd.s32 $0xFFFFC000  }
0xbd: {  	_ =	swait.ge [sflag:s6], $0x4000  }
0xbe: {  	[sflag:s6] =	ssyncset.done $0x0  }
0xbf: {  	[sflag:s6] =	ssyncadd.s32 $0xFFFFC000  }
0xc0: {  	[tilespmem:s8], [sflag:$0x2] =	stream.indirect.gather [hbm4b:s3+s9], $0x20, s16, s9, $0xb8;
	[tilespmem:$0x9400] =	vst v63  }
0xc1: {  	_ = 	snop  }
0xc2: {  	[hbm4b:s5+s2] =	stream.linear.scatter [tilespmem:s10], [sflag:$0x3], $0x4000, $0x38;
	[tilespmem:$0x9400] =	vst v63  }
0xc3: {  	_ =	swait.ge [sflag:s11], $0x4000  }
0xc4: {  	[sflag:s11] =	ssyncset.done $0x0  }
0xc5: {  	p1 =	sne.s32 s31, $0x1;
	[sflag:s11] =	ssyncadd.s32 $0xFFFFC000  }
0xc6: {  	[hbm4b:s4+s2] =	stream.linear.scatter [tilespmem:s8], [sflag:$0x4], $0x4000, $0x38;
	[tilespmem:$0x9400] =	vst v63  }
.Ltmp2:
0xc7: {  	_ =	swait.ge [sflag:s7], $0x4000;
	(pc) =	sbr.rel @p1 .LBB2_2-.Ltmp2, $4  }
0xc8: {  	[sflag:s7] =	ssyncset.done $0x0  }
0xc9: {  	[sflag:s7] =	ssyncadd.s32 $0xFFFFC000  }
0xca: {  	_ =	swait.ge [sflag:s6], $0x4000  }
0xcb: {  	s31 =	sadd.s32 $0xFFFFFFFF, s31;
	s1 =	rddreg [dreg:$0x2];
	[sflag:s6] =	ssyncset.done $0x0  }
.LBB2_3:
0xcc: {  	[sflag:s6] =	ssyncadd.s32 @p0 $0xFFFFC000  }
0xcd: {  	[tilespmem:s2], [sflag:$0x5] =	stream.linear.gather [hbm4b:s1+s2], $0x1400, $0x38;
	[tilespmem:$0x9400] =	vst v63  }
0xce: {  	_ =	swait.ge [sflag:s30], $0x1400  }
0xcf: {  	[sflag:s30] =	ssyncset.done $0x0  }
0xd0: {  	[sflag:s30] =	ssyncadd.s32 $0xFFFFEC00  }
0xd1: {  	[tilespmem:s10], [sflag:$0x1] =	stream.indirect.gather [hbm4b:s3+s9], $0x20, s2, s9, $0xb8;
	[tilespmem:$0x9400] =	vst v63  }
0xd2: {  	_ =	swait.ge [sflag:s13], $0x4000  }
0xd3: {  	[sflag:s13] =	ssyncset.done $0x0  }
0xd4: {  	[sflag:s13] =	ssyncadd.s32 $0xFFFFC000  }
0xd5: {  	[tilespmem:s8], [sflag:$0x2] =	stream.indirect.gather [hbm4b:s3+s9], $0x20, s9, s9, $0xb8;
	[tilespmem:$0x9400] =	vst v63  }
0xd6: {  	_ = 	snop  }
0xd7: {  	[hbm4b:s26+s2] =	stream.linear.scatter [tilespmem:s10], [sflag:$0x3], $0x4000, $0x38;
	[tilespmem:$0x9400] =	vst v63  }
0xd8: {  	_ =	swait.ge [sflag:s11], $0x4000  }
0xd9: {  	[sflag:s11] =	ssyncset.done $0x0  }
0xda: {  	[sflag:s11] =	ssyncadd.s32 $0xFFFFC000  }
0xdb: {  	_ =	swait.ge [sflag:s7], $0x4000  }
0xdc: {  	[sflag:s7] =	ssyncset.done $0x0  }
0xdd: {  	[sflag:s7] =	ssyncadd.s32 $0xFFFFC000  }
0xde: {  	[tilespmem:s10], [sflag:$0x1] =	stream.indirect.gather [hbm4b:s3+s9], $0x20, s29, s9, $0xb8;
	[tilespmem:$0x9400] =	vst v63  }
0xdf: {  	_ = 	snop  }
0xe0: {  	[hbm4b:s23+s2] =	stream.linear.scatter [tilespmem:s8], [sflag:$0x4], $0x4000, $0x38;
	[tilespmem:$0x9400] =	vst v63  }
0xe1: {  	_ =	swait.ge [sflag:s13], $0x4000  }
0xe2: {  	[sflag:s13] =	ssyncset.done $0x0  }
0xe3: {  	[sflag:s13] =	ssyncadd.s32 $0xFFFFC000  }
0xe4: {  	_ =	swait.ge [sflag:s6], $0x4000  }
0xe5: {  	[sflag:s6] =	ssyncset.done $0x0  }
0xe6: {  	[sflag:s6] =	ssyncadd.s32 $0xFFFFC000  }
0xe7: {  	[tilespmem:s8], [sflag:$0x2] =	stream.indirect.gather [hbm4b:s3+s9], $0x20, s28, s9, $0xb8;
	[tilespmem:$0x9400] =	vst v63  }
0xe8: {  	_ = 	snop  }
0xe9: {  	[hbm4b:s21+s2] =	stream.linear.scatter [tilespmem:s10], [sflag:$0x3], $0x4000, $0x38;
	[tilespmem:$0x9400] =	vst v63  }
0xea: {  	_ =	swait.ge [sflag:s11], $0x4000  }
0xeb: {  	[sflag:s11] =	ssyncset.done $0x0  }
0xec: {  	[sflag:s11] =	ssyncadd.s32 $0xFFFFC000  }
0xed: {  	_ =	swait.ge [sflag:s7], $0x4000  }
0xee: {  	[sflag:s7] =	ssyncset.done $0x0  }
0xef: {  	[sflag:s7] =	ssyncadd.s32 $0xFFFFC000  }
0xf0: {  	[tilespmem:s10], [sflag:$0x1] =	stream.indirect.gather [hbm4b:s3+s9], $0x20, s25, s9, $0xb8;
	[tilespmem:$0x9400] =	vst v63  }
0xf1: {  	_ = 	snop  }
0xf2: {  	[hbm4b:s19+s2] =	stream.linear.scatter [tilespmem:s8], [sflag:$0x4], $0x4000, $0x38;
	[tilespmem:$0x9400] =	vst v63  }
0xf3: {  	_ =	swait.ge [sflag:s13], $0x4000  }
0xf4: {  	[sflag:s13] =	ssyncset.done $0x0  }
0xf5: {  	[sflag:s13] =	ssyncadd.s32 $0xFFFFC000  }
0xf6: {  	_ =	swait.ge [sflag:s6], $0x4000  }
0xf7: {  	[sflag:s6] =	ssyncset.done $0x0  }
0xf8: {  	[sflag:s6] =	ssyncadd.s32 $0xFFFFC000  }
0xf9: {  	[tilespmem:s8], [sflag:$0x2] =	stream.indirect.gather [hbm4b:s3+s9], $0x20, s24, s9, $0xb8;
	[tilespmem:$0x9400] =	vst v63  }
0xfa: {  	_ = 	snop  }
0xfb: {  	[hbm4b:s17+s2] =	stream.linear.scatter [tilespmem:s10], [sflag:$0x3], $0x4000, $0x38;
	[tilespmem:$0x9400] =	vst v63  }
0xfc: {  	_ =	swait.ge [sflag:s11], $0x4000  }
0xfd: {  	[sflag:s11] =	ssyncset.done $0x0  }
0xfe: {  	[sflag:s11] =	ssyncadd.s32 $0xFFFFC000  }
0xff: {  	_ =	swait.ge [sflag:s7], $0x4000  }
0x100: {  	[sflag:s7] =	ssyncset.done $0x0  }
0x101: {  	[sflag:s7] =	ssyncadd.s32 $0xFFFFC000  }
0x102: {  	[tilespmem:s10], [sflag:$0x1] =	stream.indirect.gather [hbm4b:s3+s9], $0x20, s22, s9, $0xb8;
	[tilespmem:$0x9400] =	vst v63  }
0x103: {  	_ = 	snop  }
0x104: {  	[hbm4b:s15+s2] =	stream.linear.scatter [tilespmem:s8], [sflag:$0x4], $0x4000, $0x38;
	[tilespmem:$0x9400] =	vst v63  }
0x105: {  	_ =	swait.ge [sflag:s13], $0x4000  }
0x106: {  	[sflag:s13] =	ssyncset.done $0x0  }
0x107: {  	[sflag:s13] =	ssyncadd.s32 $0xFFFFC000  }
0x108: {  	_ =	swait.ge [sflag:s6], $0x4000  }
0x109: {  	[sflag:s6] =	ssyncset.done $0x0  }
0x10a: {  	[sflag:s6] =	ssyncadd.s32 $0xFFFFC000  }
0x10b: {  	[tilespmem:s8], [sflag:$0x2] =	stream.indirect.gather [hbm4b:s3+s9], $0x20, s20, s9, $0xb8;
	[tilespmem:$0x9400] =	vst v63  }
0x10c: {  	_ = 	snop  }
0x10d: {  	[hbm4b:s14+s2] =	stream.linear.scatter [tilespmem:s10], [sflag:$0x3], $0x4000, $0x38;
	[tilespmem:$0x9400] =	vst v63  }
0x10e: {  	_ =	swait.ge [sflag:s11], $0x4000  }
0x10f: {  	[sflag:s11] =	ssyncset.done $0x0  }
0x110: {  	[sflag:s11] =	ssyncadd.s32 $0xFFFFC000  }
0x111: {  	_ =	swait.ge [sflag:s7], $0x4000  }
0x112: {  	[sflag:s7] =	ssyncset.done $0x0  }
0x113: {  	[sflag:s7] =	ssyncadd.s32 $0xFFFFC000  }
0x114: {  	[tilespmem:s10], [sflag:$0x1] =	stream.indirect.gather [hbm4b:s3+s9], $0x20, s18, s9, $0xb8;
	[tilespmem:$0x9400] =	vst v63  }
0x115: {  	_ = 	snop  }
0x116: {  	[hbm4b:s12+s2] =	stream.linear.scatter [tilespmem:s8], [sflag:$0x4], $0x4000, $0x38;
	[tilespmem:$0x9400] =	vst v63  }
0x117: {  	_ =	swait.ge [sflag:s13], $0x4000  }
0x118: {  	[sflag:s13] =	ssyncset.done $0x0  }
0x119: {  	[sflag:s13] =	ssyncadd.s32 $0xFFFFC000  }
0x11a: {  	_ =	swait.ge [sflag:s6], $0x4000  }
0x11b: {  	[sflag:s6] =	ssyncset.done $0x0  }
0x11c: {  	[sflag:s6] =	ssyncadd.s32 $0xFFFFC000  }
0x11d: {  	[tilespmem:s8], [sflag:$0x2] =	stream.indirect.gather [hbm4b:s3+s9], $0x20, s16, s9, $0xb8;
	[tilespmem:$0x9400] =	vst v63  }
0x11e: {  	_ = 	snop  }
0x11f: {  	[hbm4b:s5+s2] =	stream.linear.scatter [tilespmem:s10], [sflag:$0x3], $0x4000, $0x38;
	[tilespmem:$0x9400] =	vst v63  }
0x120: {  	_ =	swait.ge [sflag:s11], $0x4000  }
0x121: {  	[sflag:s11] =	ssyncset.done $0x0  }
0x122: {  	[sflag:s11] =	ssyncadd.s32 $0xFFFFC000  }
0x123: {  	[hbm4b:s4+s2] =	stream.linear.scatter [tilespmem:s8], [sflag:$0x4], $0x4000, $0x38;
	[tilespmem:$0x9400] =	vst v63  }
0x124: {  	_ =	swait.ge [sflag:s7], $0x4000  }
0x125: {  	[sflag:s7] =	ssyncset.done $0x0  }
0x126: {  	[sflag:s7] =	ssyncadd.s32 $0xFFFFC000  }
0x127: {  	_ =	swait.ge [sflag:s6], $0x4000  }
0x128: {  	[sflag:s6] =	ssyncset.done $0x0  }
0x129: {  	[sflag:s6] =	ssyncadd.s32 $0xFFFFC000  }
0x12a: {  	_ =	sfence.sel $0x180000  }
0x12b: {  	[bflag:$0x0] =	sbarrier.arrive $0xFFFF  }
0x12c: {  	_ =	strace $0x90000053  }
0x12d: {  	[bflag:$0x2] =	sbarrier.arrive $0xFFFF  }
0x12e: {  	p0 =	sne.s32 s0, $0x0;
	s0 =	rddreg [dreg:$0x1]  }
0x12f: {  	s0 =	sadd.s32 @!p0 $0x100000, s0  }
0x130: {  	[sflag:s0] =	ssyncadd.tile.s32 @!p0 $0x1;
	_ =	shalt  }
.Lfunc_end2:
_tile_overlayer_lowered:
.L_overlay_start_2:
0x131: {  	(tag) =	ssettag $0x2  }
0x132: {  	s0 =	rddreg [dreg:$0x0];
	s2 =	stileid.u32  }
0x133: {  	s1 =	rddreg [dreg:$0x1];
	p0 =	sne.s32 s2, $0x0  }
0x134: {  	s3 =	rddreg [dreg:$0x2];
	[bflag:$0x3] =	sbarrier.arrive $0xFFFF;
	s2 =	simm.s32 @!p0 $0x1C05  }
0x135: {  	[timem:s3], [sflag:s2] =	dma.local @!p0 [hbm:s0], s1  }
0x136: {  	s0 =	simm.s32 @!p0 $0x5  }
0x137: {  	_ =	swait.ge @!p0 [sflag:s0], s1  }
0x138: {  	s1 =	ssub.s32 @!p0 $0x0, s1;
	[sflag:s0] =	ssyncset.done @!p0 $0x0  }
0x139: {  	[sflag:s0] =	ssyncadd.s32 @!p0 s1  }
0x13a: {  	[bflag:$0x3] =	sbarrier.arrive $0xFFFF  }
0x13b: {  	_ =	shalt  }

// kernel: kernel.20.cloned.1.call-start
scs
__scs_entry_jumppad:
0x0: {  	(pc) =	sbr.rel $0x88, $3  }
0x1: {  	(tag) =	ssettag $0x0;
	lr =	simm.s32 $0x1  }
0x2: {  	[smem:$0x3F8C] =	sst lr;
	_ =	strace $0xD0000000  }
0x3: {  	_ = 	snop  }
0x4: {  	_ = 	snop  }
0x5: {  	_ = 	snop  }
0x6: {  	_ = 	snop  }
0x7: {  	_ = 	snop  }
__scs_overlays_trampoline_lowered:
0x8: {  	[smem:$0x3F9B] =	sst s0  }
0x9: {  	[smem:$0x3F9C] =	sst s1  }
0xa: {  	[smem:$0x3F9D] =	sst s2  }
0xb: {  	[smem:$0x3F9E] =	sst s3  }
0xc: {  	[smem:$0x3F9F] =	sst s4  }
0xd: {  	[smem:$0x3FA0] =	sst s5  }
0xe: {  	[smem:$0x3FA1] =	sst s6  }
0xf: {  	[smem:$0x3FA2] =	sst s7  }
0x10: {  	[smem:$0x3FA3] =	sst s8  }
0x11: {  	[smem:$0x3FA4] =	sst s9;
	s0 =	simm.s32 @!p0 $0x0  }
0x12: {  	s1 =	sld [smem:$0x3F8A];
	s0 =	simm.s32 @p0 $0x1  }
0x13: {  	[smem:$0x3FA5] =	sst s0;
	s0 =	simm.s32 @!p1 $0x0  }
0x14: {  	s2 =	sld [smem:$0x3F89];
	s0 =	simm.s32 @p1 $0x1  }
0x15: {  	[smem:$0x3FA6] =	sst s0;
	s0 =	simm.s32 @!p2 $0x0  }
0x16: {  	s3 =	sld [smem:$0x3FDB];
	s0 =	simm.s32 @p2 $0x1  }
0x17: {  	s4 =	simm.s32 $0x1BF5;
	[smem:$0x3FA8] =	sst s0  }
0x18: {  	s0 =	sld [smem:$0x3F8B];
	_ =	swait.ge [sflag:s4], $0x0  }
0x19: {  	s7 =	sld [smem:$0x3F8C]  }
0x1a: {  	s8 =	sadd.s32 $0xFFFFE003, lr  }
0x1b: {  	s9 =	sadd.s32 $0xFFFFFEF7, lr;
	s5 =	simm.s32 $0xFFFFFFFF;
	p2 =	slt.u32 s8, $0xFFFFF086  }
0x1c: {  	p1 =	slt.u32 s9, $0xF7A;
	s5 =	simm.s32 @!p2 $0x0  }
0x1d: {  	s5 =	simm.s32 @p1 $0x1;
	p0 =	seq.s32 s7, s2  }
0x1e: {  	s7 =	smul.u32 @!p0 $0xF7A, s2;
	p2 =	seq.s32 @!p0 s5, $0x0  }
0x1f: {  	s9 =	smul.u32 $0xF7A, s1;
	s8 =	simm.s32 @!p0 $0x1BF5;
	p2 =	por !p2, p0  }
0x20: {  	[sflag:s8] =	ssyncset.s32 @!p0 $0xFFFFF086;
	s6 =	sadd.s32 @!p0 s3, s7;
	s7 =	simm.s32 @!p0 $0x108  }
0x21: {  	s3 =	sadd.s32 s3, s9;
	s6 =	sadd.s32 @!p0 $0x88, s6;
	s7 =	simm.s32 @p2 $0x1082  }
0x22: {  	[simem:s7], [sflag:s8] =	dma.local @!p0 [hbm:s6], $0xF7A  }
0x23: {  	s9 =	sor.u32 $0xD0000000, s2;
	s6 =	simm.s32 $0x108;
	_ =	swait.ge @!p0 [sflag:s8], $0x0  }
0x24: {  	s3 =	sadd.s32 $0x88, s3;
	s6 =	simm.s32 @!p1 $0x1082;
	[sflag:s4] =	ssyncset.s32 $0xFFFFF086  }
0x25: {  	[simem:s6], [sflag:s4] =	dma.local [hbm:s3], $0xF7A  }
0x26: {  	[smem:$0x3F8C] =	sst s1;
	(tag) =	ssettag s2;
	_ =	strace s9  }
0x27: {  	s1 =	sld [smem:$0x3F9C]  }
0x28: {  	s2 =	sld [smem:$0x3F9D]  }
0x29: {  	s4 =	sld [smem:$0x3F9F]  }
0x2a: {  	p0 =	seq.s32 s5, $0x0;
	s5 =	sld [smem:$0x3FA0]  }
0x2b: {  	s6 =	sld [smem:$0x3FA1]  }
0x2c: {  	s7 =	sld [smem:$0x3FA2]  }
0x2d: {  	s3 =	simm.s32 $0x108;
	s8 =	sld [smem:$0x3FA3]  }
0x2e: {  	s3 =	simm.s32 @!p0 $0x1082;
	s9 =	sld [smem:$0x3FA4]  }
0x2f: {  	lr =	sadd.s32 s0, s3;
	s0 =	sld [smem:$0x3F9B]  }
0x30: {  	s3 =	sld [smem:$0x3F9E]  }
0x31: {  	[smem:$0x3FA7] =	sst s10  }
0x32: {  	s10 =	sld [smem:$0x3FA5];
	_ =	sdelay $0x3  }
0x33: {  	p0 =	seq.s32 s10, $0x1;
	s10 =	sld [smem:$0x3FA7];
	_ =	sdelay $0x3  }
0x34: {  	[smem:$0x3FA7] =	sst s10  }
0x35: {  	s10 =	sld [smem:$0x3FA6];
	_ =	sdelay $0x3  }
0x36: {  	p1 =	seq.s32 s10, $0x1;
	s10 =	sld [smem:$0x3FA7];
	_ =	sdelay $0x3  }
0x37: {  	[smem:$0x3FA7] =	sst s10  }
0x38: {  	s10 =	sld [smem:$0x3FA8]  }
0x39: {  	_ = 	snop;
	(pc) =	sbr.ind lr, $3  }
0x3a: {  	_ = 	snop  }
0x3b: {  	_ = 	snop  }
0x3c: {  	p2 =	seq.s32 s10, $0x1;
	s10 =	sld [smem:$0x3FA7]  }
0x3d: {  	_ =	shalt  }
0x3e: {  	_ =	shalt  }
0x3f: {  	_ =	shalt  }
0x40: {  	_ =	shalt  }
0x41: {  	_ =	shalt  }
0x42: {  	_ =	shalt  }
0x43: {  	_ =	shalt  }
0x44: {  	_ =	shalt  }
0x45: {  	_ =	shalt  }
0x46: {  	_ =	shalt  }
0x47: {  	_ =	shalt  }
0x48: {  	_ =	shalt  }
0x49: {  	_ =	shalt  }
0x4a: {  	_ =	shalt  }
0x4b: {  	_ =	shalt  }
0x4c: {  	_ =	shalt  }
0x4d: {  	_ =	shalt  }
0x4e: {  	_ =	shalt  }
0x4f: {  	_ =	shalt  }
0x50: {  	_ =	shalt  }
0x51: {  	_ =	shalt  }
0x52: {  	_ =	shalt  }
0x53: {  	_ =	shalt  }
0x54: {  	_ =	shalt  }
0x55: {  	_ =	shalt  }
0x56: {  	_ =	shalt  }
0x57: {  	_ =	shalt  }
0x58: {  	_ =	shalt  }
0x59: {  	_ =	shalt  }
0x5a: {  	_ =	shalt  }
0x5b: {  	_ =	shalt  }
0x5c: {  	_ =	shalt  }
0x5d: {  	_ =	shalt  }
0x5e: {  	_ =	shalt  }
0x5f: {  	_ =	shalt  }
0x60: {  	_ =	shalt  }
0x61: {  	_ =	shalt  }
0x62: {  	_ =	shalt  }
0x63: {  	_ =	shalt  }
0x64: {  	_ =	shalt  }
0x65: {  	_ =	shalt  }
0x66: {  	_ =	shalt  }
0x67: {  	_ =	shalt  }
0x68: {  	_ =	shalt  }
0x69: {  	_ =	shalt  }
0x6a: {  	_ =	shalt  }
0x6b: {  	_ =	shalt  }
0x6c: {  	_ =	shalt  }
0x6d: {  	_ =	shalt  }
0x6e: {  	_ =	shalt  }
0x6f: {  	_ =	shalt  }
0x70: {  	_ =	shalt  }
0x71: {  	_ =	shalt  }
0x72: {  	_ =	shalt  }
0x73: {  	_ =	shalt  }
0x74: {  	_ =	shalt  }
0x75: {  	_ =	shalt  }
0x76: {  	_ =	shalt  }
0x77: {  	_ =	shalt  }
0x78: {  	_ =	shalt  }
0x79: {  	_ =	shalt  }
0x7a: {  	_ =	shalt  }
0x7b: {  	_ =	shalt  }
0x7c: {  	_ =	shalt  }
0x7d: {  	_ =	shalt  }
0x7e: {  	_ =	shalt  }
0x7f: {  	_ =	shalt  }
0x80: {  	_ =	shalt  }
0x81: {  	_ =	shalt  }
0x82: {  	_ =	shalt  }
0x83: {  	_ =	shalt  }
0x84: {  	_ =	shalt  }
0x85: {  	_ =	shalt  }
0x86: {  	_ =	shalt  }
0x87: {  	_ =	shalt  }
.Lfunc_end0:
.L_simem_size_0:
called_computation.5_lowered:
.L_overlay_start_0:
0x88: {  	s2 =	sld [smem:$0x3FD9]  }
0x89: {  	s3 =	sld [smem:$0x3FFE];
	_ =	sdelay $0x1  }
0x8a: {  	s1 =	srdreg.scid  }
0x8b: {  	s0 =	sand.u32 $0x1, s1  }
0x8c: {  	s14 =	sshll.u32 s0, $0xA;
	s2 =	sadd.s32 s3, s2  }
0x8d: {  	s2 =	sadd.s32 s2, s14  }
0x8e: {  	[smem:$0x3FB3] =	sst s2  }
0x8f: {  	_ = 	snop  }
0x90: {  	s2 =	sld [smem:$0x3FD0];
	_ =	sdelay $0x2  }
0x91: {  	s15 =	simm.s32 $0xB;
	s4 =	simm.s32 $0x10  }
0x92: {  	[smem:s4], [sflag:s15] =	dma.local [hbm:s2], $0x1  }
0x93: {  	_ =	swait.eq [sflag:s15], $0x1  }
0x94: {  	[sflag:s15] =	ssyncset.done $0x0  }
0x95: {  	[sflag:s15] =	ssyncadd.s32 $0xFFFFFFFF  }
0x96: {  	s16 =	sld [smem:$0x11];
	(tm) =	ssettm $0x1  }
0x97: {  	s17 =	sld [smem:$0x3FFB];
	_ =	sdelay $0x3  }
0x98: {  	_ =	strace s17  }
0x99: {  	s3 =	sld [smem:$0x3FFC];
	_ =	sdelay $0x3  }
0x9a: {  	_ =	strace s3  }
0x9b: {  	s3 =	sld [smem:$0x3FFD];
	_ =	sdelay $0x3  }
0x9c: {  	_ =	strace s3  }
0x9d: {  	_ =	strace $0x8FFFFFFF  }
0x9e: {  	s18 =	sld [smem:$0x3FDB];
	_ =	sdelay $0x1  }
0x9f: {  	s19 =	simm.s32 $_scs_section_size  }
0xa0: {  	s5 =	simm.s32 $_size__tile_overlayer_lowered;
	s6 =	simm.s32 $_tile_overlayer_lowered  }
0xa1: {  	s22 =	simm.s32 $0x1BFF;
	s21 =	sshll.u32 s6, $0x1;
	s3 =	sadd.s32 s19, s18  }
0xa2: {  	s7 =	simm.s32 $0x0;
	s20 =	sshll.u32 s5, $0x1;
	s5 =	sadd.s32 s21, s3  }
0xa3: {  	[timem:s7], [sflag:s22] =	dma.local [hbm:s5], s20  }
0xa4: {  	_ =	swait.ge [sflag:s22], s20  }
0xa5: {  	s4 =	ssub.s32 $0x0, s20;
	[sflag:s22] =	ssyncset.done $0x0  }
0xa6: {  	[sflag:s22] =	ssyncadd.s32 s4;
	_ =	sdelay $0x1  }
0xa7: {  	s23 =	simm.s32 $0x1B8B  }
0xa8: {  	_ =	swait.ge [sflag:s23], $0x1  }
0xa9: {  	[sflag:s23] =	ssyncset.done $0x0  }
0xaa: {  	s25 =	simm.s32 $0x1B8E;
	s24 =	sld [smem:$0x3FFE];
	[sflag:s23] =	ssyncadd.s32 $0xFFFFFFFF  }
0xab: {  	s26 =	simm.s32 $execute0_lowered;
	[smem:$0x3FD2] =	sst s25  }
0xac: {  	s5 =	sshll.u32 s26, $0x1;
	_ =	strace $0x80000055;
	[dreg:$0x1] =	wrdreg $0xFFFFFFFF  }
0xad: {  	s28 =	simm.s32 $_size_execute0_lowered;
	s3 =	sadd.s32 s3, s5;
	[dreg:$0x0] =	wrdreg $0x0  }
0xae: {  	s5 =	sshll.u32 s28, $0x1;
	[dreg:$0x2] =	wrdreg s3  }
0xaf: {  	[dreg:$0x3] =	wrdreg s5  }
0xb0: {  	[dreg:$0x4] =	wrdreg $0xC0  }
0xb1: {  	_ =	task [dreg:s7], $0x5FFFF  }
0xb2: {  	[dreg:$0x1] =	wrdreg $0xFFFFFFFF  }
0xb3: {  	[dreg:$0x0] =	wrdreg $0x60  }
0xb4: {  	[dreg:$0x2] =	wrdreg s24  }
0xb5: {  	[dreg:$0x3] =	wrdreg s16  }
0xb6: {  	[dreg:$0x4] =	wrdreg $0x94000  }
0xb7: {  	[dreg:$0x5] =	wrdreg $0x9  }
0xb8: {  	_ =	task.clear_ibuf [dreg:s7], $0x6FFFF;
	_ =	strace $0x90000055  }
0xb9: {  	s29 =	simm.s32 $0x9;
	_ =	strace $0x80000057  }
0xba: {  	_ =	swait.ge [sflag:s29], $0x1  }
0xbb: {  	[sflag:s29] =	ssyncadd.s32 $0xFFFFFFFF  }
0xbc: {  	_ =	strace $0x90000057  }
0xbd: {  	_ =	sfence  }
0xbe: {  	s30 =	sld [smem:$0x0];
	_ =	sdelay $0x2  }
0xbf: {  	s31 =	sshll.u32 s1, $0xD;
	s1 =	sshrl.u32 s1, $0x2  }
0xc0: {  	s3 =	sand.u32 $0x4000, s31;
	s1 =	sadd.s32 s1, s30  }
0xc1: {  	s0 =	sor.u32 s3, s0;
	s1 =	sshll.u32 s1, $0x11  }
0xc2: {  	s0 =	sor.u32 s1, s0  }
0xc3: {  	s0 =	sadd.s32 $0x8F2B, s0  }
0xc4: {  	[sflag:s0] =	ssyncadd.remote.s32 $0x1  }
0xc5: {  	_ =	sfence.sel $0xFFFF  }
0xc6: {  	[dreg:$0x0] =	wrdreg $0xFFFFFFFF;
	(pc) =	sbr.abs _section_cstart, $3  }
0xc7: {  	[dreg:$0x1] =	wrdreg $0xFFFFFFFF  }
0xc8: {  	_ =	task.clear_ibuf [dreg:s7], $0x2FFFF;
	_ =	strace $0x9FFFFFFF  }
0xc9: {  	(tm) =	ssettm $0x7FFFFFFF  }
tec
execute0_lowered:
.L_overlay_start_1:
0x0: {  	(tag) =	ssettag $0x1  }
0x1: {  	s5 =	rddreg [dreg:$0x0]  }
0x2: {  	s2 =	rddreg [dreg:$0x1];
	s1 =	srdreg.scid  }
0x3: {  	s0 =	stileid.u32;
	s3 =	rddreg [dreg:$0x2]  }
0x4: {  	s4 =	simm.s32 $0x0;
	s13 =	simm.s32 $0x80;
	s14 =	simm.s32 $0x2400  }
0x5: {  	s15 =	simm.s32 $0x3400;
	s16 =	simm.s32 $0x4400;
	s17 =	simm.s32 $0x5400  }
0x6: {  	s18 =	simm.s32 $0x6400;
	s19 =	simm.s32 $0x7400;
	s7 =	smul.u32 $0x50000, s0  }
0x7: {  	s20 =	simm.s32 $0x8400;
	s21 =	simm.s32 $0x0;
	s9 =	smul.u32 $0xA00, s0  }
0x8: {  	s6 =	sand.u32 $0x1, s1;
	s1 =	rddreg [dreg:$0x3];
	s26 =	smul.u32 $0x14000, s0  }
0x9: {  	[smem:$0x7FF] =	sst s4;
	s23 =	sshll.u32 s0, $0x1;
	s8 =	smul.u32 $0x28000, s6  }
0xa: {  	s31 =	sshll.u32 s0, $0x6;
	s10 =	smul.u32 $0xA000, s6;
	_ =	strace $0x80000056  }
0xb: {  	s30 =	sshrl.u32 s26, $0x2;
	s7 =	sadd.s32 s8, s7;
	s8 =	sor.u32 s6, s23  }
0xc: {  	s25 =	sadd.s32 s9, s10;
	s6 =	ssub.s32 $0x2, s6;
	s12 =	sadd.s32 s30, s3  }
0xd: {  	s7 =	sshrl.u32 s7, $0x3;
	s24 =	smul.u32 $0x280, s8;
	s8 =	sadd.s32 s25, s5  }
0xe: {  	s28 =	sshrl.u32 s6, $0x1;
	s10 =	sshrl.u32 s12, $0x3;
	s12 =	simm.s32 $0x1400  }
0xf: {  	s11 =	sadd.s32 s7, s5;
	s29 =	ssub.s32 s6, s28;
	s7 =	sadd.s32 s24, s5  }
0x10: {  	s5 =	sor.u32 $0x1C01, s31;
	s9 =	sadd.s32 $0x5800, s11;
	s11 =	simm.s32 $0x1  }
0x11: {  	s6 =	sadd.s32 $0x35B800, s7;
	s7 =	sadd.s32 $0xA5800, s8;
	s8 =	smax.u32 s29, $0x1  }
.LBB2_1:
0x12: {  	[spmem:s10], [sflag:s5] =	dma.local [hbm:s2], $0xA00  }
0x13: {  	_ =	swait.ge [sflag:s11], $0xA00  }
0x14: {  	[sflag:s11] =	ssyncset.done $0x0  }
0x15: {  	[sflag:s11] =	ssyncadd.s32 $0xFFFFF600  }
0x16: {  	[tilespmem:s4], [sflag:$0x1] =	stream.linear.gather [hbm4b:s6+s4], $0x1400, $0x38;
	[tilespmem:$0xE400] =	vst v63  }
0x17: {  	_ =	swait.ge [sflag:s11], $0x1400  }
0x18: {  	[sflag:s11] =	ssyncset.done $0x0  }
0x19: {  	[sflag:s11] =	ssyncadd.s32 $0xFFFFEC00  }
0x1a: {  	s22 =	sadd.s32 $0x0, s9;
	[bflag:$0x0] =	sbarrier.arrive $0xFFFF  }
0x1b: {  	[tilespmem:s12], [sflag:$0x1] =	stream.linear.gather [hbm4b:s22+s4], $0x8000, $0x38;
	[tilespmem:$0xE400] =	vst v63  }
0x1c: {  	_ =	swait.ge [sflag:s11], $0x8000  }
0x1d: {  	[sflag:s11] =	ssyncset.done $0x0  }
0x1e: {  	s23 =	simm.s32 $0x0;
	[sflag:s11] =	ssyncadd.s32 $0xFFFF8000  }
0x1f: {  	[spmem:s3] =	stream.indirect.scatter.add.f32 [tilespmem:s12], [sflag:$0x1], $0x20, s23, s13, $0xb8;
	[tilespmem:$0xE400] =	vst v63  }
0x20: {  	_ =	swait.ge [sflag:s11], $0x1000  }
0x21: {  	[sflag:s11] =	ssyncset.done $0x0  }
0x22: {  	s24 =	simm.s32 $0x80;
	[sflag:s11] =	ssyncadd.s32 $0xFFFFF000  }
0x23: {  	[spmem:s3] =	stream.indirect.scatter.add.f32 [tilespmem:s14], [sflag:$0x1], $0x20, s24, s13, $0xb8;
	[tilespmem:$0xE400] =	vst v63  }
0x24: {  	_ =	swait.ge [sflag:s11], $0x1000  }
0x25: {  	[sflag:s11] =	ssyncset.done $0x0  }
0x26: {  	s25 =	simm.s32 $0x100;
	[sflag:s11] =	ssyncadd.s32 $0xFFFFF000  }
0x27: {  	[spmem:s3] =	stream.indirect.scatter.add.f32 [tilespmem:s15], [sflag:$0x1], $0x20, s25, s13, $0xb8;
	[tilespmem:$0xE400] =	vst v63  }
0x28: {  	_ =	swait.ge [sflag:s11], $0x1000  }
0x29: {  	[sflag:s11] =	ssyncset.done $0x0  }
0x2a: {  	s26 =	simm.s32 $0x180;
	[sflag:s11] =	ssyncadd.s32 $0xFFFFF000  }
0x2b: {  	[spmem:s3] =	stream.indirect.scatter.add.f32 [tilespmem:s16], [sflag:$0x1], $0x20, s26, s13, $0xb8;
	[tilespmem:$0xE400] =	vst v63  }
0x2c: {  	_ =	swait.ge [sflag:s11], $0x1000  }
0x2d: {  	[sflag:s11] =	ssyncset.done $0x0  }
0x2e: {  	s28 =	simm.s32 $0x200;
	[sflag:s11] =	ssyncadd.s32 $0xFFFFF000  }
0x2f: {  	[spmem:s3] =	stream.indirect.scatter.add.f32 [tilespmem:s17], [sflag:$0x1], $0x20, s28, s13, $0xb8;
	[tilespmem:$0xE400] =	vst v63  }
0x30: {  	_ =	swait.ge [sflag:s11], $0x1000  }
0x31: {  	[sflag:s11] =	ssyncset.done $0x0  }
0x32: {  	s29 =	simm.s32 $0x280;
	[sflag:s11] =	ssyncadd.s32 $0xFFFFF000  }
0x33: {  	[spmem:s3] =	stream.indirect.scatter.add.f32 [tilespmem:s18], [sflag:$0x1], $0x20, s29, s13, $0xb8;
	[tilespmem:$0xE400] =	vst v63  }
0x34: {  	_ =	swait.ge [sflag:s11], $0x1000  }
0x35: {  	[sflag:s11] =	ssyncset.done $0x0  }
0x36: {  	s30 =	simm.s32 $0x300;
	[sflag:s11] =	ssyncadd.s32 $0xFFFFF000  }
0x37: {  	[spmem:s3] =	stream.indirect.scatter.add.f32 [tilespmem:s19], [sflag:$0x1], $0x20, s30, s13, $0xb8;
	[tilespmem:$0xE400] =	vst v63  }
0x38: {  	_ =	swait.ge [sflag:s11], $0x1000  }
0x39: {  	[sflag:s11] =	ssyncset.done $0x0  }
0x3a: {  	s31 =	simm.s32 $0x380;
	[sflag:s11] =	ssyncadd.s32 $0xFFFFF000  }
0x3b: {  	[spmem:s3] =	stream.indirect.scatter.add.f32 [tilespmem:s20], [sflag:$0x1], $0x20, s31, s13, $0xb8;
	[tilespmem:$0xE400] =	vst v63  }
0x3c: {  	_ =	swait.ge [sflag:s11], $0x1000  }
0x3d: {  	s22 =	simm.s32 $0x1000;
	s24 =	simm.s32 $0x2000;
	[sflag:s11] =	ssyncset.done $0x0  }
.LBB2_2:
0x3e: {  	s25 =	sadd.s32 s22, s9  }
0x3f: {  	[sflag:s11] =	ssyncadd.s32 $0xFFFFF000;
	s26 =	smov.u32 s24;
	s23 =	sadd.s32 $0x1000, s24  }
0x40: {  	[tilespmem:s12], [sflag:$0x1] =	stream.linear.gather [hbm4b:s25+s4], $0x8000, $0x38;
	[tilespmem:$0xE400] =	vst v63  }
0x41: {  	p0 =	sne.s32 s24, $0x4000;
	_ =	swait.ge [sflag:s11], $0x8000  }
0x42: {  	[sflag:s11] =	ssyncset.done $0x0  }
0x43: {  	s24 =	sshra.s32 s22, $0x2;
	s22 =	smov.u32 s26;
	[sflag:s11] =	ssyncadd.s32 $0xFFFF8000  }
0x44: {  	[spmem:s3] =	stream.indirect.scatter.add.f32 [tilespmem:s12], [sflag:$0x1], $0x20, s24, s13, $0xb8;
	[tilespmem:$0xE400] =	vst v63  }
0x45: {  	_ =	swait.ge [sflag:s11], $0x1000  }
0x46: {  	[sflag:s11] =	ssyncset.done $0x0  }
0x47: {  	s25 =	sadd.s32 $0x80, s24;
	[sflag:s11] =	ssyncadd.s32 $0xFFFFF000  }
0x48: {  	[spmem:s3] =	stream.indirect.scatter.add.f32 [tilespmem:s14], [sflag:$0x1], $0x20, s25, s13, $0xb8;
	[tilespmem:$0xE400] =	vst v63  }
0x49: {  	_ =	swait.ge [sflag:s11], $0x1000  }
0x4a: {  	[sflag:s11] =	ssyncset.done $0x0  }
0x4b: {  	s25 =	sadd.s32 $0x100, s24;
	[sflag:s11] =	ssyncadd.s32 $0xFFFFF000  }
0x4c: {  	[spmem:s3] =	stream.indirect.scatter.add.f32 [tilespmem:s15], [sflag:$0x1], $0x20, s25, s13, $0xb8;
	[tilespmem:$0xE400] =	vst v63  }
0x4d: {  	_ =	swait.ge [sflag:s11], $0x1000  }
0x4e: {  	[sflag:s11] =	ssyncset.done $0x0  }
0x4f: {  	s25 =	sadd.s32 $0x180, s24;
	[sflag:s11] =	ssyncadd.s32 $0xFFFFF000  }
0x50: {  	[spmem:s3] =	stream.indirect.scatter.add.f32 [tilespmem:s16], [sflag:$0x1], $0x20, s25, s13, $0xb8;
	[tilespmem:$0xE400] =	vst v63  }
0x51: {  	_ =	swait.ge [sflag:s11], $0x1000  }
0x52: {  	[sflag:s11] =	ssyncset.done $0x0  }
0x53: {  	s25 =	sadd.s32 $0x200, s24;
	[sflag:s11] =	ssyncadd.s32 $0xFFFFF000  }
0x54: {  	[spmem:s3] =	stream.indirect.scatter.add.f32 [tilespmem:s17], [sflag:$0x1], $0x20, s25, s13, $0xb8;
	[tilespmem:$0xE400] =	vst v63  }
0x55: {  	_ =	swait.ge [sflag:s11], $0x1000  }
0x56: {  	[sflag:s11] =	ssyncset.done $0x0  }
0x57: {  	s25 =	sadd.s32 $0x280, s24;
	[sflag:s11] =	ssyncadd.s32 $0xFFFFF000  }
0x58: {  	[spmem:s3] =	stream.indirect.scatter.add.f32 [tilespmem:s18], [sflag:$0x1], $0x20, s25, s13, $0xb8;
	[tilespmem:$0xE400] =	vst v63  }
0x59: {  	_ =	swait.ge [sflag:s11], $0x1000  }
0x5a: {  	[sflag:s11] =	ssyncset.done $0x0  }
0x5b: {  	s25 =	sadd.s32 $0x300, s24;
	[sflag:s11] =	ssyncadd.s32 $0xFFFFF000  }
0x5c: {  	[spmem:s3] =	stream.indirect.scatter.add.f32 [tilespmem:s19], [sflag:$0x1], $0x20, s25, s13, $0xb8;
	[tilespmem:$0xE400] =	vst v63  }
0x5d: {  	_ =	swait.ge [sflag:s11], $0x1000  }
.Ltmp0:
0x5e: {  	[sflag:s11] =	ssyncset.done $0x0;
	(pc) =	sbr.rel @p0 .LBB2_2-.Ltmp0, $4  }
0x5f: {  	s24 =	sadd.s32 $0x380, s24;
	[sflag:s11] =	ssyncadd.s32 $0xFFFFF000  }
0x60: {  	[spmem:s3] =	stream.indirect.scatter.add.f32 [tilespmem:s20], [sflag:$0x1], $0x20, s24, s13, $0xb8;
	[tilespmem:$0xE400] =	vst v63  }
0x61: {  	_ =	swait.ge [sflag:s11], $0x1000  }
0x62: {  	s24 =	smov.u32 s23;
	[sflag:s11] =	ssyncset.done $0x0  }
0x63: {  	s23 =	sadd.s32 s22, s9;
	[sflag:s11] =	ssyncadd.s32 $0xFFFFF000  }
0x64: {  	[tilespmem:s12], [sflag:$0x1] =	stream.linear.gather [hbm4b:s23+s4], $0x8000, $0x38;
	[tilespmem:$0xE400] =	vst v63  }
0x65: {  	_ =	swait.ge [sflag:s11], $0x8000  }
0x66: {  	[sflag:s11] =	ssyncset.done $0x0  }
0x67: {  	s24 =	sshra.s32 s22, $0x2;
	[sflag:s11] =	ssyncadd.s32 $0xFFFF8000  }
0x68: {  	[spmem:s3] =	stream.indirect.scatter.add.f32 [tilespmem:s12], [sflag:$0x1], $0x20, s24, s13, $0xb8;
	[tilespmem:$0xE400] =	vst v63  }
0x69: {  	_ =	swait.ge [sflag:s11], $0x1000  }
0x6a: {  	[sflag:s11] =	ssyncset.done $0x0  }
0x6b: {  	s25 =	sadd.s32 $0x80, s24;
	[sflag:s11] =	ssyncadd.s32 $0xFFFFF000  }
0x6c: {  	[spmem:s3] =	stream.indirect.scatter.add.f32 [tilespmem:s14], [sflag:$0x1], $0x20, s25, s13, $0xb8;
	[tilespmem:$0xE400] =	vst v63  }
0x6d: {  	_ =	swait.ge [sflag:s11], $0x1000  }
0x6e: {  	[sflag:s11] =	ssyncset.done $0x0  }
0x6f: {  	s26 =	sadd.s32 $0x100, s24;
	[sflag:s11] =	ssyncadd.s32 $0xFFFFF000  }
0x70: {  	[spmem:s3] =	stream.indirect.scatter.add.f32 [tilespmem:s15], [sflag:$0x1], $0x20, s26, s13, $0xb8;
	[tilespmem:$0xE400] =	vst v63  }
0x71: {  	_ =	swait.ge [sflag:s11], $0x1000  }
0x72: {  	[sflag:s11] =	ssyncset.done $0x0  }
0x73: {  	s28 =	sadd.s32 $0x180, s24;
	[sflag:s11] =	ssyncadd.s32 $0xFFFFF000  }
0x74: {  	[spmem:s3] =	stream.indirect.scatter.add.f32 [tilespmem:s16], [sflag:$0x1], $0x20, s28, s13, $0xb8;
	[tilespmem:$0xE400] =	vst v63  }
0x75: {  	_ =	swait.ge [sflag:s11], $0x1000  }
0x76: {  	[sflag:s11] =	ssyncset.done $0x0  }
0x77: {  	s29 =	sadd.s32 $0x200, s24;
	[sflag:s11] =	ssyncadd.s32 $0xFFFFF000  }
0x78: {  	[spmem:s3] =	stream.indirect.scatter.add.f32 [tilespmem:s17], [sflag:$0x1], $0x20, s29, s13, $0xb8;
	[tilespmem:$0xE400] =	vst v63  }
0x79: {  	_ =	swait.ge [sflag:s11], $0x1000  }
0x7a: {  	[sflag:s11] =	ssyncset.done $0x0  }
0x7b: {  	s30 =	sadd.s32 $0x280, s24;
	[sflag:s11] =	ssyncadd.s32 $0xFFFFF000  }
0x7c: {  	[spmem:s3] =	stream.indirect.scatter.add.f32 [tilespmem:s18], [sflag:$0x1], $0x20, s30, s13, $0xb8;
	[tilespmem:$0xE400] =	vst v63  }
0x7d: {  	_ =	swait.ge [sflag:s11], $0x1000  }
0x7e: {  	[sflag:s11] =	ssyncset.done $0x0  }
0x7f: {  	s31 =	sadd.s32 $0x300, s24;
	[sflag:s11] =	ssyncadd.s32 $0xFFFFF000  }
0x80: {  	[spmem:s3] =	stream.indirect.scatter.add.f32 [tilespmem:s19], [sflag:$0x1], $0x20, s31, s13, $0xb8;
	[tilespmem:$0xE400] =	vst v63  }
0x81: {  	_ =	swait.ge [sflag:s11], $0x1000  }
0x82: {  	[sflag:s11] =	ssyncset.done $0x0  }
0x83: {  	s22 =	sadd.s32 $0x380, s24;
	[sflag:s11] =	ssyncadd.s32 $0xFFFFF000  }
0x84: {  	[spmem:s3] =	stream.indirect.scatter.add.f32 [tilespmem:s20], [sflag:$0x1], $0x20, s22, s13, $0xb8;
	[tilespmem:$0xE400] =	vst v63  }
0x85: {  	_ =	swait.ge [sflag:s11], $0x1000  }
0x86: {  	s21 =	sadd.s32 $0x1, s21;
	[sflag:s11] =	ssyncset.done $0x0  }
0x87: {  	p0 =	sne.s32 s21, s8;
	[sflag:s11] =	ssyncadd.s32 $0xFFFFF000  }
.Ltmp1:
0x88: {  	[bflag:$0x0] =	sbarrier.arrive $0xFFFF;
	(pc) =	sbr.rel @p0 .LBB2_1-.Ltmp1, $4  }
0x89: {  	[hbm:s7], [sflag:s5] =	dma.local [spmem:s10], $0xA00  }
0x8a: {  	_ =	swait.ge [sflag:s11], $0xA00  }
0x8b: {  	[sflag:s11] =	ssyncset.done $0x0  }
0x8c: {  	[sflag:s11] =	ssyncadd.s32 $0xFFFFF600  }
0x8d: {  	_ =	sfence.sel $0x180000  }
0x8e: {  	[bflag:$0x0] =	sbarrier.arrive $0xFFFF  }
0x8f: {  	p0 =	sne.s32 s0, $0x0;
	_ =	strace $0x90000056  }
0x90: {  	s0 =	sadd.s32 @!p0 $0x100000, s1;
	[bflag:$0x2] =	sbarrier.arrive $0xFFFF  }
0x91: {  	[sflag:s0] =	ssyncadd.tile.s32 @!p0 $0x1;
	_ =	shalt  }
.Lfunc_end2:
_tile_overlayer_lowered:
.L_overlay_start_2:
0x92: {  	(tag) =	ssettag $0x2  }
0x93: {  	s0 =	rddreg [dreg:$0x0];
	s2 =	stileid.u32  }
0x94: {  	s1 =	rddreg [dreg:$0x1];
	p0 =	sne.s32 s2, $0x0  }
0x95: {  	s3 =	rddreg [dreg:$0x2];
	[bflag:$0x3] =	sbarrier.arrive $0xFFFF;
	s2 =	simm.s32 @!p0 $0x1C01  }
0x96: {  	[timem:s3], [sflag:s2] =	dma.local @!p0 [hbm:s0], s1  }
0x97: {  	s0 =	simm.s32 @!p0 $0x1  }
0x98: {  	_ =	swait.ge @!p0 [sflag:s0], s1  }
0x99: {  	s1 =	ssub.s32 @!p0 $0x0, s1;
	[sflag:s0] =	ssyncset.done @!p0 $0x0  }
0x9a: {  	[sflag:s0] =	ssyncadd.s32 @!p0 s1  }
0x9b: {  	[bflag:$0x3] =	sbarrier.arrive $0xFFFF  }
0x9c: {  	_ =	shalt  }

</sc_bundles>
